<compile_context>
chip_gen: v7x
topology: tpu7x:2x2x1
jax: 0.10.2.dev20260603
libtpu: 0.0.44.dev20260713+nightly
codegen_flags: <defaults>
</compile_context>

<pallas_src>
import functools

import jax
import jax.numpy as jnp
from jax import lax
from jax.experimental import pallas as pl
from jax.experimental.pallas import tpu as pltpu
from jax.experimental.pallas import tpu_sc as plsc

N = 10000
E = 320000
D = 128
R = 3

CHUNK = 80
QUADS = E // (4 * CHUNK)
C0Q = 528
PADN = 10112
BM = 1000


def _mm_body(x_ref, w_ref, o_ref):
    o_ref[0] = jnp.dot(x_ref[...], w_ref[0], preferred_element_type=jnp.float32)


def _project(x, Ws):
    return pl.pallas_call(
        _mm_body,
        grid=(R, N // BM),
        in_specs=[
            pl.BlockSpec((BM, D), lambda r, i: (i, 0)),
            pl.BlockSpec((1, D, D), lambda r, i: (r, 0, 0)),
        ],
        out_specs=pl.BlockSpec((1, BM, D), lambda r, i: (r, i, 0)),
        out_shape=jax.ShapeDtypeStruct((R, N, D), jnp.float32),
    )(x, Ws)


def _comb_body(p_ref, o_ref):
    o_ref[...] = jnp.maximum(p_ref[0] + p_ref[1], 0.0)


def _combine(partials):
    return pl.pallas_call(
        _comb_body,
        grid=(N // BM,),
        in_specs=[pl.BlockSpec((2, BM, D), lambda i: (0, i, 0))],
        out_specs=pl.BlockSpec((BM, D), lambda i: (i, 0)),
        out_shape=jax.ShapeDtypeStruct((N, D), jnp.float32),
    )(partials)


_MESH = plsc.VectorSubcoreMesh(core_axis_name="c", subcore_axis_name="s")


@functools.partial(
    pl.kernel,
    out_type=jax.ShapeDtypeStruct((2, PADN, D), jnp.float32),
    mesh=_MESH,
    scratch_types=[
        pltpu.VMEM((CHUNK,), jnp.int32),
        pltpu.VMEM((CHUNK,), jnp.int32),
        pltpu.VMEM((CHUNK,), jnp.int32),
        pltpu.VMEM((CHUNK,), jnp.int32),
        pltpu.VMEM((CHUNK,), jnp.int32),
        pltpu.VMEM((CHUNK,), jnp.int32),
        pltpu.VMEM((CHUNK,), jnp.int32),
        pltpu.VMEM((CHUNK,), jnp.int32),
        pltpu.VMEM((CHUNK, D), jnp.float32),
        pltpu.VMEM((CHUNK, D), jnp.float32),
        pltpu.VMEM((CHUNK, D), jnp.float32),
        pltpu.VMEM((CHUNK, D), jnp.float32),
        pltpu.VMEM_SHARED((PADN, D), jnp.float32),
        pltpu.SemaphoreType.DMA,
        pltpu.SemaphoreType.DMA,
        pltpu.SemaphoreType.DMA,
        pltpu.SemaphoreType.DMA,
        pltpu.SemaphoreType.DMA,
        pltpu.SemaphoreType.DMA,
        pltpu.SemaphoreType.DMA,
        pltpu.SemaphoreType.DMA,
    ],
)
def _sc_edge(e0_hbm, e1_hbm, e2_hbm, h_hbm, z_hbm, out_hbm,
             sv0, sv1, sv2, sv3, dv0, dv1, dv2, dv3,
             rows0, rows1, rows2, rows3, acc,
             g0, g1, g2, g3, i0, i1, i2, i3):
    cid = lax.axis_index("c")
    sid = lax.axis_index("s")

    svs = (sv0, sv1, sv2, sv3)
    dvs = (dv0, dv1, dv2, dv3)
    rows = (rows0, rows1, rows2, rows3)
    gsems = (g0, g1, g2, g3)
    isems = (i0, i1, i2, i3)

    coreq = jnp.where(cid == 0, C0Q, QUADS - C0Q)
    corebase = jnp.where(cid == 0, 0, C0Q)
    q = coreq // 16
    rmd = coreq % 16
    myq = q + (sid < rmd).astype(jnp.int32)
    mystart = corebase + sid * q + jnp.minimum(sid, rmd)
    base_e = mystart * (4 * CHUNK)
    nch = myq * 4

    rows_per_tile = PADN // 16
    pltpu.sync_copy(z_hbm, acc.at[pl.ds(sid * rows_per_tile, rows_per_tile)])
    plsc.subcore_barrier()

    def run_rel(e_hbm, h_hbm):
        def issue_idx(b, j):
            off = base_e + j * CHUNK
            pltpu.async_copy(e_hbm.at[pl.ds(off, CHUNK)], svs[b], isems[b])
            pltpu.async_copy(e_hbm.at[pl.ds(E + off, CHUNK)], dvs[b], isems[b])

        def wait_idx(b):
            pltpu.make_async_copy(e_hbm.at[pl.ds(0, CHUNK)], svs[b], isems[b]).wait()
            pltpu.make_async_copy(e_hbm.at[pl.ds(0, CHUNK)], dvs[b], isems[b]).wait()

        def issue_gather(rb, b):
            pltpu.async_copy(h_hbm.at[svs[b]], rows[rb], gsems[rb])

        def wait_gather(rb, b):
            pltpu.make_async_copy(h_hbm.at[svs[b]], rows[rb], gsems[rb]).wait()

        for b in range(4):
            issue_idx(b, b)
        for b in range(3):
            wait_idx(b)
            issue_gather(b, b)

        def outer(g, _):
            for b4 in range(4):
                j = g * 4 + b4
                b3 = (b4 + 3) % 4
                wait_gather(b4, b4)
                pltpu.sync_copy(rows[b4], acc.at[dvs[b4]], add=True)

                @pl.when(j + 3 < nch)
                def _():
                    wait_idx(b3)
                    issue_gather(b3, b3)

                @pl.when(j + 4 < nch)
                def _():
                    issue_idx(b4, j + 4)

            return 0

        lax.fori_loop(0, myq, outer, 0)

    run_rel(e0_hbm, h_hbm.at[0])
    run_rel(e1_hbm, h_hbm.at[1])
    run_rel(e2_hbm, h_hbm.at[2])

    plsc.subcore_barrier()
    pltpu.sync_copy(
        acc.at[pl.ds(sid * rows_per_tile, rows_per_tile)],
        out_hbm.at[cid, pl.ds(sid * rows_per_tile, rows_per_tile), :],
    )


def kernel(x, edge_index_rel0, edge_index_rel1, edge_index_rel2,
           W_rel0, W_rel1, W_rel2):
    h = _project(x, jnp.stack([W_rel0, W_rel1, W_rel2]))
    zrows = jnp.zeros((PADN // 16, D), jnp.float32)
    partials = _sc_edge(edge_index_rel0.reshape(-1), edge_index_rel1.reshape(-1),
                        edge_index_rel2.reshape(-1), h, zrows)
    return _combine(partials)

# --- scband reference (transcript-rebuilt; emitter-appended) ---
"""Pipeline reference for scband-rel-graph-conv-layer-62414464745626 (READ-ONLY COPY).

The authoritative reference and input builder live on the scoring server;
editing this copy changes nothing except your own understanding.
"""

import jax, jax.numpy as jnp
import numpy as np

N = 10000
E = 320000
D_IN = 128
D_OUT = 128
RELS = ["rel0", "rel1", "rel2"]


def _xavier_uniform(key, fan_in, fan_out, gain):
    a = gain * np.sqrt(6.0 / (fan_in + fan_out))
    return jax.random.uniform(key, (fan_in, fan_out), dtype=jnp.float32, minval=-a, maxval=a)


def setup_inputs(seed: int = 0) -> dict:
    key = jax.random.key(seed)
    ks = jax.random.split(key, 8)
    gain = np.sqrt(2.0)  # calculate_gain('relu')
    x = jax.random.normal(ks[0], (N, D_IN), dtype=jnp.float32)
    edge_index_rel0 = jax.random.randint(ks[1], (2, E), 0, N, dtype=jnp.int32)
    edge_index_rel1 = jax.random.randint(ks[2], (2, E), 0, N, dtype=jnp.int32)
    edge_index_rel2 = jax.random.randint(ks[3], (2, E), 0, N, dtype=jnp.int32)
    W_rel0 = _xavier_uniform(ks[4], D_IN, D_OUT, gain)
    W_rel1 = _xavier_uniform(ks[5], D_IN, D_OUT, gain)
    W_rel2 = _xavier_uniform(ks[6], D_IN, D_OUT, gain)
    return {
        "x": x,
        "edge_index_rel0": edge_index_rel0,
        "edge_index_rel1": edge_index_rel1,
        "edge_index_rel2": edge_index_rel2,
        "W_rel0": W_rel0,
        "W_rel1": W_rel1,
        "W_rel2": W_rel2,
    }


def reference(x, edge_index_rel0, edge_index_rel1, edge_index_rel2, W_rel0, W_rel1, W_rel2):
    # Single node type; three relations. Each relation contributes A_rel @ (x @ W_rel),
    # where A_rel @ h is realized as a scatter-add over edges (unweighted adjacency).
    out = jnp.zeros((N, D_OUT), dtype=x.dtype)
    for ei, W in ((edge_index_rel0, W_rel0), (edge_index_rel1, W_rel1), (edge_index_rel2, W_rel2)):
        h = x @ W                      # dense projection per relation
        src = ei[0]
        dst = ei[1]
        msgs = jnp.take(h, src, axis=0)  # gather source features
        out = out + jax.ops.segment_sum(msgs, dst, num_segments=N)  # scatter-add to dst
    return jax.nn.relu(out)

if __name__ == "__main__":
    import jax
    _d = setup_inputs()
    print(jax.jit(kernel)(*tuple(_d.values())))

</pallas_src>

<mosaic_0001>
#map = affine_map<(d0, d1) -> (0)>
#map1 = affine_map<(d0, d1) -> (0, 0, 0)>
#map2 = affine_map<(d0, d1) -> (0, 0)>
module attributes {stable_mosaic.version = 14 : i64} {
  func.func @_sc_edge(%arg0: i32, %arg1: i32, %arg2: memref<640000xi32, #tpu.memory_space<hbm>>, %arg3: memref<640000xi32, #tpu.memory_space<hbm>>, %arg4: memref<640000xi32, #tpu.memory_space<hbm>>, %arg5: memref<3x10000x128xf32, #tpu.memory_space<hbm>>, %arg6: memref<632x128xf32, #tpu.memory_space<hbm>>, %arg7: memref<2x10112x128xf32, #tpu.memory_space<hbm>>, %arg8: memref<80xi32, #tpu.memory_space<vmem>>, %arg9: memref<80xi32, #tpu.memory_space<vmem>>, %arg10: memref<80xi32, #tpu.memory_space<vmem>>, %arg11: memref<80xi32, #tpu.memory_space<vmem>>, %arg12: memref<80xi32, #tpu.memory_space<vmem>>, %arg13: memref<80xi32, #tpu.memory_space<vmem>>, %arg14: memref<80xi32, #tpu.memory_space<vmem>>, %arg15: memref<80xi32, #tpu.memory_space<vmem>>, %arg16: memref<80x128xf32, #tpu.memory_space<vmem>>, %arg17: memref<80x128xf32, #tpu.memory_space<vmem>>, %arg18: memref<80x128xf32, #tpu.memory_space<vmem>>, %arg19: memref<80x128xf32, #tpu.memory_space<vmem>>, %arg20: memref<10112x128xf32, #tpu.memory_space<vmem_shared>>, %arg21: memref<!tpu.dma_semaphore, #tpu.memory_space<semaphore_mem>>, %arg22: memref<!tpu.dma_semaphore, #tpu.memory_space<semaphore_mem>>, %arg23: memref<!tpu.dma_semaphore, #tpu.memory_space<semaphore_mem>>, %arg24: memref<!tpu.dma_semaphore, #tpu.memory_space<semaphore_mem>>, %arg25: memref<!tpu.dma_semaphore, #tpu.memory_space<semaphore_mem>>, %arg26: memref<!tpu.dma_semaphore, #tpu.memory_space<semaphore_mem>>, %arg27: memref<!tpu.dma_semaphore, #tpu.memory_space<semaphore_mem>>, %arg28: memref<!tpu.dma_semaphore, #tpu.memory_space<semaphore_mem>>) attributes {dimension_semantics = [#tpu.dimension_semantics<core_parallel>, #tpu.dimension_semantics<subcore_parallel>], iteration_bounds = array<i64: 2, 16>, scalar_prefetch = 0 : i64, scratch_operands = 21 : i64, tpu.core_type = #tpu.core_type<sc_vector_subcore>, window_params = [{transform_indices = #map}, {transform_indices = #map}, {transform_indices = #map}, {transform_indices = #map1}, {transform_indices = #map2}, {transform_indices = #map1}]} {
    %eq3A = arith.constant 0 : i32
    %eq3A_0 = arith.cmpi eq, %arg0, %eq3A : i32
    %jit3A = arith.constant 528 : i32
    %jit3A_1 = arith.constant 472 : i32
    %select_n3A = arith.select %eq3A_0, %jit3A, %jit3A_1 : i32
    %eq3A_2 = arith.constant 0 : i32
    %eq3A_3 = arith.cmpi eq, %arg0, %eq3A_2 : i32
    %jit3A_4 = arith.constant 0 : i32
    %jit3A_5 = arith.constant 528 : i32
    %select_n3A_6 = arith.select %eq3A_3, %jit3A_4, %jit3A_5 : i32
    %jit3A_7 = arith.constant 16 : i32
    %div3A = arith.divsi %select_n3A, %jit3A_7 : i32
    %sign3A = arith.constant 0 : i32
    %sign3A_8 = arith.cmpi sgt, %select_n3A, %sign3A : i32
    %sign3A_9 = arith.extui %sign3A_8 : i1 to i32
    %sign3A_10 = arith.constant 0 : i32
    %sign3A_11 = arith.cmpi slt, %select_n3A, %sign3A_10 : i32
    %sign3A_12 = arith.extui %sign3A_11 : i1 to i32
    %sign3A_13 = arith.subi %sign3A_9, %sign3A_12 : i32
    %sign3A_14 = arith.constant 0 : i32
    %sign3A_15 = arith.cmpi sgt, %jit3A_7, %sign3A_14 : i32
    %sign3A_16 = arith.extui %sign3A_15 : i1 to i32
    %sign3A_17 = arith.constant 0 : i32
    %sign3A_18 = arith.cmpi slt, %jit3A_7, %sign3A_17 : i32
    %sign3A_19 = arith.extui %sign3A_18 : i1 to i32
    %sign3A_20 = arith.subi %sign3A_16, %sign3A_19 : i32
    %ne3A = arith.cmpi ne, %sign3A_13, %sign3A_20 : i32
    %rem3A = arith.remsi %select_n3A, %jit3A_7 : i32
    %ne3A_21 = arith.constant 0 : i32
    %ne3A_22 = arith.cmpi ne, %rem3A, %ne3A_21 : i32
    %and3A = arith.andi %ne3A, %ne3A_22 : i1
    %sub3A = arith.constant 1 : i32
    %sub3A_23 = arith.subi %div3A, %sub3A : i32
    %select_n3A_24 = arith.select %and3A, %sub3A_23, %div3A : i32
    %jit3A_25 = arith.constant 16 : i32
    %eq3A_26 = arith.constant 0 : i32
    %eq3A_27 = arith.cmpi eq, %jit3A_25, %eq3A_26 : i32
    %jit3A_28 = arith.constant 1 : i32
    %select_n3A_29 = arith.select %eq3A_27, %jit3A_28, %jit3A_25 : i32
    %rem3A_30 = arith.remsi %select_n3A, %select_n3A_29 : i32
    %ne3A_31 = arith.constant 0 : i32
    %ne3A_32 = arith.cmpi ne, %rem3A_30, %ne3A_31 : i32
    %lt3A = arith.constant 0 : i32
    %lt3A_33 = arith.cmpi slt, %rem3A_30, %lt3A : i32
    %lt3A_34 = arith.constant 0 : i32
    %lt3A_35 = arith.cmpi slt, %select_n3A_29, %lt3A_34 : i32
    %ne3A_36 = arith.xori %lt3A_33, %lt3A_35 : i1
    %and3A_37 = arith.andi %ne3A_36, %ne3A_32 : i1
    %add3A = arith.addi %rem3A_30, %select_n3A_29 : i32
    %select_n3A_38 = arith.select %and3A_37, %add3A, %rem3A_30 : i32
    %lt3A_39 = arith.cmpi slt, %arg1, %select_n3A_38 : i32
    %convert_element_type3A = arith.extui %lt3A_39 : i1 to i32
    %add3A_40 = arith.addi %select_n3A_24, %convert_element_type3A : i32
    %mul3A = arith.muli %arg1, %select_n3A_24 : i32
    %add3A_41 = arith.addi %select_n3A_6, %mul3A : i32
    %min3A = arith.minsi %arg1, %select_n3A_38 : i32
    %add3A_42 = arith.addi %add3A_41, %min3A : i32
    %mul3A_43 = arith.constant 320 : i32
    %mul3A_44 = arith.muli %add3A_42, %mul3A_43 : i32
    %mul3A_45 = arith.constant 4 : i32
    %mul3A_46 = arith.muli %add3A_40, %mul3A_45 : i32
    %mul3A_47 = arith.constant 632 : i32
    %mul3A_48 = arith.muli %arg1, %mul3A_47 : i32
    "tpu.region"() ({
      %run_scoped3A = tpu.sem_alloc : memref<!tpu.dma_semaphore, #tpu.memory_space<semaphore_mem>>
      %dma_start3A_330 = arith.constant 0 : i32
      %dma_start3A_331 = tpu.memref_slice %arg20[%mul3A_48, %dma_start3A_330] : memref<10112x128xf32, #tpu.memory_space<vmem_shared>> -> memref<632x128xf32, #tpu.memory_space<vmem_shared>>
      tpu.enqueue_dma source(%arg6 : memref<632x128xf32, #tpu.memory_space<hbm>>) target(%dma_start3A_331 : memref<632x128xf32, #tpu.memory_space<vmem_shared>>) target_semaphore(%run_scoped3A : memref<!tpu.dma_semaphore, #tpu.memory_space<semaphore_mem>>)
      %dma_wait3A_332 = arith.constant 0 : i32
      %dma_wait3A_333 = tpu.memref_slice %arg20[%mul3A_48, %dma_wait3A_332] : memref<10112x128xf32, #tpu.memory_space<vmem_shared>> -> memref<632x128xf32, #tpu.memory_space<vmem_shared>>
      tpu.wait_dma2 semaphore(%run_scoped3A : memref<!tpu.dma_semaphore, #tpu.memory_space<semaphore_mem>>) src(%arg6 : memref<632x128xf32, #tpu.memory_space<hbm>>) dst(%dma_wait3A_333 : memref<632x128xf32, #tpu.memory_space<vmem_shared>>)
      tpu.yield
    }) : () -> ()
    %barrier3A = arith.constant 0 : index
    tpu.barrier barrier_id(%barrier3A)
    %add3A_49 = arith.constant 0 : i32
    %add3A_50 = arith.addi %mul3A_44, %add3A_49 : i32
    %dma_start3A = tpu.memref_slice %arg2[%add3A_50] : memref<640000xi32, #tpu.memory_space<hbm>> -> memref<80xi32, #tpu.memory_space<hbm>>
    %dma_start3A_51 = tpu.memref_slice %arg2[%add3A_50] : memref<640000xi32, #tpu.memory_space<hbm>> -> memref<80xi32, #tpu.memory_space<hbm>>
    tpu.enqueue_dma source(%dma_start3A_51 : memref<80xi32, #tpu.memory_space<hbm>>) target(%arg8 : memref<80xi32, #tpu.memory_space<vmem>>) target_semaphore(%arg25 : memref<!tpu.dma_semaphore, #tpu.memory_space<semaphore_mem>>)
    %add3A_52 = arith.constant 320000 : i32
    %add3A_53 = arith.addi %add3A_52, %add3A_50 : i32
    %dma_start3A_54 = tpu.memref_slice %arg2[%add3A_53] : memref<640000xi32, #tpu.memory_space<hbm>> -> memref<80xi32, #tpu.memory_space<hbm>>
    %dma_start3A_55 = tpu.memref_slice %arg2[%add3A_53] : memref<640000xi32, #tpu.memory_space<hbm>> -> memref<80xi32, #tpu.memory_space<hbm>>
    tpu.enqueue_dma source(%dma_start3A_55 : memref<80xi32, #tpu.memory_space<hbm>>) target(%arg12 : memref<80xi32, #tpu.memory_space<vmem>>) target_semaphore(%arg25 : memref<!tpu.dma_semaphore, #tpu.memory_space<semaphore_mem>>)
    %add3A_56 = arith.constant 80 : i32
    %add3A_57 = arith.addi %mul3A_44, %add3A_56 : i32
    %dma_start3A_58 = tpu.memref_slice %arg2[%add3A_57] : memref<640000xi32, #tpu.memory_space<hbm>> -> memref<80xi32, #tpu.memory_space<hbm>>
    %dma_start3A_59 = tpu.memref_slice %arg2[%add3A_57] : memref<640000xi32, #tpu.memory_space<hbm>> -> memref<80xi32, #tpu.memory_space<hbm>>
    tpu.enqueue_dma source(%dma_start3A_59 : memref<80xi32, #tpu.memory_space<hbm>>) target(%arg9 : memref<80xi32, #tpu.memory_space<vmem>>) target_semaphore(%arg26 : memref<!tpu.dma_semaphore, #tpu.memory_space<semaphore_mem>>)
    %add3A_60 = arith.constant 320000 : i32
    %add3A_61 = arith.addi %add3A_60, %add3A_57 : i32
    %dma_start3A_62 = tpu.memref_slice %arg2[%add3A_61] : memref<640000xi32, #tpu.memory_space<hbm>> -> memref<80xi32, #tpu.memory_space<hbm>>
    %dma_start3A_63 = tpu.memref_slice %arg2[%add3A_61] : memref<640000xi32, #tpu.memory_space<hbm>> -> memref<80xi32, #tpu.memory_space<hbm>>
    tpu.enqueue_dma source(%dma_start3A_63 : memref<80xi32, #tpu.memory_space<hbm>>) target(%arg13 : memref<80xi32, #tpu.memory_space<vmem>>) target_semaphore(%arg26 : memref<!tpu.dma_semaphore, #tpu.memory_space<semaphore_mem>>)
    %add3A_64 = arith.constant 160 : i32
    %add3A_65 = arith.addi %mul3A_44, %add3A_64 : i32
    %dma_start3A_66 = tpu.memref_slice %arg2[%add3A_65] : memref<640000xi32, #tpu.memory_space<hbm>> -> memref<80xi32, #tpu.memory_space<hbm>>
    %dma_start3A_67 = tpu.memref_slice %arg2[%add3A_65] : memref<640000xi32, #tpu.memory_space<hbm>> -> memref<80xi32, #tpu.memory_space<hbm>>
    tpu.enqueue_dma source(%dma_start3A_67 : memref<80xi32, #tpu.memory_space<hbm>>) target(%arg10 : memref<80xi32, #tpu.memory_space<vmem>>) target_semaphore(%arg27 : memref<!tpu.dma_semaphore, #tpu.memory_space<semaphore_mem>>)
    %add3A_68 = arith.constant 320000 : i32
    %add3A_69 = arith.addi %add3A_68, %add3A_65 : i32
    %dma_start3A_70 = tpu.memref_slice %arg2[%add3A_69] : memref<640000xi32, #tpu.memory_space<hbm>> -> memref<80xi32, #tpu.memory_space<hbm>>
    %dma_start3A_71 = tpu.memref_slice %arg2[%add3A_69] : memref<640000xi32, #tpu.memory_space<hbm>> -> memref<80xi32, #tpu.memory_space<hbm>>
    tpu.enqueue_dma source(%dma_start3A_71 : memref<80xi32, #tpu.memory_space<hbm>>) target(%arg14 : memref<80xi32, #tpu.memory_space<vmem>>) target_semaphore(%arg27 : memref<!tpu.dma_semaphore, #tpu.memory_space<semaphore_mem>>)
    %add3A_72 = arith.constant 240 : i32
    %add3A_73 = arith.addi %mul3A_44, %add3A_72 : i32
    %dma_start3A_74 = tpu.memref_slice %arg2[%add3A_73] : memref<640000xi32, #tpu.memory_space<hbm>> -> memref<80xi32, #tpu.memory_space<hbm>>
    %dma_start3A_75 = tpu.memref_slice %arg2[%add3A_73] : memref<640000xi32, #tpu.memory_space<hbm>> -> memref<80xi32, #tpu.memory_space<hbm>>
    tpu.enqueue_dma source(%dma_start3A_75 : memref<80xi32, #tpu.memory_space<hbm>>) target(%arg11 : memref<80xi32, #tpu.memory_space<vmem>>) target_semaphore(%arg28 : memref<!tpu.dma_semaphore, #tpu.memory_space<semaphore_mem>>)
    %add3A_76 = arith.constant 320000 : i32
    %add3A_77 = arith.addi %add3A_76, %add3A_73 : i32
    %dma_start3A_78 = tpu.memref_slice %arg2[%add3A_77] : memref<640000xi32, #tpu.memory_space<hbm>> -> memref<80xi32, #tpu.memory_space<hbm>>
    %dma_start3A_79 = tpu.memref_slice %arg2[%add3A_77] : memref<640000xi32, #tpu.memory_space<hbm>> -> memref<80xi32, #tpu.memory_space<hbm>>
    tpu.enqueue_dma source(%dma_start3A_79 : memref<80xi32, #tpu.memory_space<hbm>>) target(%arg15 : memref<80xi32, #tpu.memory_space<vmem>>) target_semaphore(%arg28 : memref<!tpu.dma_semaphore, #tpu.memory_space<semaphore_mem>>)
    %dma_wait3A = arith.constant 0 : i32
    %dma_wait3A_80 = tpu.memref_slice %arg2[%dma_wait3A] : memref<640000xi32, #tpu.memory_space<hbm>> -> memref<80xi32, #tpu.memory_space<hbm>>
    %dma_wait3A_81 = arith.constant 0 : i32
    %dma_wait3A_82 = tpu.memref_slice %arg2[%dma_wait3A_81] : memref<640000xi32, #tpu.memory_space<hbm>> -> memref<80xi32, #tpu.memory_space<hbm>>
    tpu.wait_dma2 semaphore(%arg25 : memref<!tpu.dma_semaphore, #tpu.memory_space<semaphore_mem>>) src(%dma_wait3A_82 : memref<80xi32, #tpu.memory_space<hbm>>) dst(%arg8 : memref<80xi32, #tpu.memory_space<vmem>>)
    %dma_wait3A_83 = arith.constant 0 : i32
    %dma_wait3A_84 = tpu.memref_slice %arg2[%dma_wait3A_83] : memref<640000xi32, #tpu.memory_space<hbm>> -> memref<80xi32, #tpu.memory_space<hbm>>
    %dma_wait3A_85 = arith.constant 0 : i32
    %dma_wait3A_86 = tpu.memref_slice %arg2[%dma_wait3A_85] : memref<640000xi32, #tpu.memory_space<hbm>> -> memref<80xi32, #tpu.memory_space<hbm>>
    tpu.wait_dma2 semaphore(%arg25 : memref<!tpu.dma_semaphore, #tpu.memory_space<semaphore_mem>>) src(%dma_wait3A_86 : memref<80xi32, #tpu.memory_space<hbm>>) dst(%arg12 : memref<80xi32, #tpu.memory_space<vmem>>)
    %dma_start3A_87 = arith.constant 0 : i32
    %dma_start3A_88 = arith.constant 0 : i32
    %dma_start3A_89 = arith.constant 0 : i32
    %dma_start3A_90 = tpu.memref_slice %arg5[%dma_start3A_87, %dma_start3A_88, %dma_start3A_89] : memref<3x10000x128xf32, #tpu.memory_space<hbm>> -> memref<1x10000x128xf32, #tpu.memory_space<hbm>>
    %dma_start3A_91 = tpu.memref_squeeze %dma_start3A_90 : memref<1x10000x128xf32, #tpu.memory_space<hbm>> -> memref<10000x128xf32, #tpu.memory_space<hbm>>
    %dma_start3A_92 = arith.constant 0 : i32
    %dma_start3A_93 = arith.constant 0 : i32
    %dma_start3A_94 = tpu.memref_slice %dma_start3A_91[%dma_start3A_92, %dma_start3A_93] : memref<10000x128xf32, #tpu.memory_space<hbm>> -> memref<10000x128xf32, #tpu.memory_space<hbm>>
    tpu.enqueue_indirect_dma source(%dma_start3A_94 : memref<10000x128xf32, #tpu.memory_space<hbm>>) target(%arg16 : memref<80x128xf32, #tpu.memory_space<vmem>>) offsets(%arg8 : memref<80xi32, #tpu.memory_space<vmem>>) semaphore(%arg21 : memref<!tpu.dma_semaphore, #tpu.memory_space<semaphore_mem>>)
    %dma_wait3A_95 = arith.constant 0 : i32
    %dma_wait3A_96 = tpu.memref_slice %arg2[%dma_wait3A_95] : memref<640000xi32, #tpu.memory_space<hbm>> -> memref<80xi32, #tpu.memory_space<hbm>>
    %dma_wait3A_97 = arith.constant 0 : i32
    %dma_wait3A_98 = tpu.memref_slice %arg2[%dma_wait3A_97] : memref<640000xi32, #tpu.memory_space<hbm>> -> memref<80xi32, #tpu.memory_space<hbm>>
    tpu.wait_dma2 semaphore(%arg26 : memref<!tpu.dma_semaphore, #tpu.memory_space<semaphore_mem>>) src(%dma_wait3A_98 : memref<80xi32, #tpu.memory_space<hbm>>) dst(%arg9 : memref<80xi32, #tpu.memory_space<vmem>>)
    %dma_wait3A_99 = arith.constant 0 : i32
    %dma_wait3A_100 = tpu.memref_slice %arg2[%dma_wait3A_99] : memref<640000xi32, #tpu.memory_space<hbm>> -> memref<80xi32, #tpu.memory_space<hbm>>
    %dma_wait3A_101 = arith.constant 0 : i32
    %dma_wait3A_102 = tpu.memref_slice %arg2[%dma_wait3A_101] : memref<640000xi32, #tpu.memory_space<hbm>> -> memref<80xi32, #tpu.memory_space<hbm>>
    tpu.wait_dma2 semaphore(%arg26 : memref<!tpu.dma_semaphore, #tpu.memory_space<semaphore_mem>>) src(%dma_wait3A_102 : memref<80xi32, #tpu.memory_space<hbm>>) dst(%arg13 : memref<80xi32, #tpu.memory_space<vmem>>)
    %dma_start3A_103 = arith.constant 0 : i32
    %dma_start3A_104 = arith.constant 0 : i32
    %dma_start3A_105 = arith.constant 0 : i32
    %dma_start3A_106 = tpu.memref_slice %arg5[%dma_start3A_103, %dma_start3A_104, %dma_start3A_105] : memref<3x10000x128xf32, #tpu.memory_space<hbm>> -> memref<1x10000x128xf32, #tpu.memory_space<hbm>>
    %dma_start3A_107 = tpu.memref_squeeze %dma_start3A_106 : memref<1x10000x128xf32, #tpu.memory_space<hbm>> -> memref<10000x128xf32, #tpu.memory_space<hbm>>
    %dma_start3A_108 = arith.constant 0 : i32
    %dma_start3A_109 = arith.constant 0 : i32
    %dma_start3A_110 = tpu.memref_slice %dma_start3A_107[%dma_start3A_108, %dma_start3A_109] : memref<10000x128xf32, #tpu.memory_space<hbm>> -> memref<10000x128xf32, #tpu.memory_space<hbm>>
    tpu.enqueue_indirect_dma source(%dma_start3A_110 : memref<10000x128xf32, #tpu.memory_space<hbm>>) target(%arg17 : memref<80x128xf32, #tpu.memory_space<vmem>>) offsets(%arg9 : memref<80xi32, #tpu.memory_space<vmem>>) semaphore(%arg22 : memref<!tpu.dma_semaphore, #tpu.memory_space<semaphore_mem>>)
    %dma_wait3A_111 = arith.constant 0 : i32
    %dma_wait3A_112 = tpu.memref_slice %arg2[%dma_wait3A_111] : memref<640000xi32, #tpu.memory_space<hbm>> -> memref<80xi32, #tpu.memory_space<hbm>>
    %dma_wait3A_113 = arith.constant 0 : i32
    %dma_wait3A_114 = tpu.memref_slice %arg2[%dma_wait3A_113] : memref<640000xi32, #tpu.memory_space<hbm>> -> memref<80xi32, #tpu.memory_space<hbm>>
    tpu.wait_dma2 semaphore(%arg27 : memref<!tpu.dma_semaphore, #tpu.memory_space<semaphore_mem>>) src(%dma_wait3A_114 : memref<80xi32, #tpu.memory_space<hbm>>) dst(%arg10 : memref<80xi32, #tpu.memory_space<vmem>>)
    %dma_wait3A_115 = arith.constant 0 : i32
    %dma_wait3A_116 = tpu.memref_slice %arg2[%dma_wait3A_115] : memref<640000xi32, #tpu.memory_space<hbm>> -> memref<80xi32, #tpu.memory_space<hbm>>
    %dma_wait3A_117 = arith.constant 0 : i32
    %dma_wait3A_118 = tpu.memref_slice %arg2[%dma_wait3A_117] : memref<640000xi32, #tpu.memory_space<hbm>> -> memref<80xi32, #tpu.memory_space<hbm>>
    tpu.wait_dma2 semaphore(%arg27 : memref<!tpu.dma_semaphore, #tpu.memory_space<semaphore_mem>>) src(%dma_wait3A_118 : memref<80xi32, #tpu.memory_space<hbm>>) dst(%arg14 : memref<80xi32, #tpu.memory_space<vmem>>)
    %dma_start3A_119 = arith.constant 0 : i32
    %dma_start3A_120 = arith.constant 0 : i32
    %dma_start3A_121 = arith.constant 0 : i32
    %dma_start3A_122 = tpu.memref_slice %arg5[%dma_start3A_119, %dma_start3A_120, %dma_start3A_121] : memref<3x10000x128xf32, #tpu.memory_space<hbm>> -> memref<1x10000x128xf32, #tpu.memory_space<hbm>>
    %dma_start3A_123 = tpu.memref_squeeze %dma_start3A_122 : memref<1x10000x128xf32, #tpu.memory_space<hbm>> -> memref<10000x128xf32, #tpu.memory_space<hbm>>
    %dma_start3A_124 = arith.constant 0 : i32
    %dma_start3A_125 = arith.constant 0 : i32
    %dma_start3A_126 = tpu.memref_slice %dma_start3A_123[%dma_start3A_124, %dma_start3A_125] : memref<10000x128xf32, #tpu.memory_space<hbm>> -> memref<10000x128xf32, #tpu.memory_space<hbm>>
    tpu.enqueue_indirect_dma source(%dma_start3A_126 : memref<10000x128xf32, #tpu.memory_space<hbm>>) target(%arg18 : memref<80x128xf32, #tpu.memory_space<vmem>>) offsets(%arg10 : memref<80xi32, #tpu.memory_space<vmem>>) semaphore(%arg23 : memref<!tpu.dma_semaphore, #tpu.memory_space<semaphore_mem>>)
    %while3A = arith.constant 0 : i32
    %while3A_127 = arith.constant 0 : i32
    %while3A_128 = arith.constant 0 : i32
    %while3A_129 = arith.subi %add3A_40, %while3A_127 : i32
    %while3A_130 = arith.addi %while3A_127, %while3A_129 : i32
    %while3A_131 = arith.constant 1 : i32
    %while3A_132 = arith.divsi %while3A_129, %while3A_131 : i32
    %while3A_133 = arith.muli %while3A_132, %while3A_131 : i32
    %while3A_134 = arith.addi %while3A_127, %while3A_133 : i32
    %while3A_135 = arith.constant 1 : i32
    %while3A_136 = scf.for %while3A_330 = %while3A_127 to %while3A_134 step %while3A_135 iter_args(%while3A_331 = %while3A_128) -> (i32)  : i32 {
      %mul3A_332 = arith.constant 4 : i32
      %mul3A_333 = arith.muli %while3A_330, %mul3A_332 : i32
      %add3A_334 = arith.constant 0 : i32
      %add3A_335 = arith.addi %mul3A_333, %add3A_334 : i32
      %dma_wait3A_336 = arith.constant 0 : i32
      %dma_wait3A_337 = arith.constant 0 : i32
      %dma_wait3A_338 = tpu.memref_slice %arg5[%while3A, %dma_wait3A_336, %dma_wait3A_337] : memref<3x10000x128xf32, #tpu.memory_space<hbm>> -> memref<1x10000x128xf32, #tpu.memory_space<hbm>>
      %dma_wait3A_339 = tpu.memref_squeeze %dma_wait3A_338 : memref<1x10000x128xf32, #tpu.memory_space<hbm>> -> memref<10000x128xf32, #tpu.memory_space<hbm>>
      %dma_wait3A_340 = arith.constant 0 : i32
      %dma_wait3A_341 = arith.constant 0 : i32
      %dma_wait3A_342 = tpu.memref_slice %dma_wait3A_339[%dma_wait3A_340, %dma_wait3A_341] : memref<10000x128xf32, #tpu.memory_space<hbm>> -> memref<10000x128xf32, #tpu.memory_space<hbm>>
      tpu.wait_indirect_dma semaphore(%arg21 : memref<!tpu.dma_semaphore, #tpu.memory_space<semaphore_mem>>) src(%dma_wait3A_342 : memref<10000x128xf32, #tpu.memory_space<hbm>>) dst(%arg16 : memref<80x128xf32, #tpu.memory_space<vmem>>)
      "tpu.region"() ({
        %run_scoped3A = tpu.sem_alloc : memref<!tpu.dma_semaphore, #tpu.memory_space<semaphore_mem>>
        %dma_start3A_424 = arith.constant 0 : i32
        %dma_start3A_425 = arith.constant 0 : i32
        %dma_start3A_426 = tpu.memref_slice %arg20[%dma_start3A_424, %dma_start3A_425] : memref<10112x128xf32, #tpu.memory_space<vmem_shared>> -> memref<10112x128xf32, #tpu.memory_space<vmem_shared>>
        tpu.enqueue_indirect_dma source(%arg16 : memref<80x128xf32, #tpu.memory_space<vmem>>) target(%dma_start3A_426 : memref<10112x128xf32, #tpu.memory_space<vmem_shared>>) offsets(%arg12 : memref<80xi32, #tpu.memory_space<vmem>>) semaphore(%run_scoped3A : memref<!tpu.dma_semaphore, #tpu.memory_space<semaphore_mem>>) {add = true}
        %dma_wait3A_427 = arith.constant 0 : i32
        %dma_wait3A_428 = arith.constant 0 : i32
        %dma_wait3A_429 = tpu.memref_slice %arg20[%dma_wait3A_427, %dma_wait3A_428] : memref<10112x128xf32, #tpu.memory_space<vmem_shared>> -> memref<10112x128xf32, #tpu.memory_space<vmem_shared>>
        tpu.wait_indirect_dma semaphore(%run_scoped3A : memref<!tpu.dma_semaphore, #tpu.memory_space<semaphore_mem>>) src(%arg16 : memref<80x128xf32, #tpu.memory_space<vmem>>) dst(%dma_wait3A_429 : memref<10112x128xf32, #tpu.memory_space<vmem_shared>>)
        tpu.yield
      }) : () -> ()
      %add3A_343 = arith.constant 3 : i32
      %add3A_344 = arith.addi %add3A_335, %add3A_343 : i32
      %lt3A_345 = arith.cmpi slt, %add3A_344, %mul3A_46 : i32
      %convert_element_type3A_346 = arith.extui %lt3A_345 : i1 to i32
      %cond3A = arith.constant 0 : i32
      %cond3A_347 = arith.cmpi ne, %convert_element_type3A_346, %cond3A : i32
      scf.if %cond3A_347 {
        %dma_wait3A_424 = arith.constant 0 : i32
        %dma_wait3A_425 = tpu.memref_slice %arg2[%dma_wait3A_424] : memref<640000xi32, #tpu.memory_space<hbm>> -> memref<80xi32, #tpu.memory_space<hbm>>
        %dma_wait3A_426 = arith.constant 0 : i32
        %dma_wait3A_427 = tpu.memref_slice %arg2[%dma_wait3A_426] : memref<640000xi32, #tpu.memory_space<hbm>> -> memref<80xi32, #tpu.memory_space<hbm>>
        tpu.wait_dma2 semaphore(%arg28 : memref<!tpu.dma_semaphore, #tpu.memory_space<semaphore_mem>>) src(%dma_wait3A_427 : memref<80xi32, #tpu.memory_space<hbm>>) dst(%arg11 : memref<80xi32, #tpu.memory_space<vmem>>)
        %dma_wait3A_428 = arith.constant 0 : i32
        %dma_wait3A_429 = tpu.memref_slice %arg2[%dma_wait3A_428] : memref<640000xi32, #tpu.memory_space<hbm>> -> memref<80xi32, #tpu.memory_space<hbm>>
        %dma_wait3A_430 = arith.constant 0 : i32
        %dma_wait3A_431 = tpu.memref_slice %arg2[%dma_wait3A_430] : memref<640000xi32, #tpu.memory_space<hbm>> -> memref<80xi32, #tpu.memory_space<hbm>>
        tpu.wait_dma2 semaphore(%arg28 : memref<!tpu.dma_semaphore, #tpu.memory_space<semaphore_mem>>) src(%dma_wait3A_431 : memref<80xi32, #tpu.memory_space<hbm>>) dst(%arg15 : memref<80xi32, #tpu.memory_space<vmem>>)
        %dma_start3A_432 = arith.constant 0 : i32
        %dma_start3A_433 = arith.constant 0 : i32
        %dma_start3A_434 = tpu.memref_slice %arg5[%while3A, %dma_start3A_432, %dma_start3A_433] : memref<3x10000x128xf32, #tpu.memory_space<hbm>> -> memref<1x10000x128xf32, #tpu.memory_space<hbm>>
        %dma_start3A_435 = tpu.memref_squeeze %dma_start3A_434 : memref<1x10000x128xf32, #tpu.memory_space<hbm>> -> memref<10000x128xf32, #tpu.memory_space<hbm>>
        %dma_start3A_436 = arith.constant 0 : i32
        %dma_start3A_437 = arith.constant 0 : i32
        %dma_start3A_438 = tpu.memref_slice %dma_start3A_435[%dma_start3A_436, %dma_start3A_437] : memref<10000x128xf32, #tpu.memory_space<hbm>> -> memref<10000x128xf32, #tpu.memory_space<hbm>>
        tpu.enqueue_indirect_dma source(%dma_start3A_438 : memref<10000x128xf32, #tpu.memory_space<hbm>>) target(%arg19 : memref<80x128xf32, #tpu.memory_space<vmem>>) offsets(%arg11 : memref<80xi32, #tpu.memory_space<vmem>>) semaphore(%arg24 : memref<!tpu.dma_semaphore, #tpu.memory_space<semaphore_mem>>)
      } else {
      }
      %add3A_348 = arith.constant 4 : i32
      %add3A_349 = arith.addi %add3A_335, %add3A_348 : i32
      %lt3A_350 = arith.cmpi slt, %add3A_349, %mul3A_46 : i32
      %convert_element_type3A_351 = arith.extui %lt3A_350 : i1 to i32
      %cond3A_352 = arith.constant 0 : i32
      %cond3A_353 = arith.cmpi ne, %convert_element_type3A_351, %cond3A_352 : i32
      scf.if %cond3A_353 {
        %add3A_424 = arith.constant 4 : i32
        %add3A_425 = arith.addi %add3A_335, %add3A_424 : i32
        %mul3A_426 = arith.constant 80 : i32
        %mul3A_427 = arith.muli %add3A_425, %mul3A_426 : i32
        %add3A_428 = arith.addi %mul3A_44, %mul3A_427 : i32
        %dma_start3A_429 = tpu.memref_slice %arg2[%add3A_428] : memref<640000xi32, #tpu.memory_space<hbm>> -> memref<80xi32, #tpu.memory_space<hbm>>
        %dma_start3A_430 = tpu.memref_slice %arg2[%add3A_428] : memref<640000xi32, #tpu.memory_space<hbm>> -> memref<80xi32, #tpu.memory_space<hbm>>
        tpu.enqueue_dma source(%dma_start3A_430 : memref<80xi32, #tpu.memory_space<hbm>>) target(%arg8 : memref<80xi32, #tpu.memory_space<vmem>>) target_semaphore(%arg25 : memref<!tpu.dma_semaphore, #tpu.memory_space<semaphore_mem>>)
        %add3A_431 = arith.constant 320000 : i32
        %add3A_432 = arith.addi %add3A_431, %add3A_428 : i32
        %dma_start3A_433 = tpu.memref_slice %arg2[%add3A_432] : memref<640000xi32, #tpu.memory_space<hbm>> -> memref<80xi32, #tpu.memory_space<hbm>>
        %dma_start3A_434 = tpu.memref_slice %arg2[%add3A_432] : memref<640000xi32, #tpu.memory_space<hbm>> -> memref<80xi32, #tpu.memory_space<hbm>>
        tpu.enqueue_dma source(%dma_start3A_434 : memref<80xi32, #tpu.memory_space<hbm>>) target(%arg12 : memref<80xi32, #tpu.memory_space<vmem>>) target_semaphore(%arg25 : memref<!tpu.dma_semaphore, #tpu.memory_space<semaphore_mem>>)
      } else {
      }
      %mul3A_354 = arith.constant 4 : i32
      %mul3A_355 = arith.muli %while3A_330, %mul3A_354 : i32
      %add3A_356 = arith.constant 1 : i32
      %add3A_357 = arith.addi %mul3A_355, %add3A_356 : i32
      %dma_wait3A_358 = arith.constant 0 : i32
      %dma_wait3A_359 = arith.constant 0 : i32
      %dma_wait3A_360 = tpu.memref_slice %arg5[%while3A, %dma_wait3A_358, %dma_wait3A_359] : memref<3x10000x128xf32, #tpu.memory_space<hbm>> -> memref<1x10000x128xf32, #tpu.memory_space<hbm>>
      %dma_wait3A_361 = tpu.memref_squeeze %dma_wait3A_360 : memref<1x10000x128xf32, #tpu.memory_space<hbm>> -> memref<10000x128xf32, #tpu.memory_space<hbm>>
      %dma_wait3A_362 = arith.constant 0 : i32
      %dma_wait3A_363 = arith.constant 0 : i32
      %dma_wait3A_364 = tpu.memref_slice %dma_wait3A_361[%dma_wait3A_362, %dma_wait3A_363] : memref<10000x128xf32, #tpu.memory_space<hbm>> -> memref<10000x128xf32, #tpu.memory_space<hbm>>
      tpu.wait_indirect_dma semaphore(%arg22 : memref<!tpu.dma_semaphore, #tpu.memory_space<semaphore_mem>>) src(%dma_wait3A_364 : memref<10000x128xf32, #tpu.memory_space<hbm>>) dst(%arg17 : memref<80x128xf32, #tpu.memory_space<vmem>>)
      "tpu.region"() ({
        %run_scoped3A = tpu.sem_alloc : memref<!tpu.dma_semaphore, #tpu.memory_space<semaphore_mem>>
        %dma_start3A_424 = arith.constant 0 : i32
        %dma_start3A_425 = arith.constant 0 : i32
        %dma_start3A_426 = tpu.memref_slice %arg20[%dma_start3A_424, %dma_start3A_425] : memref<10112x128xf32, #tpu.memory_space<vmem_shared>> -> memref<10112x128xf32, #tpu.memory_space<vmem_shared>>
        tpu.enqueue_indirect_dma source(%arg17 : memref<80x128xf32, #tpu.memory_space<vmem>>) target(%dma_start3A_426 : memref<10112x128xf32, #tpu.memory_space<vmem_shared>>) offsets(%arg13 : memref<80xi32, #tpu.memory_space<vmem>>) semaphore(%run_scoped3A : memref<!tpu.dma_semaphore, #tpu.memory_space<semaphore_mem>>) {add = true}
        %dma_wait3A_427 = arith.constant 0 : i32
        %dma_wait3A_428 = arith.constant 0 : i32
        %dma_wait3A_429 = tpu.memref_slice %arg20[%dma_wait3A_427, %dma_wait3A_428] : memref<10112x128xf32, #tpu.memory_space<vmem_shared>> -> memref<10112x128xf32, #tpu.memory_space<vmem_shared>>
        tpu.wait_indirect_dma semaphore(%run_scoped3A : memref<!tpu.dma_semaphore, #tpu.memory_space<semaphore_mem>>) src(%arg17 : memref<80x128xf32, #tpu.memory_space<vmem>>) dst(%dma_wait3A_429 : memref<10112x128xf32, #tpu.memory_space<vmem_shared>>)
        tpu.yield
      }) : () -> ()
      %add3A_365 = arith.constant 3 : i32
      %add3A_366 = arith.addi %add3A_357, %add3A_365 : i32
      %lt3A_367 = arith.cmpi slt, %add3A_366, %mul3A_46 : i32
      %convert_element_type3A_368 = arith.extui %lt3A_367 : i1 to i32
      %cond3A_369 = arith.constant 0 : i32
      %cond3A_370 = arith.cmpi ne, %convert_element_type3A_368, %cond3A_369 : i32
      scf.if %cond3A_370 {
        %dma_wait3A_424 = arith.constant 0 : i32
        %dma_wait3A_425 = tpu.memref_slice %arg2[%dma_wait3A_424] : memref<640000xi32, #tpu.memory_space<hbm>> -> memref<80xi32, #tpu.memory_space<hbm>>
        %dma_wait3A_426 = arith.constant 0 : i32
        %dma_wait3A_427 = tpu.memref_slice %arg2[%dma_wait3A_426] : memref<640000xi32, #tpu.memory_space<hbm>> -> memref<80xi32, #tpu.memory_space<hbm>>
        tpu.wait_dma2 semaphore(%arg25 : memref<!tpu.dma_semaphore, #tpu.memory_space<semaphore_mem>>) src(%dma_wait3A_427 : memref<80xi32, #tpu.memory_space<hbm>>) dst(%arg8 : memref<80xi32, #tpu.memory_space<vmem>>)
        %dma_wait3A_428 = arith.constant 0 : i32
        %dma_wait3A_429 = tpu.memref_slice %arg2[%dma_wait3A_428] : memref<640000xi32, #tpu.memory_space<hbm>> -> memref<80xi32, #tpu.memory_space<hbm>>
        %dma_wait3A_430 = arith.constant 0 : i32
        %dma_wait3A_431 = tpu.memref_slice %arg2[%dma_wait3A_430] : memref<640000xi32, #tpu.memory_space<hbm>> -> memref<80xi32, #tpu.memory_space<hbm>>
        tpu.wait_dma2 semaphore(%arg25 : memref<!tpu.dma_semaphore, #tpu.memory_space<semaphore_mem>>) src(%dma_wait3A_431 : memref<80xi32, #tpu.memory_space<hbm>>) dst(%arg12 : memref<80xi32, #tpu.memory_space<vmem>>)
        %dma_start3A_432 = arith.constant 0 : i32
        %dma_start3A_433 = arith.constant 0 : i32
        %dma_start3A_434 = tpu.memref_slice %arg5[%while3A, %dma_start3A_432, %dma_start3A_433] : memref<3x10000x128xf32, #tpu.memory_space<hbm>> -> memref<1x10000x128xf32, #tpu.memory_space<hbm>>
        %dma_start3A_435 = tpu.memref_squeeze %dma_start3A_434 : memref<1x10000x128xf32, #tpu.memory_space<hbm>> -> memref<10000x128xf32, #tpu.memory_space<hbm>>
        %dma_start3A_436 = arith.constant 0 : i32
        %dma_start3A_437 = arith.constant 0 : i32
        %dma_start3A_438 = tpu.memref_slice %dma_start3A_435[%dma_start3A_436, %dma_start3A_437] : memref<10000x128xf32, #tpu.memory_space<hbm>> -> memref<10000x128xf32, #tpu.memory_space<hbm>>
        tpu.enqueue_indirect_dma source(%dma_start3A_438 : memref<10000x128xf32, #tpu.memory_space<hbm>>) target(%arg16 : memref<80x128xf32, #tpu.memory_space<vmem>>) offsets(%arg8 : memref<80xi32, #tpu.memory_space<vmem>>) semaphore(%arg21 : memref<!tpu.dma_semaphore, #tpu.memory_space<semaphore_mem>>)
      } else {
      }
      %add3A_371 = arith.constant 4 : i32
      %add3A_372 = arith.addi %add3A_357, %add3A_371 : i32
      %lt3A_373 = arith.cmpi slt, %add3A_372, %mul3A_46 : i32
      %convert_element_type3A_374 = arith.extui %lt3A_373 : i1 to i32
      %cond3A_375 = arith.constant 0 : i32
      %cond3A_376 = arith.cmpi ne, %convert_element_type3A_374, %cond3A_375 : i32
      scf.if %cond3A_376 {
        %add3A_424 = arith.constant 4 : i32
        %add3A_425 = arith.addi %add3A_357, %add3A_424 : i32
        %mul3A_426 = arith.constant 80 : i32
        %mul3A_427 = arith.muli %add3A_425, %mul3A_426 : i32
        %add3A_428 = arith.addi %mul3A_44, %mul3A_427 : i32
        %dma_start3A_429 = tpu.memref_slice %arg2[%add3A_428] : memref<640000xi32, #tpu.memory_space<hbm>> -> memref<80xi32, #tpu.memory_space<hbm>>
        %dma_start3A_430 = tpu.memref_slice %arg2[%add3A_428] : memref<640000xi32, #tpu.memory_space<hbm>> -> memref<80xi32, #tpu.memory_space<hbm>>
        tpu.enqueue_dma source(%dma_start3A_430 : memref<80xi32, #tpu.memory_space<hbm>>) target(%arg9 : memref<80xi32, #tpu.memory_space<vmem>>) target_semaphore(%arg26 : memref<!tpu.dma_semaphore, #tpu.memory_space<semaphore_mem>>)
        %add3A_431 = arith.constant 320000 : i32
        %add3A_432 = arith.addi %add3A_431, %add3A_428 : i32
        %dma_start3A_433 = tpu.memref_slice %arg2[%add3A_432] : memref<640000xi32, #tpu.memory_space<hbm>> -> memref<80xi32, #tpu.memory_space<hbm>>
        %dma_start3A_434 = tpu.memref_slice %arg2[%add3A_432] : memref<640000xi32, #tpu.memory_space<hbm>> -> memref<80xi32, #tpu.memory_space<hbm>>
        tpu.enqueue_dma source(%dma_start3A_434 : memref<80xi32, #tpu.memory_space<hbm>>) target(%arg13 : memref<80xi32, #tpu.memory_space<vmem>>) target_semaphore(%arg26 : memref<!tpu.dma_semaphore, #tpu.memory_space<semaphore_mem>>)
      } else {
      }
      %mul3A_377 = arith.constant 4 : i32
      %mul3A_378 = arith.muli %while3A_330, %mul3A_377 : i32
      %add3A_379 = arith.constant 2 : i32
      %add3A_380 = arith.addi %mul3A_378, %add3A_379 : i32
      %dma_wait3A_381 = arith.constant 0 : i32
      %dma_wait3A_382 = arith.constant 0 : i32
      %dma_wait3A_383 = tpu.memref_slice %arg5[%while3A, %dma_wait3A_381, %dma_wait3A_382] : memref<3x10000x128xf32, #tpu.memory_space<hbm>> -> memref<1x10000x128xf32, #tpu.memory_space<hbm>>
      %dma_wait3A_384 = tpu.memref_squeeze %dma_wait3A_383 : memref<1x10000x128xf32, #tpu.memory_space<hbm>> -> memref<10000x128xf32, #tpu.memory_space<hbm>>
      %dma_wait3A_385 = arith.constant 0 : i32
      %dma_wait3A_386 = arith.constant 0 : i32
      %dma_wait3A_387 = tpu.memref_slice %dma_wait3A_384[%dma_wait3A_385, %dma_wait3A_386] : memref<10000x128xf32, #tpu.memory_space<hbm>> -> memref<10000x128xf32, #tpu.memory_space<hbm>>
      tpu.wait_indirect_dma semaphore(%arg23 : memref<!tpu.dma_semaphore, #tpu.memory_space<semaphore_mem>>) src(%dma_wait3A_387 : memref<10000x128xf32, #tpu.memory_space<hbm>>) dst(%arg18 : memref<80x128xf32, #tpu.memory_space<vmem>>)
      "tpu.region"() ({
        %run_scoped3A = tpu.sem_alloc : memref<!tpu.dma_semaphore, #tpu.memory_space<semaphore_mem>>
        %dma_start3A_424 = arith.constant 0 : i32
        %dma_start3A_425 = arith.constant 0 : i32
        %dma_start3A_426 = tpu.memref_slice %arg20[%dma_start3A_424, %dma_start3A_425] : memref<10112x128xf32, #tpu.memory_space<vmem_shared>> -> memref<10112x128xf32, #tpu.memory_space<vmem_shared>>
        tpu.enqueue_indirect_dma source(%arg18 : memref<80x128xf32, #tpu.memory_space<vmem>>) target(%dma_start3A_426 : memref<10112x128xf32, #tpu.memory_space<vmem_shared>>) offsets(%arg14 : memref<80xi32, #tpu.memory_space<vmem>>) semaphore(%run_scoped3A : memref<!tpu.dma_semaphore, #tpu.memory_space<semaphore_mem>>) {add = true}
        %dma_wait3A_427 = arith.constant 0 : i32
        %dma_wait3A_428 = arith.constant 0 : i32
        %dma_wait3A_429 = tpu.memref_slice %arg20[%dma_wait3A_427, %dma_wait3A_428] : memref<10112x128xf32, #tpu.memory_space<vmem_shared>> -> memref<10112x128xf32, #tpu.memory_space<vmem_shared>>
        tpu.wait_indirect_dma semaphore(%run_scoped3A : memref<!tpu.dma_semaphore, #tpu.memory_space<semaphore_mem>>) src(%arg18 : memref<80x128xf32, #tpu.memory_space<vmem>>) dst(%dma_wait3A_429 : memref<10112x128xf32, #tpu.memory_space<vmem_shared>>)
        tpu.yield
      }) : () -> ()
      %add3A_388 = arith.constant 3 : i32
      %add3A_389 = arith.addi %add3A_380, %add3A_388 : i32
      %lt3A_390 = arith.cmpi slt, %add3A_389, %mul3A_46 : i32
      %convert_element_type3A_391 = arith.extui %lt3A_390 : i1 to i32
      %cond3A_392 = arith.constant 0 : i32
      %cond3A_393 = arith.cmpi ne, %convert_element_type3A_391, %cond3A_392 : i32
      scf.if %cond3A_393 {
        %dma_wait3A_424 = arith.constant 0 : i32
        %dma_wait3A_425 = tpu.memref_slice %arg2[%dma_wait3A_424] : memref<640000xi32, #tpu.memory_space<hbm>> -> memref<80xi32, #tpu.memory_space<hbm>>
        %dma_wait3A_426 = arith.constant 0 : i32
        %dma_wait3A_427 = tpu.memref_slice %arg2[%dma_wait3A_426] : memref<640000xi32, #tpu.memory_space<hbm>> -> memref<80xi32, #tpu.memory_space<hbm>>
        tpu.wait_dma2 semaphore(%arg26 : memref<!tpu.dma_semaphore, #tpu.memory_space<semaphore_mem>>) src(%dma_wait3A_427 : memref<80xi32, #tpu.memory_space<hbm>>) dst(%arg9 : memref<80xi32, #tpu.memory_space<vmem>>)
        %dma_wait3A_428 = arith.constant 0 : i32
        %dma_wait3A_429 = tpu.memref_slice %arg2[%dma_wait3A_428] : memref<640000xi32, #tpu.memory_space<hbm>> -> memref<80xi32, #tpu.memory_space<hbm>>
        %dma_wait3A_430 = arith.constant 0 : i32
        %dma_wait3A_431 = tpu.memref_slice %arg2[%dma_wait3A_430] : memref<640000xi32, #tpu.memory_space<hbm>> -> memref<80xi32, #tpu.memory_space<hbm>>
        tpu.wait_dma2 semaphore(%arg26 : memref<!tpu.dma_semaphore, #tpu.memory_space<semaphore_mem>>) src(%dma_wait3A_431 : memref<80xi32, #tpu.memory_space<hbm>>) dst(%arg13 : memref<80xi32, #tpu.memory_space<vmem>>)
        %dma_start3A_432 = arith.constant 0 : i32
        %dma_start3A_433 = arith.constant 0 : i32
        %dma_start3A_434 = tpu.memref_slice %arg5[%while3A, %dma_start3A_432, %dma_start3A_433] : memref<3x10000x128xf32, #tpu.memory_space<hbm>> -> memref<1x10000x128xf32, #tpu.memory_space<hbm>>
        %dma_start3A_435 = tpu.memref_squeeze %dma_start3A_434 : memref<1x10000x128xf32, #tpu.memory_space<hbm>> -> memref<10000x128xf32, #tpu.memory_space<hbm>>
        %dma_start3A_436 = arith.constant 0 : i32
        %dma_start3A_437 = arith.constant 0 : i32
        %dma_start3A_438 = tpu.memref_slice %dma_start3A_435[%dma_start3A_436, %dma_start3A_437] : memref<10000x128xf32, #tpu.memory_space<hbm>> -> memref<10000x128xf32, #tpu.memory_space<hbm>>
        tpu.enqueue_indirect_dma source(%dma_start3A_438 : memref<10000x128xf32, #tpu.memory_space<hbm>>) target(%arg17 : memref<80x128xf32, #tpu.memory_space<vmem>>) offsets(%arg9 : memref<80xi32, #tpu.memory_space<vmem>>) semaphore(%arg22 : memref<!tpu.dma_semaphore, #tpu.memory_space<semaphore_mem>>)
      } else {
      }
      %add3A_394 = arith.constant 4 : i32
      %add3A_395 = arith.addi %add3A_380, %add3A_394 : i32
      %lt3A_396 = arith.cmpi slt, %add3A_395, %mul3A_46 : i32
      %convert_element_type3A_397 = arith.extui %lt3A_396 : i1 to i32
      %cond3A_398 = arith.constant 0 : i32
      %cond3A_399 = arith.cmpi ne, %convert_element_type3A_397, %cond3A_398 : i32
      scf.if %cond3A_399 {
        %add3A_424 = arith.constant 4 : i32
        %add3A_425 = arith.addi %add3A_380, %add3A_424 : i32
        %mul3A_426 = arith.constant 80 : i32
        %mul3A_427 = arith.muli %add3A_425, %mul3A_426 : i32
        %add3A_428 = arith.addi %mul3A_44, %mul3A_427 : i32
        %dma_start3A_429 = tpu.memref_slice %arg2[%add3A_428] : memref<640000xi32, #tpu.memory_space<hbm>> -> memref<80xi32, #tpu.memory_space<hbm>>
        %dma_start3A_430 = tpu.memref_slice %arg2[%add3A_428] : memref<640000xi32, #tpu.memory_space<hbm>> -> memref<80xi32, #tpu.memory_space<hbm>>
        tpu.enqueue_dma source(%dma_start3A_430 : memref<80xi32, #tpu.memory_space<hbm>>) target(%arg10 : memref<80xi32, #tpu.memory_space<vmem>>) target_semaphore(%arg27 : memref<!tpu.dma_semaphore, #tpu.memory_space<semaphore_mem>>)
        %add3A_431 = arith.constant 320000 : i32
        %add3A_432 = arith.addi %add3A_431, %add3A_428 : i32
        %dma_start3A_433 = tpu.memref_slice %arg2[%add3A_432] : memref<640000xi32, #tpu.memory_space<hbm>> -> memref<80xi32, #tpu.memory_space<hbm>>
        %dma_start3A_434 = tpu.memref_slice %arg2[%add3A_432] : memref<640000xi32, #tpu.memory_space<hbm>> -> memref<80xi32, #tpu.memory_space<hbm>>
        tpu.enqueue_dma source(%dma_start3A_434 : memref<80xi32, #tpu.memory_space<hbm>>) target(%arg14 : memref<80xi32, #tpu.memory_space<vmem>>) target_semaphore(%arg27 : memref<!tpu.dma_semaphore, #tpu.memory_space<semaphore_mem>>)
      } else {
      }
      %mul3A_400 = arith.constant 4 : i32
      %mul3A_401 = arith.muli %while3A_330, %mul3A_400 : i32
      %add3A_402 = arith.constant 3 : i32
      %add3A_403 = arith.addi %mul3A_401, %add3A_402 : i32
      %dma_wait3A_404 = arith.constant 0 : i32
      %dma_wait3A_405 = arith.constant 0 : i32
      %dma_wait3A_406 = tpu.memref_slice %arg5[%while3A, %dma_wait3A_404, %dma_wait3A_405] : memref<3x10000x128xf32, #tpu.memory_space<hbm>> -> memref<1x10000x128xf32, #tpu.memory_space<hbm>>
      %dma_wait3A_407 = tpu.memref_squeeze %dma_wait3A_406 : memref<1x10000x128xf32, #tpu.memory_space<hbm>> -> memref<10000x128xf32, #tpu.memory_space<hbm>>
      %dma_wait3A_408 = arith.constant 0 : i32
      %dma_wait3A_409 = arith.constant 0 : i32
      %dma_wait3A_410 = tpu.memref_slice %dma_wait3A_407[%dma_wait3A_408, %dma_wait3A_409] : memref<10000x128xf32, #tpu.memory_space<hbm>> -> memref<10000x128xf32, #tpu.memory_space<hbm>>
      tpu.wait_indirect_dma semaphore(%arg24 : memref<!tpu.dma_semaphore, #tpu.memory_space<semaphore_mem>>) src(%dma_wait3A_410 : memref<10000x128xf32, #tpu.memory_space<hbm>>) dst(%arg19 : memref<80x128xf32, #tpu.memory_space<vmem>>)
      "tpu.region"() ({
        %run_scoped3A = tpu.sem_alloc : memref<!tpu.dma_semaphore, #tpu.memory_space<semaphore_mem>>
        %dma_start3A_424 = arith.constant 0 : i32
        %dma_start3A_425 = arith.constant 0 : i32
        %dma_start3A_426 = tpu.memref_slice %arg20[%dma_start3A_424, %dma_start3A_425] : memref<10112x128xf32, #tpu.memory_space<vmem_shared>> -> memref<10112x128xf32, #tpu.memory_space<vmem_shared>>
        tpu.enqueue_indirect_dma source(%arg19 : memref<80x128xf32, #tpu.memory_space<vmem>>) target(%dma_start3A_426 : memref<10112x128xf32, #tpu.memory_space<vmem_shared>>) offsets(%arg15 : memref<80xi32, #tpu.memory_space<vmem>>) semaphore(%run_scoped3A : memref<!tpu.dma_semaphore, #tpu.memory_space<semaphore_mem>>) {add = true}
        %dma_wait3A_427 = arith.constant 0 : i32
        %dma_wait3A_428 = arith.constant 0 : i32
        %dma_wait3A_429 = tpu.memref_slice %arg20[%dma_wait3A_427, %dma_wait3A_428] : memref<10112x128xf32, #tpu.memory_space<vmem_shared>> -> memref<10112x128xf32, #tpu.memory_space<vmem_shared>>
        tpu.wait_indirect_dma semaphore(%run_scoped3A : memref<!tpu.dma_semaphore, #tpu.memory_space<semaphore_mem>>) src(%arg19 : memref<80x128xf32, #tpu.memory_space<vmem>>) dst(%dma_wait3A_429 : memref<10112x128xf32, #tpu.memory_space<vmem_shared>>)
        tpu.yield
      }) : () -> ()
      %add3A_411 = arith.constant 3 : i32
      %add3A_412 = arith.addi %add3A_403, %add3A_411 : i32
      %lt3A_413 = arith.cmpi slt, %add3A_412, %mul3A_46 : i32
      %convert_element_type3A_414 = arith.extui %lt3A_413 : i1 to i32
      %cond3A_415 = arith.constant 0 : i32
      %cond3A_416 = arith.cmpi ne, %convert_element_type3A_414, %cond3A_415 : i32
      scf.if %cond3A_416 {
        %dma_wait3A_424 = arith.constant 0 : i32
        %dma_wait3A_425 = tpu.memref_slice %arg2[%dma_wait3A_424] : memref<640000xi32, #tpu.memory_space<hbm>> -> memref<80xi32, #tpu.memory_space<hbm>>
        %dma_wait3A_426 = arith.constant 0 : i32
        %dma_wait3A_427 = tpu.memref_slice %arg2[%dma_wait3A_426] : memref<640000xi32, #tpu.memory_space<hbm>> -> memref<80xi32, #tpu.memory_space<hbm>>
        tpu.wait_dma2 semaphore(%arg27 : memref<!tpu.dma_semaphore, #tpu.memory_space<semaphore_mem>>) src(%dma_wait3A_427 : memref<80xi32, #tpu.memory_space<hbm>>) dst(%arg10 : memref<80xi32, #tpu.memory_space<vmem>>)
        %dma_wait3A_428 = arith.constant 0 : i32
        %dma_wait3A_429 = tpu.memref_slice %arg2[%dma_wait3A_428] : memref<640000xi32, #tpu.memory_space<hbm>> -> memref<80xi32, #tpu.memory_space<hbm>>
        %dma_wait3A_430 = arith.constant 0 : i32
        %dma_wait3A_431 = tpu.memref_slice %arg2[%dma_wait3A_430] : memref<640000xi32, #tpu.memory_space<hbm>> -> memref<80xi32, #tpu.memory_space<hbm>>
        tpu.wait_dma2 semaphore(%arg27 : memref<!tpu.dma_semaphore, #tpu.memory_space<semaphore_mem>>) src(%dma_wait3A_431 : memref<80xi32, #tpu.memory_space<hbm>>) dst(%arg14 : memref<80xi32, #tpu.memory_space<vmem>>)
        %dma_start3A_432 = arith.constant 0 : i32
        %dma_start3A_433 = arith.constant 0 : i32
        %dma_start3A_434 = tpu.memref_slice %arg5[%while3A, %dma_start3A_432, %dma_start3A_433] : memref<3x10000x128xf32, #tpu.memory_space<hbm>> -> memref<1x10000x128xf32, #tpu.memory_space<hbm>>
        %dma_start3A_435 = tpu.memref_squeeze %dma_start3A_434 : memref<1x10000x128xf32, #tpu.memory_space<hbm>> -> memref<10000x128xf32, #tpu.memory_space<hbm>>
        %dma_start3A_436 = arith.constant 0 : i32
        %dma_start3A_437 = arith.constant 0 : i32
        %dma_start3A_438 = tpu.memref_slice %dma_start3A_435[%dma_start3A_436, %dma_start3A_437] : memref<10000x128xf32, #tpu.memory_space<hbm>> -> memref<10000x128xf32, #tpu.memory_space<hbm>>
        tpu.enqueue_indirect_dma source(%dma_start3A_438 : memref<10000x128xf32, #tpu.memory_space<hbm>>) target(%arg18 : memref<80x128xf32, #tpu.memory_space<vmem>>) offsets(%arg10 : memref<80xi32, #tpu.memory_space<vmem>>) semaphore(%arg23 : memref<!tpu.dma_semaphore, #tpu.memory_space<semaphore_mem>>)
      } else {
      }
      %add3A_417 = arith.constant 4 : i32
      %add3A_418 = arith.addi %add3A_403, %add3A_417 : i32
      %lt3A_419 = arith.cmpi slt, %add3A_418, %mul3A_46 : i32
      %convert_element_type3A_420 = arith.extui %lt3A_419 : i1 to i32
      %cond3A_421 = arith.constant 0 : i32
      %cond3A_422 = arith.cmpi ne, %convert_element_type3A_420, %cond3A_421 : i32
      scf.if %cond3A_422 {
        %add3A_424 = arith.constant 4 : i32
        %add3A_425 = arith.addi %add3A_403, %add3A_424 : i32
        %mul3A_426 = arith.constant 80 : i32
        %mul3A_427 = arith.muli %add3A_425, %mul3A_426 : i32
        %add3A_428 = arith.addi %mul3A_44, %mul3A_427 : i32
        %dma_start3A_429 = tpu.memref_slice %arg2[%add3A_428] : memref<640000xi32, #tpu.memory_space<hbm>> -> memref<80xi32, #tpu.memory_space<hbm>>
        %dma_start3A_430 = tpu.memref_slice %arg2[%add3A_428] : memref<640000xi32, #tpu.memory_space<hbm>> -> memref<80xi32, #tpu.memory_space<hbm>>
        tpu.enqueue_dma source(%dma_start3A_430 : memref<80xi32, #tpu.memory_space<hbm>>) target(%arg11 : memref<80xi32, #tpu.memory_space<vmem>>) target_semaphore(%arg28 : memref<!tpu.dma_semaphore, #tpu.memory_space<semaphore_mem>>)
        %add3A_431 = arith.constant 320000 : i32
        %add3A_432 = arith.addi %add3A_431, %add3A_428 : i32
        %dma_start3A_433 = tpu.memref_slice %arg2[%add3A_432] : memref<640000xi32, #tpu.memory_space<hbm>> -> memref<80xi32, #tpu.memory_space<hbm>>
        %dma_start3A_434 = tpu.memref_slice %arg2[%add3A_432] : memref<640000xi32, #tpu.memory_space<hbm>> -> memref<80xi32, #tpu.memory_space<hbm>>
        tpu.enqueue_dma source(%dma_start3A_434 : memref<80xi32, #tpu.memory_space<hbm>>) target(%arg15 : memref<80xi32, #tpu.memory_space<vmem>>) target_semaphore(%arg28 : memref<!tpu.dma_semaphore, #tpu.memory_space<semaphore_mem>>)
      } else {
      }
      %while3A_423 = arith.constant 0 : i32
      scf.yield %while3A_423 : i32
    }
    %while3A_137 = arith.constant 1 : i32
    %while3A_138 = scf.for %while3A_330 = %while3A_134 to %while3A_130 step %while3A_137 iter_args(%while3A_331 = %while3A_136) -> (i32)  : i32 {
      %mul3A_332 = arith.constant 4 : i32
      %mul3A_333 = arith.muli %while3A_330, %mul3A_332 : i32
      %add3A_334 = arith.constant 0 : i32
      %add3A_335 = arith.addi %mul3A_333, %add3A_334 : i32
      %dma_wait3A_336 = arith.constant 0 : i32
      %dma_wait3A_337 = arith.constant 0 : i32
      %dma_wait3A_338 = tpu.memref_slice %arg5[%while3A, %dma_wait3A_336, %dma_wait3A_337] : memref<3x10000x128xf32, #tpu.memory_space<hbm>> -> memref<1x10000x128xf32, #tpu.memory_space<hbm>>
      %dma_wait3A_339 = tpu.memref_squeeze %dma_wait3A_338 : memref<1x10000x128xf32, #tpu.memory_space<hbm>> -> memref<10000x128xf32, #tpu.memory_space<hbm>>
      %dma_wait3A_340 = arith.constant 0 : i32
      %dma_wait3A_341 = arith.constant 0 : i32
      %dma_wait3A_342 = tpu.memref_slice %dma_wait3A_339[%dma_wait3A_340, %dma_wait3A_341] : memref<10000x128xf32, #tpu.memory_space<hbm>> -> memref<10000x128xf32, #tpu.memory_space<hbm>>
      tpu.wait_indirect_dma semaphore(%arg21 : memref<!tpu.dma_semaphore, #tpu.memory_space<semaphore_mem>>) src(%dma_wait3A_342 : memref<10000x128xf32, #tpu.memory_space<hbm>>) dst(%arg16 : memref<80x128xf32, #tpu.memory_space<vmem>>)
      "tpu.region"() ({
        %run_scoped3A = tpu.sem_alloc : memref<!tpu.dma_semaphore, #tpu.memory_space<semaphore_mem>>
        %dma_start3A_424 = arith.constant 0 : i32
        %dma_start3A_425 = arith.constant 0 : i32
        %dma_start3A_426 = tpu.memref_slice %arg20[%dma_start3A_424, %dma_start3A_425] : memref<10112x128xf32, #tpu.memory_space<vmem_shared>> -> memref<10112x128xf32, #tpu.memory_space<vmem_shared>>
        tpu.enqueue_indirect_dma source(%arg16 : memref<80x128xf32, #tpu.memory_space<vmem>>) target(%dma_start3A_426 : memref<10112x128xf32, #tpu.memory_space<vmem_shared>>) offsets(%arg12 : memref<80xi32, #tpu.memory_space<vmem>>) semaphore(%run_scoped3A : memref<!tpu.dma_semaphore, #tpu.memory_space<semaphore_mem>>) {add = true}
        %dma_wait3A_427 = arith.constant 0 : i32
        %dma_wait3A_428 = arith.constant 0 : i32
        %dma_wait3A_429 = tpu.memref_slice %arg20[%dma_wait3A_427, %dma_wait3A_428] : memref<10112x128xf32, #tpu.memory_space<vmem_shared>> -> memref<10112x128xf32, #tpu.memory_space<vmem_shared>>
        tpu.wait_indirect_dma semaphore(%run_scoped3A : memref<!tpu.dma_semaphore, #tpu.memory_space<semaphore_mem>>) src(%arg16 : memref<80x128xf32, #tpu.memory_space<vmem>>) dst(%dma_wait3A_429 : memref<10112x128xf32, #tpu.memory_space<vmem_shared>>)
        tpu.yield
      }) : () -> ()
      %add3A_343 = arith.constant 3 : i32
      %add3A_344 = arith.addi %add3A_335, %add3A_343 : i32
      %lt3A_345 = arith.cmpi slt, %add3A_344, %mul3A_46 : i32
      %convert_element_type3A_346 = arith.extui %lt3A_345 : i1 to i32
      %cond3A = arith.constant 0 : i32
      %cond3A_347 = arith.cmpi ne, %convert_element_type3A_346, %cond3A : i32
      scf.if %cond3A_347 {
        %dma_wait3A_424 = arith.constant 0 : i32
        %dma_wait3A_425 = tpu.memref_slice %arg2[%dma_wait3A_424] : memref<640000xi32, #tpu.memory_space<hbm>> -> memref<80xi32, #tpu.memory_space<hbm>>
        %dma_wait3A_426 = arith.constant 0 : i32
        %dma_wait3A_427 = tpu.memref_slice %arg2[%dma_wait3A_426] : memref<640000xi32, #tpu.memory_space<hbm>> -> memref<80xi32, #tpu.memory_space<hbm>>
        tpu.wait_dma2 semaphore(%arg28 : memref<!tpu.dma_semaphore, #tpu.memory_space<semaphore_mem>>) src(%dma_wait3A_427 : memref<80xi32, #tpu.memory_space<hbm>>) dst(%arg11 : memref<80xi32, #tpu.memory_space<vmem>>)
        %dma_wait3A_428 = arith.constant 0 : i32
        %dma_wait3A_429 = tpu.memref_slice %arg2[%dma_wait3A_428] : memref<640000xi32, #tpu.memory_space<hbm>> -> memref<80xi32, #tpu.memory_space<hbm>>
        %dma_wait3A_430 = arith.constant 0 : i32
        %dma_wait3A_431 = tpu.memref_slice %arg2[%dma_wait3A_430] : memref<640000xi32, #tpu.memory_space<hbm>> -> memref<80xi32, #tpu.memory_space<hbm>>
        tpu.wait_dma2 semaphore(%arg28 : memref<!tpu.dma_semaphore, #tpu.memory_space<semaphore_mem>>) src(%dma_wait3A_431 : memref<80xi32, #tpu.memory_space<hbm>>) dst(%arg15 : memref<80xi32, #tpu.memory_space<vmem>>)
        %dma_start3A_432 = arith.constant 0 : i32
        %dma_start3A_433 = arith.constant 0 : i32
        %dma_start3A_434 = tpu.memref_slice %arg5[%while3A, %dma_start3A_432, %dma_start3A_433] : memref<3x10000x128xf32, #tpu.memory_space<hbm>> -> memref<1x10000x128xf32, #tpu.memory_space<hbm>>
        %dma_start3A_435 = tpu.memref_squeeze %dma_start3A_434 : memref<1x10000x128xf32, #tpu.memory_space<hbm>> -> memref<10000x128xf32, #tpu.memory_space<hbm>>
        %dma_start3A_436 = arith.constant 0 : i32
        %dma_start3A_437 = arith.constant 0 : i32
        %dma_start3A_438 = tpu.memref_slice %dma_start3A_435[%dma_start3A_436, %dma_start3A_437] : memref<10000x128xf32, #tpu.memory_space<hbm>> -> memref<10000x128xf32, #tpu.memory_space<hbm>>
        tpu.enqueue_indirect_dma source(%dma_start3A_438 : memref<10000x128xf32, #tpu.memory_space<hbm>>) target(%arg19 : memref<80x128xf32, #tpu.memory_space<vmem>>) offsets(%arg11 : memref<80xi32, #tpu.memory_space<vmem>>) semaphore(%arg24 : memref<!tpu.dma_semaphore, #tpu.memory_space<semaphore_mem>>)
      } else {
      }
      %add3A_348 = arith.constant 4 : i32
      %add3A_349 = arith.addi %add3A_335, %add3A_348 : i32
      %lt3A_350 = arith.cmpi slt, %add3A_349, %mul3A_46 : i32
      %convert_element_type3A_351 = arith.extui %lt3A_350 : i1 to i32
      %cond3A_352 = arith.constant 0 : i32
      %cond3A_353 = arith.cmpi ne, %convert_element_type3A_351, %cond3A_352 : i32
      scf.if %cond3A_353 {
        %add3A_424 = arith.constant 4 : i32
        %add3A_425 = arith.addi %add3A_335, %add3A_424 : i32
        %mul3A_426 = arith.constant 80 : i32
        %mul3A_427 = arith.muli %add3A_425, %mul3A_426 : i32
        %add3A_428 = arith.addi %mul3A_44, %mul3A_427 : i32
        %dma_start3A_429 = tpu.memref_slice %arg2[%add3A_428] : memref<640000xi32, #tpu.memory_space<hbm>> -> memref<80xi32, #tpu.memory_space<hbm>>
        %dma_start3A_430 = tpu.memref_slice %arg2[%add3A_428] : memref<640000xi32, #tpu.memory_space<hbm>> -> memref<80xi32, #tpu.memory_space<hbm>>
        tpu.enqueue_dma source(%dma_start3A_430 : memref<80xi32, #tpu.memory_space<hbm>>) target(%arg8 : memref<80xi32, #tpu.memory_space<vmem>>) target_semaphore(%arg25 : memref<!tpu.dma_semaphore, #tpu.memory_space<semaphore_mem>>)
        %add3A_431 = arith.constant 320000 : i32
        %add3A_432 = arith.addi %add3A_431, %add3A_428 : i32
        %dma_start3A_433 = tpu.memref_slice %arg2[%add3A_432] : memref<640000xi32, #tpu.memory_space<hbm>> -> memref<80xi32, #tpu.memory_space<hbm>>
        %dma_start3A_434 = tpu.memref_slice %arg2[%add3A_432] : memref<640000xi32, #tpu.memory_space<hbm>> -> memref<80xi32, #tpu.memory_space<hbm>>
        tpu.enqueue_dma source(%dma_start3A_434 : memref<80xi32, #tpu.memory_space<hbm>>) target(%arg12 : memref<80xi32, #tpu.memory_space<vmem>>) target_semaphore(%arg25 : memref<!tpu.dma_semaphore, #tpu.memory_space<semaphore_mem>>)
      } else {
      }
      %mul3A_354 = arith.constant 4 : i32
      %mul3A_355 = arith.muli %while3A_330, %mul3A_354 : i32
      %add3A_356 = arith.constant 1 : i32
      %add3A_357 = arith.addi %mul3A_355, %add3A_356 : i32
      %dma_wait3A_358 = arith.constant 0 : i32
      %dma_wait3A_359 = arith.constant 0 : i32
      %dma_wait3A_360 = tpu.memref_slice %arg5[%while3A, %dma_wait3A_358, %dma_wait3A_359] : memref<3x10000x128xf32, #tpu.memory_space<hbm>> -> memref<1x10000x128xf32, #tpu.memory_space<hbm>>
      %dma_wait3A_361 = tpu.memref_squeeze %dma_wait3A_360 : memref<1x10000x128xf32, #tpu.memory_space<hbm>> -> memref<10000x128xf32, #tpu.memory_space<hbm>>
      %dma_wait3A_362 = arith.constant 0 : i32
      %dma_wait3A_363 = arith.constant 0 : i32
      %dma_wait3A_364 = tpu.memref_slice %dma_wait3A_361[%dma_wait3A_362, %dma_wait3A_363] : memref<10000x128xf32, #tpu.memory_space<hbm>> -> memref<10000x128xf32, #tpu.memory_space<hbm>>
      tpu.wait_indirect_dma semaphore(%arg22 : memref<!tpu.dma_semaphore, #tpu.memory_space<semaphore_mem>>) src(%dma_wait3A_364 : memref<10000x128xf32, #tpu.memory_space<hbm>>) dst(%arg17 : memref<80x128xf32, #tpu.memory_space<vmem>>)
      "tpu.region"() ({
        %run_scoped3A = tpu.sem_alloc : memref<!tpu.dma_semaphore, #tpu.memory_space<semaphore_mem>>
        %dma_start3A_424 = arith.constant 0 : i32
        %dma_start3A_425 = arith.constant 0 : i32
        %dma_start3A_426 = tpu.memref_slice %arg20[%dma_start3A_424, %dma_start3A_425] : memref<10112x128xf32, #tpu.memory_space<vmem_shared>> -> memref<10112x128xf32, #tpu.memory_space<vmem_shared>>
        tpu.enqueue_indirect_dma source(%arg17 : memref<80x128xf32, #tpu.memory_space<vmem>>) target(%dma_start3A_426 : memref<10112x128xf32, #tpu.memory_space<vmem_shared>>) offsets(%arg13 : memref<80xi32, #tpu.memory_space<vmem>>) semaphore(%run_scoped3A : memref<!tpu.dma_semaphore, #tpu.memory_space<semaphore_mem>>) {add = true}
        %dma_wait3A_427 = arith.constant 0 : i32
        %dma_wait3A_428 = arith.constant 0 : i32
        %dma_wait3A_429 = tpu.memref_slice %arg20[%dma_wait3A_427, %dma_wait3A_428] : memref<10112x128xf32, #tpu.memory_space<vmem_shared>> -> memref<10112x128xf32, #tpu.memory_space<vmem_shared>>
        tpu.wait_indirect_dma semaphore(%run_scoped3A : memref<!tpu.dma_semaphore, #tpu.memory_space<semaphore_mem>>) src(%arg17 : memref<80x128xf32, #tpu.memory_space<vmem>>) dst(%dma_wait3A_429 : memref<10112x128xf32, #tpu.memory_space<vmem_shared>>)
        tpu.yield
      }) : () -> ()
      %add3A_365 = arith.constant 3 : i32
      %add3A_366 = arith.addi %add3A_357, %add3A_365 : i32
      %lt3A_367 = arith.cmpi slt, %add3A_366, %mul3A_46 : i32
      %convert_element_type3A_368 = arith.extui %lt3A_367 : i1 to i32
      %cond3A_369 = arith.constant 0 : i32
      %cond3A_370 = arith.cmpi ne, %convert_element_type3A_368, %cond3A_369 : i32
      scf.if %cond3A_370 {
        %dma_wait3A_424 = arith.constant 0 : i32
        %dma_wait3A_425 = tpu.memref_slice %arg2[%dma_wait3A_424] : memref<640000xi32, #tpu.memory_space<hbm>> -> memref<80xi32, #tpu.memory_space<hbm>>
        %dma_wait3A_426 = arith.constant 0 : i32
        %dma_wait3A_427 = tpu.memref_slice %arg2[%dma_wait3A_426] : memref<640000xi32, #tpu.memory_space<hbm>> -> memref<80xi32, #tpu.memory_space<hbm>>
        tpu.wait_dma2 semaphore(%arg25 : memref<!tpu.dma_semaphore, #tpu.memory_space<semaphore_mem>>) src(%dma_wait3A_427 : memref<80xi32, #tpu.memory_space<hbm>>) dst(%arg8 : memref<80xi32, #tpu.memory_space<vmem>>)
        %dma_wait3A_428 = arith.constant 0 : i32
        %dma_wait3A_429 = tpu.memref_slice %arg2[%dma_wait3A_428] : memref<640000xi32, #tpu.memory_space<hbm>> -> memref<80xi32, #tpu.memory_space<hbm>>
        %dma_wait3A_430 = arith.constant 0 : i32
        %dma_wait3A_431 = tpu.memref_slice %arg2[%dma_wait3A_430] : memref<640000xi32, #tpu.memory_space<hbm>> -> memref<80xi32, #tpu.memory_space<hbm>>
        tpu.wait_dma2 semaphore(%arg25 : memref<!tpu.dma_semaphore, #tpu.memory_space<semaphore_mem>>) src(%dma_wait3A_431 : memref<80xi32, #tpu.memory_space<hbm>>) dst(%arg12 : memref<80xi32, #tpu.memory_space<vmem>>)
        %dma_start3A_432 = arith.constant 0 : i32
        %dma_start3A_433 = arith.constant 0 : i32
        %dma_start3A_434 = tpu.memref_slice %arg5[%while3A, %dma_start3A_432, %dma_start3A_433] : memref<3x10000x128xf32, #tpu.memory_space<hbm>> -> memref<1x10000x128xf32, #tpu.memory_space<hbm>>
        %dma_start3A_435 = tpu.memref_squeeze %dma_start3A_434 : memref<1x10000x128xf32, #tpu.memory_space<hbm>> -> memref<10000x128xf32, #tpu.memory_space<hbm>>
        %dma_start3A_436 = arith.constant 0 : i32
        %dma_start3A_437 = arith.constant 0 : i32
        %dma_start3A_438 = tpu.memref_slice %dma_start3A_435[%dma_start3A_436, %dma_start3A_437] : memref<10000x128xf32, #tpu.memory_space<hbm>> -> memref<10000x128xf32, #tpu.memory_space<hbm>>
        tpu.enqueue_indirect_dma source(%dma_start3A_438 : memref<10000x128xf32, #tpu.memory_space<hbm>>) target(%arg16 : memref<80x128xf32, #tpu.memory_space<vmem>>) offsets(%arg8 : memref<80xi32, #tpu.memory_space<vmem>>) semaphore(%arg21 : memref<!tpu.dma_semaphore, #tpu.memory_space<semaphore_mem>>)
      } else {
      }
      %add3A_371 = arith.constant 4 : i32
      %add3A_372 = arith.addi %add3A_357, %add3A_371 : i32
      %lt3A_373 = arith.cmpi slt, %add3A_372, %mul3A_46 : i32
      %convert_element_type3A_374 = arith.extui %lt3A_373 : i1 to i32
      %cond3A_375 = arith.constant 0 : i32
      %cond3A_376 = arith.cmpi ne, %convert_element_type3A_374, %cond3A_375 : i32
      scf.if %cond3A_376 {
        %add3A_424 = arith.constant 4 : i32
        %add3A_425 = arith.addi %add3A_357, %add3A_424 : i32
        %mul3A_426 = arith.constant 80 : i32
        %mul3A_427 = arith.muli %add3A_425, %mul3A_426 : i32
        %add3A_428 = arith.addi %mul3A_44, %mul3A_427 : i32
        %dma_start3A_429 = tpu.memref_slice %arg2[%add3A_428] : memref<640000xi32, #tpu.memory_space<hbm>> -> memref<80xi32, #tpu.memory_space<hbm>>
        %dma_start3A_430 = tpu.memref_slice %arg2[%add3A_428] : memref<640000xi32, #tpu.memory_space<hbm>> -> memref<80xi32, #tpu.memory_space<hbm>>
        tpu.enqueue_dma source(%dma_start3A_430 : memref<80xi32, #tpu.memory_space<hbm>>) target(%arg9 : memref<80xi32, #tpu.memory_space<vmem>>) target_semaphore(%arg26 : memref<!tpu.dma_semaphore, #tpu.memory_space<semaphore_mem>>)
        %add3A_431 = arith.constant 320000 : i32
        %add3A_432 = arith.addi %add3A_431, %add3A_428 : i32
        %dma_start3A_433 = tpu.memref_slice %arg2[%add3A_432] : memref<640000xi32, #tpu.memory_space<hbm>> -> memref<80xi32, #tpu.memory_space<hbm>>
        %dma_start3A_434 = tpu.memref_slice %arg2[%add3A_432] : memref<640000xi32, #tpu.memory_space<hbm>> -> memref<80xi32, #tpu.memory_space<hbm>>
        tpu.enqueue_dma source(%dma_start3A_434 : memref<80xi32, #tpu.memory_space<hbm>>) target(%arg13 : memref<80xi32, #tpu.memory_space<vmem>>) target_semaphore(%arg26 : memref<!tpu.dma_semaphore, #tpu.memory_space<semaphore_mem>>)
      } else {
      }
      %mul3A_377 = arith.constant 4 : i32
      %mul3A_378 = arith.muli %while3A_330, %mul3A_377 : i32
      %add3A_379 = arith.constant 2 : i32
      %add3A_380 = arith.addi %mul3A_378, %add3A_379 : i32
      %dma_wait3A_381 = arith.constant 0 : i32
      %dma_wait3A_382 = arith.constant 0 : i32
      %dma_wait3A_383 = tpu.memref_slice %arg5[%while3A, %dma_wait3A_381, %dma_wait3A_382] : memref<3x10000x128xf32, #tpu.memory_space<hbm>> -> memref<1x10000x128xf32, #tpu.memory_space<hbm>>
      %dma_wait3A_384 = tpu.memref_squeeze %dma_wait3A_383 : memref<1x10000x128xf32, #tpu.memory_space<hbm>> -> memref<10000x128xf32, #tpu.memory_space<hbm>>
      %dma_wait3A_385 = arith.constant 0 : i32
      %dma_wait3A_386 = arith.constant 0 : i32
      %dma_wait3A_387 = tpu.memref_slice %dma_wait3A_384[%dma_wait3A_385, %dma_wait3A_386] : memref<10000x128xf32, #tpu.memory_space<hbm>> -> memref<10000x128xf32, #tpu.memory_space<hbm>>
      tpu.wait_indirect_dma semaphore(%arg23 : memref<!tpu.dma_semaphore, #tpu.memory_space<semaphore_mem>>) src(%dma_wait3A_387 : memref<10000x128xf32, #tpu.memory_space<hbm>>) dst(%arg18 : memref<80x128xf32, #tpu.memory_space<vmem>>)
      "tpu.region"() ({
        %run_scoped3A = tpu.sem_alloc : memref<!tpu.dma_semaphore, #tpu.memory_space<semaphore_mem>>
        %dma_start3A_424 = arith.constant 0 : i32
        %dma_start3A_425 = arith.constant 0 : i32
        %dma_start3A_426 = tpu.memref_slice %arg20[%dma_start3A_424, %dma_start3A_425] : memref<10112x128xf32, #tpu.memory_space<vmem_shared>> -> memref<10112x128xf32, #tpu.memory_space<vmem_shared>>
        tpu.enqueue_indirect_dma source(%arg18 : memref<80x128xf32, #tpu.memory_space<vmem>>) target(%dma_start3A_426 : memref<10112x128xf32, #tpu.memory_space<vmem_shared>>) offsets(%arg14 : memref<80xi32, #tpu.memory_space<vmem>>) semaphore(%run_scoped3A : memref<!tpu.dma_semaphore, #tpu.memory_space<semaphore_mem>>) {add = true}
        %dma_wait3A_427 = arith.constant 0 : i32
        %dma_wait3A_428 = arith.constant 0 : i32
        %dma_wait3A_429 = tpu.memref_slice %arg20[%dma_wait3A_427, %dma_wait3A_428] : memref<10112x128xf32, #tpu.memory_space<vmem_shared>> -> memref<10112x128xf32, #tpu.memory_space<vmem_shared>>
        tpu.wait_indirect_dma semaphore(%run_scoped3A : memref<!tpu.dma_semaphore, #tpu.memory_space<semaphore_mem>>) src(%arg18 : memref<80x128xf32, #tpu.memory_space<vmem>>) dst(%dma_wait3A_429 : memref<10112x128xf32, #tpu.memory_space<vmem_shared>>)
        tpu.yield
      }) : () -> ()
      %add3A_388 = arith.constant 3 : i32
      %add3A_389 = arith.addi %add3A_380, %add3A_388 : i32
      %lt3A_390 = arith.cmpi slt, %add3A_389, %mul3A_46 : i32
      %convert_element_type3A_391 = arith.extui %lt3A_390 : i1 to i32
      %cond3A_392 = arith.constant 0 : i32
      %cond3A_393 = arith.cmpi ne, %convert_element_type3A_391, %cond3A_392 : i32
      scf.if %cond3A_393 {
        %dma_wait3A_424 = arith.constant 0 : i32
        %dma_wait3A_425 = tpu.memref_slice %arg2[%dma_wait3A_424] : memref<640000xi32, #tpu.memory_space<hbm>> -> memref<80xi32, #tpu.memory_space<hbm>>
        %dma_wait3A_426 = arith.constant 0 : i32
        %dma_wait3A_427 = tpu.memref_slice %arg2[%dma_wait3A_426] : memref<640000xi32, #tpu.memory_space<hbm>> -> memref<80xi32, #tpu.memory_space<hbm>>
        tpu.wait_dma2 semaphore(%arg26 : memref<!tpu.dma_semaphore, #tpu.memory_space<semaphore_mem>>) src(%dma_wait3A_427 : memref<80xi32, #tpu.memory_space<hbm>>) dst(%arg9 : memref<80xi32, #tpu.memory_space<vmem>>)
        %dma_wait3A_428 = arith.constant 0 : i32
        %dma_wait3A_429 = tpu.memref_slice %arg2[%dma_wait3A_428] : memref<640000xi32, #tpu.memory_space<hbm>> -> memref<80xi32, #tpu.memory_space<hbm>>
        %dma_wait3A_430 = arith.constant 0 : i32
        %dma_wait3A_431 = tpu.memref_slice %arg2[%dma_wait3A_430] : memref<640000xi32, #tpu.memory_space<hbm>> -> memref<80xi32, #tpu.memory_space<hbm>>
        tpu.wait_dma2 semaphore(%arg26 : memref<!tpu.dma_semaphore, #tpu.memory_space<semaphore_mem>>) src(%dma_wait3A_431 : memref<80xi32, #tpu.memory_space<hbm>>) dst(%arg13 : memref<80xi32, #tpu.memory_space<vmem>>)
        %dma_start3A_432 = arith.constant 0 : i32
        %dma_start3A_433 = arith.constant 0 : i32
        %dma_start3A_434 = tpu.memref_slice %arg5[%while3A, %dma_start3A_432, %dma_start3A_433] : memref<3x10000x128xf32, #tpu.memory_space<hbm>> -> memref<1x10000x128xf32, #tpu.memory_space<hbm>>
        %dma_start3A_435 = tpu.memref_squeeze %dma_start3A_434 : memref<1x10000x128xf32, #tpu.memory_space<hbm>> -> memref<10000x128xf32, #tpu.memory_space<hbm>>
        %dma_start3A_436 = arith.constant 0 : i32
        %dma_start3A_437 = arith.constant 0 : i32
        %dma_start3A_438 = tpu.memref_slice %dma_start3A_435[%dma_start3A_436, %dma_start3A_437] : memref<10000x128xf32, #tpu.memory_space<hbm>> -> memref<10000x128xf32, #tpu.memory_space<hbm>>
        tpu.enqueue_indirect_dma source(%dma_start3A_438 : memref<10000x128xf32, #tpu.memory_space<hbm>>) target(%arg17 : memref<80x128xf32, #tpu.memory_space<vmem>>) offsets(%arg9 : memref<80xi32, #tpu.memory_space<vmem>>) semaphore(%arg22 : memref<!tpu.dma_semaphore, #tpu.memory_space<semaphore_mem>>)
      } else {
      }
      %add3A_394 = arith.constant 4 : i32
      %add3A_395 = arith.addi %add3A_380, %add3A_394 : i32
      %lt3A_396 = arith.cmpi slt, %add3A_395, %mul3A_46 : i32
      %convert_element_type3A_397 = arith.extui %lt3A_396 : i1 to i32
      %cond3A_398 = arith.constant 0 : i32
      %cond3A_399 = arith.cmpi ne, %convert_element_type3A_397, %cond3A_398 : i32
      scf.if %cond3A_399 {
        %add3A_424 = arith.constant 4 : i32
        %add3A_425 = arith.addi %add3A_380, %add3A_424 : i32
        %mul3A_426 = arith.constant 80 : i32
        %mul3A_427 = arith.muli %add3A_425, %mul3A_426 : i32
        %add3A_428 = arith.addi %mul3A_44, %mul3A_427 : i32
        %dma_start3A_429 = tpu.memref_slice %arg2[%add3A_428] : memref<640000xi32, #tpu.memory_space<hbm>> -> memref<80xi32, #tpu.memory_space<hbm>>
        %dma_start3A_430 = tpu.memref_slice %arg2[%add3A_428] : memref<640000xi32, #tpu.memory_space<hbm>> -> memref<80xi32, #tpu.memory_space<hbm>>
        tpu.enqueue_dma source(%dma_start3A_430 : memref<80xi32, #tpu.memory_space<hbm>>) target(%arg10 : memref<80xi32, #tpu.memory_space<vmem>>) target_semaphore(%arg27 : memref<!tpu.dma_semaphore, #tpu.memory_space<semaphore_mem>>)
        %add3A_431 = arith.constant 320000 : i32
        %add3A_432 = arith.addi %add3A_431, %add3A_428 : i32
        %dma_start3A_433 = tpu.memref_slice %arg2[%add3A_432] : memref<640000xi32, #tpu.memory_space<hbm>> -> memref<80xi32, #tpu.memory_space<hbm>>
        %dma_start3A_434 = tpu.memref_slice %arg2[%add3A_432] : memref<640000xi32, #tpu.memory_space<hbm>> -> memref<80xi32, #tpu.memory_space<hbm>>
        tpu.enqueue_dma source(%dma_start3A_434 : memref<80xi32, #tpu.memory_space<hbm>>) target(%arg14 : memref<80xi32, #tpu.memory_space<vmem>>) target_semaphore(%arg27 : memref<!tpu.dma_semaphore, #tpu.memory_space<semaphore_mem>>)
      } else {
      }
      %mul3A_400 = arith.constant 4 : i32
      %mul3A_401 = arith.muli %while3A_330, %mul3A_400 : i32
      %add3A_402 = arith.constant 3 : i32
      %add3A_403 = arith.addi %mul3A_401, %add3A_402 : i32
      %dma_wait3A_404 = arith.constant 0 : i32
      %dma_wait3A_405 = arith.constant 0 : i32
      %dma_wait3A_406 = tpu.memref_slice %arg5[%while3A, %dma_wait3A_404, %dma_wait3A_405] : memref<3x10000x128xf32, #tpu.memory_space<hbm>> -> memref<1x10000x128xf32, #tpu.memory_space<hbm>>
      %dma_wait3A_407 = tpu.memref_squeeze %dma_wait3A_406 : memref<1x10000x128xf32, #tpu.memory_space<hbm>> -> memref<10000x128xf32, #tpu.memory_space<hbm>>
      %dma_wait3A_408 = arith.constant 0 : i32
      %dma_wait3A_409 = arith.constant 0 : i32
      %dma_wait3A_410 = tpu.memref_slice %dma_wait3A_407[%dma_wait3A_408, %dma_wait3A_409] : memref<10000x128xf32, #tpu.memory_space<hbm>> -> memref<10000x128xf32, #tpu.memory_space<hbm>>
      tpu.wait_indirect_dma semaphore(%arg24 : memref<!tpu.dma_semaphore, #tpu.memory_space<semaphore_mem>>) src(%dma_wait3A_410 : memref<10000x128xf32, #tpu.memory_space<hbm>>) dst(%arg19 : memref<80x128xf32, #tpu.memory_space<vmem>>)
      "tpu.region"() ({
        %run_scoped3A = tpu.sem_alloc : memref<!tpu.dma_semaphore, #tpu.memory_space<semaphore_mem>>
        %dma_start3A_424 = arith.constant 0 : i32
        %dma_start3A_425 = arith.constant 0 : i32
        %dma_start3A_426 = tpu.memref_slice %arg20[%dma_start3A_424, %dma_start3A_425] : memref<10112x128xf32, #tpu.memory_space<vmem_shared>> -> memref<10112x128xf32, #tpu.memory_space<vmem_shared>>
        tpu.enqueue_indirect_dma source(%arg19 : memref<80x128xf32, #tpu.memory_space<vmem>>) target(%dma_start3A_426 : memref<10112x128xf32, #tpu.memory_space<vmem_shared>>) offsets(%arg15 : memref<80xi32, #tpu.memory_space<vmem>>) semaphore(%run_scoped3A : memref<!tpu.dma_semaphore, #tpu.memory_space<semaphore_mem>>) {add = true}
        %dma_wait3A_427 = arith.constant 0 : i32
        %dma_wait3A_428 = arith.constant 0 : i32
        %dma_wait3A_429 = tpu.memref_slice %arg20[%dma_wait3A_427, %dma_wait3A_428] : memref<10112x128xf32, #tpu.memory_space<vmem_shared>> -> memref<10112x128xf32, #tpu.memory_space<vmem_shared>>
        tpu.wait_indirect_dma semaphore(%run_scoped3A : memref<!tpu.dma_semaphore, #tpu.memory_space<semaphore_mem>>) src(%arg19 : memref<80x128xf32, #tpu.memory_space<vmem>>) dst(%dma_wait3A_429 : memref<10112x128xf32, #tpu.memory_space<vmem_shared>>)
        tpu.yield
      }) : () -> ()
      %add3A_411 = arith.constant 3 : i32
      %add3A_412 = arith.addi %add3A_403, %add3A_411 : i32
      %lt3A_413 = arith.cmpi slt, %add3A_412, %mul3A_46 : i32
      %convert_element_type3A_414 = arith.extui %lt3A_413 : i1 to i32
      %cond3A_415 = arith.constant 0 : i32
      %cond3A_416 = arith.cmpi ne, %convert_element_type3A_414, %cond3A_415 : i32
      scf.if %cond3A_416 {
        %dma_wait3A_424 = arith.constant 0 : i32
        %dma_wait3A_425 = tpu.memref_slice %arg2[%dma_wait3A_424] : memref<640000xi32, #tpu.memory_space<hbm>> -> memref<80xi32, #tpu.memory_space<hbm>>
        %dma_wait3A_426 = arith.constant 0 : i32
        %dma_wait3A_427 = tpu.memref_slice %arg2[%dma_wait3A_426] : memref<640000xi32, #tpu.memory_space<hbm>> -> memref<80xi32, #tpu.memory_space<hbm>>
        tpu.wait_dma2 semaphore(%arg27 : memref<!tpu.dma_semaphore, #tpu.memory_space<semaphore_mem>>) src(%dma_wait3A_427 : memref<80xi32, #tpu.memory_space<hbm>>) dst(%arg10 : memref<80xi32, #tpu.memory_space<vmem>>)
        %dma_wait3A_428 = arith.constant 0 : i32
        %dma_wait3A_429 = tpu.memref_slice %arg2[%dma_wait3A_428] : memref<640000xi32, #tpu.memory_space<hbm>> -> memref<80xi32, #tpu.memory_space<hbm>>
        %dma_wait3A_430 = arith.constant 0 : i32
        %dma_wait3A_431 = tpu.memref_slice %arg2[%dma_wait3A_430] : memref<640000xi32, #tpu.memory_space<hbm>> -> memref<80xi32, #tpu.memory_space<hbm>>
        tpu.wait_dma2 semaphore(%arg27 : memref<!tpu.dma_semaphore, #tpu.memory_space<semaphore_mem>>) src(%dma_wait3A_431 : memref<80xi32, #tpu.memory_space<hbm>>) dst(%arg14 : memref<80xi32, #tpu.memory_space<vmem>>)
        %dma_start3A_432 = arith.constant 0 : i32
        %dma_start3A_433 = arith.constant 0 : i32
        %dma_start3A_434 = tpu.memref_slice %arg5[%while3A, %dma_start3A_432, %dma_start3A_433] : memref<3x10000x128xf32, #tpu.memory_space<hbm>> -> memref<1x10000x128xf32, #tpu.memory_space<hbm>>
        %dma_start3A_435 = tpu.memref_squeeze %dma_start3A_434 : memref<1x10000x128xf32, #tpu.memory_space<hbm>> -> memref<10000x128xf32, #tpu.memory_space<hbm>>
        %dma_start3A_436 = arith.constant 0 : i32
        %dma_start3A_437 = arith.constant 0 : i32
        %dma_start3A_438 = tpu.memref_slice %dma_start3A_435[%dma_start3A_436, %dma_start3A_437] : memref<10000x128xf32, #tpu.memory_space<hbm>> -> memref<10000x128xf32, #tpu.memory_space<hbm>>
        tpu.enqueue_indirect_dma source(%dma_start3A_438 : memref<10000x128xf32, #tpu.memory_space<hbm>>) target(%arg18 : memref<80x128xf32, #tpu.memory_space<vmem>>) offsets(%arg10 : memref<80xi32, #tpu.memory_space<vmem>>) semaphore(%arg23 : memref<!tpu.dma_semaphore, #tpu.memory_space<semaphore_mem>>)
      } else {
      }
      %add3A_417 = arith.constant 4 : i32
      %add3A_418 = arith.addi %add3A_403, %add3A_417 : i32
      %lt3A_419 = arith.cmpi slt, %add3A_418, %mul3A_46 : i32
      %convert_element_type3A_420 = arith.extui %lt3A_419 : i1 to i32
      %cond3A_421 = arith.constant 0 : i32
      %cond3A_422 = arith.cmpi ne, %convert_element_type3A_420, %cond3A_421 : i32
      scf.if %cond3A_422 {
        %add3A_424 = arith.constant 4 : i32
        %add3A_425 = arith.addi %add3A_403, %add3A_424 : i32
        %mul3A_426 = arith.constant 80 : i32
        %mul3A_427 = arith.muli %add3A_425, %mul3A_426 : i32
        %add3A_428 = arith.addi %mul3A_44, %mul3A_427 : i32
        %dma_start3A_429 = tpu.memref_slice %arg2[%add3A_428] : memref<640000xi32, #tpu.memory_space<hbm>> -> memref<80xi32, #tpu.memory_space<hbm>>
        %dma_start3A_430 = tpu.memref_slice %arg2[%add3A_428] : memref<640000xi32, #tpu.memory_space<hbm>> -> memref<80xi32, #tpu.memory_space<hbm>>
        tpu.enqueue_dma source(%dma_start3A_430 : memref<80xi32, #tpu.memory_space<hbm>>) target(%arg11 : memref<80xi32, #tpu.memory_space<vmem>>) target_semaphore(%arg28 : memref<!tpu.dma_semaphore, #tpu.memory_space<semaphore_mem>>)
        %add3A_431 = arith.constant 320000 : i32
        %add3A_432 = arith.addi %add3A_431, %add3A_428 : i32
        %dma_start3A_433 = tpu.memref_slice %arg2[%add3A_432] : memref<640000xi32, #tpu.memory_space<hbm>> -> memref<80xi32, #tpu.memory_space<hbm>>
        %dma_start3A_434 = tpu.memref_slice %arg2[%add3A_432] : memref<640000xi32, #tpu.memory_space<hbm>> -> memref<80xi32, #tpu.memory_space<hbm>>
        tpu.enqueue_dma source(%dma_start3A_434 : memref<80xi32, #tpu.memory_space<hbm>>) target(%arg15 : memref<80xi32, #tpu.memory_space<vmem>>) target_semaphore(%arg28 : memref<!tpu.dma_semaphore, #tpu.memory_space<semaphore_mem>>)
      } else {
      }
      %while3A_423 = arith.constant 0 : i32
      scf.yield %while3A_423 : i32
    }
    %add3A_139 = arith.constant 0 : i32
    %add3A_140 = arith.addi %mul3A_44, %add3A_139 : i32
    %dma_start3A_141 = tpu.memref_slice %arg3[%add3A_140] : memref<640000xi32, #tpu.memory_space<hbm>> -> memref<80xi32, #tpu.memory_space<hbm>>
    %dma_start3A_142 = tpu.memref_slice %arg3[%add3A_140] : memref<640000xi32, #tpu.memory_space<hbm>> -> memref<80xi32, #tpu.memory_space<hbm>>
    tpu.enqueue_dma source(%dma_start3A_142 : memref<80xi32, #tpu.memory_space<hbm>>) target(%arg8 : memref<80xi32, #tpu.memory_space<vmem>>) target_semaphore(%arg25 : memref<!tpu.dma_semaphore, #tpu.memory_space<semaphore_mem>>)
    %add3A_143 = arith.constant 320000 : i32
    %add3A_144 = arith.addi %add3A_143, %add3A_140 : i32
    %dma_start3A_145 = tpu.memref_slice %arg3[%add3A_144] : memref<640000xi32, #tpu.memory_space<hbm>> -> memref<80xi32, #tpu.memory_space<hbm>>
    %dma_start3A_146 = tpu.memref_slice %arg3[%add3A_144] : memref<640000xi32, #tpu.memory_space<hbm>> -> memref<80xi32, #tpu.memory_space<hbm>>
    tpu.enqueue_dma source(%dma_start3A_146 : memref<80xi32, #tpu.memory_space<hbm>>) target(%arg12 : memref<80xi32, #tpu.memory_space<vmem>>) target_semaphore(%arg25 : memref<!tpu.dma_semaphore, #tpu.memory_space<semaphore_mem>>)
    %add3A_147 = arith.constant 80 : i32
    %add3A_148 = arith.addi %mul3A_44, %add3A_147 : i32
    %dma_start3A_149 = tpu.memref_slice %arg3[%add3A_148] : memref<640000xi32, #tpu.memory_space<hbm>> -> memref<80xi32, #tpu.memory_space<hbm>>
    %dma_start3A_150 = tpu.memref_slice %arg3[%add3A_148] : memref<640000xi32, #tpu.memory_space<hbm>> -> memref<80xi32, #tpu.memory_space<hbm>>
    tpu.enqueue_dma source(%dma_start3A_150 : memref<80xi32, #tpu.memory_space<hbm>>) target(%arg9 : memref<80xi32, #tpu.memory_space<vmem>>) target_semaphore(%arg26 : memref<!tpu.dma_semaphore, #tpu.memory_space<semaphore_mem>>)
    %add3A_151 = arith.constant 320000 : i32
    %add3A_152 = arith.addi %add3A_151, %add3A_148 : i32
    %dma_start3A_153 = tpu.memref_slice %arg3[%add3A_152] : memref<640000xi32, #tpu.memory_space<hbm>> -> memref<80xi32, #tpu.memory_space<hbm>>
    %dma_start3A_154 = tpu.memref_slice %arg3[%add3A_152] : memref<640000xi32, #tpu.memory_space<hbm>> -> memref<80xi32, #tpu.memory_space<hbm>>
    tpu.enqueue_dma source(%dma_start3A_154 : memref<80xi32, #tpu.memory_space<hbm>>) target(%arg13 : memref<80xi32, #tpu.memory_space<vmem>>) target_semaphore(%arg26 : memref<!tpu.dma_semaphore, #tpu.memory_space<semaphore_mem>>)
    %add3A_155 = arith.constant 160 : i32
    %add3A_156 = arith.addi %mul3A_44, %add3A_155 : i32
    %dma_start3A_157 = tpu.memref_slice %arg3[%add3A_156] : memref<640000xi32, #tpu.memory_space<hbm>> -> memref<80xi32, #tpu.memory_space<hbm>>
    %dma_start3A_158 = tpu.memref_slice %arg3[%add3A_156] : memref<640000xi32, #tpu.memory_space<hbm>> -> memref<80xi32, #tpu.memory_space<hbm>>
    tpu.enqueue_dma source(%dma_start3A_158 : memref<80xi32, #tpu.memory_space<hbm>>) target(%arg10 : memref<80xi32, #tpu.memory_space<vmem>>) target_semaphore(%arg27 : memref<!tpu.dma_semaphore, #tpu.memory_space<semaphore_mem>>)
    %add3A_159 = arith.constant 320000 : i32
    %add3A_160 = arith.addi %add3A_159, %add3A_156 : i32
    %dma_start3A_161 = tpu.memref_slice %arg3[%add3A_160] : memref<640000xi32, #tpu.memory_space<hbm>> -> memref<80xi32, #tpu.memory_space<hbm>>
    %dma_start3A_162 = tpu.memref_slice %arg3[%add3A_160] : memref<640000xi32, #tpu.memory_space<hbm>> -> memref<80xi32, #tpu.memory_space<hbm>>
    tpu.enqueue_dma source(%dma_start3A_162 : memref<80xi32, #tpu.memory_space<hbm>>) target(%arg14 : memref<80xi32, #tpu.memory_space<vmem>>) target_semaphore(%arg27 : memref<!tpu.dma_semaphore, #tpu.memory_space<semaphore_mem>>)
    %add3A_163 = arith.constant 240 : i32
    %add3A_164 = arith.addi %mul3A_44, %add3A_163 : i32
    %dma_start3A_165 = tpu.memref_slice %arg3[%add3A_164] : memref<640000xi32, #tpu.memory_space<hbm>> -> memref<80xi32, #tpu.memory_space<hbm>>
    %dma_start3A_166 = tpu.memref_slice %arg3[%add3A_164] : memref<640000xi32, #tpu.memory_space<hbm>> -> memref<80xi32, #tpu.memory_space<hbm>>
    tpu.enqueue_dma source(%dma_start3A_166 : memref<80xi32, #tpu.memory_space<hbm>>) target(%arg11 : memref<80xi32, #tpu.memory_space<vmem>>) target_semaphore(%arg28 : memref<!tpu.dma_semaphore, #tpu.memory_space<semaphore_mem>>)
    %add3A_167 = arith.constant 320000 : i32
    %add3A_168 = arith.addi %add3A_167, %add3A_164 : i32
    %dma_start3A_169 = tpu.memref_slice %arg3[%add3A_168] : memref<640000xi32, #tpu.memory_space<hbm>> -> memref<80xi32, #tpu.memory_space<hbm>>
    %dma_start3A_170 = tpu.memref_slice %arg3[%add3A_168] : memref<640000xi32, #tpu.memory_space<hbm>> -> memref<80xi32, #tpu.memory_space<hbm>>
    tpu.enqueue_dma source(%dma_start3A_170 : memref<80xi32, #tpu.memory_space<hbm>>) target(%arg15 : memref<80xi32, #tpu.memory_space<vmem>>) target_semaphore(%arg28 : memref<!tpu.dma_semaphore, #tpu.memory_space<semaphore_mem>>)
    %dma_wait3A_171 = arith.constant 0 : i32
    %dma_wait3A_172 = tpu.memref_slice %arg3[%dma_wait3A_171] : memref<640000xi32, #tpu.memory_space<hbm>> -> memref<80xi32, #tpu.memory_space<hbm>>
    %dma_wait3A_173 = arith.constant 0 : i32
    %dma_wait3A_174 = tpu.memref_slice %arg3[%dma_wait3A_173] : memref<640000xi32, #tpu.memory_space<hbm>> -> memref<80xi32, #tpu.memory_space<hbm>>
    tpu.wait_dma2 semaphore(%arg25 : memref<!tpu.dma_semaphore, #tpu.memory_space<semaphore_mem>>) src(%dma_wait3A_174 : memref<80xi32, #tpu.memory_space<hbm>>) dst(%arg8 : memref<80xi32, #tpu.memory_space<vmem>>)
    %dma_wait3A_175 = arith.constant 0 : i32
    %dma_wait3A_176 = tpu.memref_slice %arg3[%dma_wait3A_175] : memref<640000xi32, #tpu.memory_space<hbm>> -> memref<80xi32, #tpu.memory_space<hbm>>
    %dma_wait3A_177 = arith.constant 0 : i32
    %dma_wait3A_178 = tpu.memref_slice %arg3[%dma_wait3A_177] : memref<640000xi32, #tpu.memory_space<hbm>> -> memref<80xi32, #tpu.memory_space<hbm>>
    tpu.wait_dma2 semaphore(%arg25 : memref<!tpu.dma_semaphore, #tpu.memory_space<semaphore_mem>>) src(%dma_wait3A_178 : memref<80xi32, #tpu.memory_space<hbm>>) dst(%arg12 : memref<80xi32, #tpu.memory_space<vmem>>)
    %dma_start3A_179 = arith.constant 1 : i32
    %dma_start3A_180 = arith.constant 0 : i32
    %dma_start3A_181 = arith.constant 0 : i32
    %dma_start3A_182 = tpu.memref_slice %arg5[%dma_start3A_179, %dma_start3A_180, %dma_start3A_181] : memref<3x10000x128xf32, #tpu.memory_space<hbm>> -> memref<1x10000x128xf32, #tpu.memory_space<hbm>>
    %dma_start3A_183 = tpu.memref_squeeze %dma_start3A_182 : memref<1x10000x128xf32, #tpu.memory_space<hbm>> -> memref<10000x128xf32, #tpu.memory_space<hbm>>
    %dma_start3A_184 = arith.constant 0 : i32
    %dma_start3A_185 = arith.constant 0 : i32
    %dma_start3A_186 = tpu.memref_slice %dma_start3A_183[%dma_start3A_184, %dma_start3A_185] : memref<10000x128xf32, #tpu.memory_space<hbm>> -> memref<10000x128xf32, #tpu.memory_space<hbm>>
    tpu.enqueue_indirect_dma source(%dma_start3A_186 : memref<10000x128xf32, #tpu.memory_space<hbm>>) target(%arg16 : memref<80x128xf32, #tpu.memory_space<vmem>>) offsets(%arg8 : memref<80xi32, #tpu.memory_space<vmem>>) semaphore(%arg21 : memref<!tpu.dma_semaphore, #tpu.memory_space<semaphore_mem>>)
    %dma_wait3A_187 = arith.constant 0 : i32
    %dma_wait3A_188 = tpu.memref_slice %arg3[%dma_wait3A_187] : memref<640000xi32, #tpu.memory_space<hbm>> -> memref<80xi32, #tpu.memory_space<hbm>>
    %dma_wait3A_189 = arith.constant 0 : i32
    %dma_wait3A_190 = tpu.memref_slice %arg3[%dma_wait3A_189] : memref<640000xi32, #tpu.memory_space<hbm>> -> memref<80xi32, #tpu.memory_space<hbm>>
    tpu.wait_dma2 semaphore(%arg26 : memref<!tpu.dma_semaphore, #tpu.memory_space<semaphore_mem>>) src(%dma_wait3A_190 : memref<80xi32, #tpu.memory_space<hbm>>) dst(%arg9 : memref<80xi32, #tpu.memory_space<vmem>>)
    %dma_wait3A_191 = arith.constant 0 : i32
    %dma_wait3A_192 = tpu.memref_slice %arg3[%dma_wait3A_191] : memref<640000xi32, #tpu.memory_space<hbm>> -> memref<80xi32, #tpu.memory_space<hbm>>
    %dma_wait3A_193 = arith.constant 0 : i32
    %dma_wait3A_194 = tpu.memref_slice %arg3[%dma_wait3A_193] : memref<640000xi32, #tpu.memory_space<hbm>> -> memref<80xi32, #tpu.memory_space<hbm>>
    tpu.wait_dma2 semaphore(%arg26 : memref<!tpu.dma_semaphore, #tpu.memory_space<semaphore_mem>>) src(%dma_wait3A_194 : memref<80xi32, #tpu.memory_space<hbm>>) dst(%arg13 : memref<80xi32, #tpu.memory_space<vmem>>)
    %dma_start3A_195 = arith.constant 1 : i32
    %dma_start3A_196 = arith.constant 0 : i32
    %dma_start3A_197 = arith.constant 0 : i32
    %dma_start3A_198 = tpu.memref_slice %arg5[%dma_start3A_195, %dma_start3A_196, %dma_start3A_197] : memref<3x10000x128xf32, #tpu.memory_space<hbm>> -> memref<1x10000x128xf32, #tpu.memory_space<hbm>>
    %dma_start3A_199 = tpu.memref_squeeze %dma_start3A_198 : memref<1x10000x128xf32, #tpu.memory_space<hbm>> -> memref<10000x128xf32, #tpu.memory_space<hbm>>
    %dma_start3A_200 = arith.constant 0 : i32
    %dma_start3A_201 = arith.constant 0 : i32
    %dma_start3A_202 = tpu.memref_slice %dma_start3A_199[%dma_start3A_200, %dma_start3A_201] : memref<10000x128xf32, #tpu.memory_space<hbm>> -> memref<10000x128xf32, #tpu.memory_space<hbm>>
    tpu.enqueue_indirect_dma source(%dma_start3A_202 : memref<10000x128xf32, #tpu.memory_space<hbm>>) target(%arg17 : memref<80x128xf32, #tpu.memory_space<vmem>>) offsets(%arg9 : memref<80xi32, #tpu.memory_space<vmem>>) semaphore(%arg22 : memref<!tpu.dma_semaphore, #tpu.memory_space<semaphore_mem>>)
    %dma_wait3A_203 = arith.constant 0 : i32
    %dma_wait3A_204 = tpu.memref_slice %arg3[%dma_wait3A_203] : memref<640000xi32, #tpu.memory_space<hbm>> -> memref<80xi32, #tpu.memory_space<hbm>>
    %dma_wait3A_205 = arith.constant 0 : i32
    %dma_wait3A_206 = tpu.memref_slice %arg3[%dma_wait3A_205] : memref<640000xi32, #tpu.memory_space<hbm>> -> memref<80xi32, #tpu.memory_space<hbm>>
    tpu.wait_dma2 semaphore(%arg27 : memref<!tpu.dma_semaphore, #tpu.memory_space<semaphore_mem>>) src(%dma_wait3A_206 : memref<80xi32, #tpu.memory_space<hbm>>) dst(%arg10 : memref<80xi32, #tpu.memory_space<vmem>>)
    %dma_wait3A_207 = arith.constant 0 : i32
    %dma_wait3A_208 = tpu.memref_slice %arg3[%dma_wait3A_207] : memref<640000xi32, #tpu.memory_space<hbm>> -> memref<80xi32, #tpu.memory_space<hbm>>
    %dma_wait3A_209 = arith.constant 0 : i32
    %dma_wait3A_210 = tpu.memref_slice %arg3[%dma_wait3A_209] : memref<640000xi32, #tpu.memory_space<hbm>> -> memref<80xi32, #tpu.memory_space<hbm>>
    tpu.wait_dma2 semaphore(%arg27 : memref<!tpu.dma_semaphore, #tpu.memory_space<semaphore_mem>>) src(%dma_wait3A_210 : memref<80xi32, #tpu.memory_space<hbm>>) dst(%arg14 : memref<80xi32, #tpu.memory_space<vmem>>)
    %dma_start3A_211 = arith.constant 1 : i32
    %dma_start3A_212 = arith.constant 0 : i32
    %dma_start3A_213 = arith.constant 0 : i32
    %dma_start3A_214 = tpu.memref_slice %arg5[%dma_start3A_211, %dma_start3A_212, %dma_start3A_213] : memref<3x10000x128xf32, #tpu.memory_space<hbm>> -> memref<1x10000x128xf32, #tpu.memory_space<hbm>>
    %dma_start3A_215 = tpu.memref_squeeze %dma_start3A_214 : memref<1x10000x128xf32, #tpu.memory_space<hbm>> -> memref<10000x128xf32, #tpu.memory_space<hbm>>
    %dma_start3A_216 = arith.constant 0 : i32
    %dma_start3A_217 = arith.constant 0 : i32
    %dma_start3A_218 = tpu.memref_slice %dma_start3A_215[%dma_start3A_216, %dma_start3A_217] : memref<10000x128xf32, #tpu.memory_space<hbm>> -> memref<10000x128xf32, #tpu.memory_space<hbm>>
    tpu.enqueue_indirect_dma source(%dma_start3A_218 : memref<10000x128xf32, #tpu.memory_space<hbm>>) target(%arg18 : memref<80x128xf32, #tpu.memory_space<vmem>>) offsets(%arg10 : memref<80xi32, #tpu.memory_space<vmem>>) semaphore(%arg23 : memref<!tpu.dma_semaphore, #tpu.memory_space<semaphore_mem>>)
    %while3A_219 = arith.constant 1 : i32
    %while3A_220 = arith.constant 0 : i32
    %while3A_221 = arith.constant 0 : i32
    %while3A_222 = arith.subi %add3A_40, %while3A_220 : i32
    %while3A_223 = arith.addi %while3A_220, %while3A_222 : i32
    %while3A_224 = arith.constant 1 : i32
    %while3A_225 = arith.divsi %while3A_222, %while3A_224 : i32
    %while3A_226 = arith.muli %while3A_225, %while3A_224 : i32
    %while3A_227 = arith.addi %while3A_220, %while3A_226 : i32
    %while3A_228 = arith.constant 1 : i32
    %while3A_229 = scf.for %while3A_330 = %while3A_220 to %while3A_227 step %while3A_228 iter_args(%while3A_331 = %while3A_221) -> (i32)  : i32 {
      %mul3A_332 = arith.constant 4 : i32
      %mul3A_333 = arith.muli %while3A_330, %mul3A_332 : i32
      %add3A_334 = arith.constant 0 : i32
      %add3A_335 = arith.addi %mul3A_333, %add3A_334 : i32
      %dma_wait3A_336 = arith.constant 0 : i32
      %dma_wait3A_337 = arith.constant 0 : i32
      %dma_wait3A_338 = tpu.memref_slice %arg5[%while3A_219, %dma_wait3A_336, %dma_wait3A_337] : memref<3x10000x128xf32, #tpu.memory_space<hbm>> -> memref<1x10000x128xf32, #tpu.memory_space<hbm>>
      %dma_wait3A_339 = tpu.memref_squeeze %dma_wait3A_338 : memref<1x10000x128xf32, #tpu.memory_space<hbm>> -> memref<10000x128xf32, #tpu.memory_space<hbm>>
      %dma_wait3A_340 = arith.constant 0 : i32
      %dma_wait3A_341 = arith.constant 0 : i32
      %dma_wait3A_342 = tpu.memref_slice %dma_wait3A_339[%dma_wait3A_340, %dma_wait3A_341] : memref<10000x128xf32, #tpu.memory_space<hbm>> -> memref<10000x128xf32, #tpu.memory_space<hbm>>
      tpu.wait_indirect_dma semaphore(%arg21 : memref<!tpu.dma_semaphore, #tpu.memory_space<semaphore_mem>>) src(%dma_wait3A_342 : memref<10000x128xf32, #tpu.memory_space<hbm>>) dst(%arg16 : memref<80x128xf32, #tpu.memory_space<vmem>>)
      "tpu.region"() ({
        %run_scoped3A = tpu.sem_alloc : memref<!tpu.dma_semaphore, #tpu.memory_space<semaphore_mem>>
        %dma_start3A_424 = arith.constant 0 : i32
        %dma_start3A_425 = arith.constant 0 : i32
        %dma_start3A_426 = tpu.memref_slice %arg20[%dma_start3A_424, %dma_start3A_425] : memref<10112x128xf32, #tpu.memory_space<vmem_shared>> -> memref<10112x128xf32, #tpu.memory_space<vmem_shared>>
        tpu.enqueue_indirect_dma source(%arg16 : memref<80x128xf32, #tpu.memory_space<vmem>>) target(%dma_start3A_426 : memref<10112x128xf32, #tpu.memory_space<vmem_shared>>) offsets(%arg12 : memref<80xi32, #tpu.memory_space<vmem>>) semaphore(%run_scoped3A : memref<!tpu.dma_semaphore, #tpu.memory_space<semaphore_mem>>) {add = true}
        %dma_wait3A_427 = arith.constant 0 : i32
        %dma_wait3A_428 = arith.constant 0 : i32
        %dma_wait3A_429 = tpu.memref_slice %arg20[%dma_wait3A_427, %dma_wait3A_428] : memref<10112x128xf32, #tpu.memory_space<vmem_shared>> -> memref<10112x128xf32, #tpu.memory_space<vmem_shared>>
        tpu.wait_indirect_dma semaphore(%run_scoped3A : memref<!tpu.dma_semaphore, #tpu.memory_space<semaphore_mem>>) src(%arg16 : memref<80x128xf32, #tpu.memory_space<vmem>>) dst(%dma_wait3A_429 : memref<10112x128xf32, #tpu.memory_space<vmem_shared>>)
        tpu.yield
      }) : () -> ()
      %add3A_343 = arith.constant 3 : i32
      %add3A_344 = arith.addi %add3A_335, %add3A_343 : i32
      %lt3A_345 = arith.cmpi slt, %add3A_344, %mul3A_46 : i32
      %convert_element_type3A_346 = arith.extui %lt3A_345 : i1 to i32
      %cond3A = arith.constant 0 : i32
      %cond3A_347 = arith.cmpi ne, %convert_element_type3A_346, %cond3A : i32
      scf.if %cond3A_347 {
        %dma_wait3A_424 = arith.constant 0 : i32
        %dma_wait3A_425 = tpu.memref_slice %arg3[%dma_wait3A_424] : memref<640000xi32, #tpu.memory_space<hbm>> -> memref<80xi32, #tpu.memory_space<hbm>>
        %dma_wait3A_426 = arith.constant 0 : i32
        %dma_wait3A_427 = tpu.memref_slice %arg3[%dma_wait3A_426] : memref<640000xi32, #tpu.memory_space<hbm>> -> memref<80xi32, #tpu.memory_space<hbm>>
        tpu.wait_dma2 semaphore(%arg28 : memref<!tpu.dma_semaphore, #tpu.memory_space<semaphore_mem>>) src(%dma_wait3A_427 : memref<80xi32, #tpu.memory_space<hbm>>) dst(%arg11 : memref<80xi32, #tpu.memory_space<vmem>>)
        %dma_wait3A_428 = arith.constant 0 : i32
        %dma_wait3A_429 = tpu.memref_slice %arg3[%dma_wait3A_428] : memref<640000xi32, #tpu.memory_space<hbm>> -> memref<80xi32, #tpu.memory_space<hbm>>
        %dma_wait3A_430 = arith.constant 0 : i32
        %dma_wait3A_431 = tpu.memref_slice %arg3[%dma_wait3A_430] : memref<640000xi32, #tpu.memory_space<hbm>> -> memref<80xi32, #tpu.memory_space<hbm>>
        tpu.wait_dma2 semaphore(%arg28 : memref<!tpu.dma_semaphore, #tpu.memory_space<semaphore_mem>>) src(%dma_wait3A_431 : memref<80xi32, #tpu.memory_space<hbm>>) dst(%arg15 : memref<80xi32, #tpu.memory_space<vmem>>)
        %dma_start3A_432 = arith.constant 0 : i32
        %dma_start3A_433 = arith.constant 0 : i32
        %dma_start3A_434 = tpu.memref_slice %arg5[%while3A_219, %dma_start3A_432, %dma_start3A_433] : memref<3x10000x128xf32, #tpu.memory_space<hbm>> -> memref<1x10000x128xf32, #tpu.memory_space<hbm>>
        %dma_start3A_435 = tpu.memref_squeeze %dma_start3A_434 : memref<1x10000x128xf32, #tpu.memory_space<hbm>> -> memref<10000x128xf32, #tpu.memory_space<hbm>>
        %dma_start3A_436 = arith.constant 0 : i32
        %dma_start3A_437 = arith.constant 0 : i32
        %dma_start3A_438 = tpu.memref_slice %dma_start3A_435[%dma_start3A_436, %dma_start3A_437] : memref<10000x128xf32, #tpu.memory_space<hbm>> -> memref<10000x128xf32, #tpu.memory_space<hbm>>
        tpu.enqueue_indirect_dma source(%dma_start3A_438 : memref<10000x128xf32, #tpu.memory_space<hbm>>) target(%arg19 : memref<80x128xf32, #tpu.memory_space<vmem>>) offsets(%arg11 : memref<80xi32, #tpu.memory_space<vmem>>) semaphore(%arg24 : memref<!tpu.dma_semaphore, #tpu.memory_space<semaphore_mem>>)
      } else {
      }
      %add3A_348 = arith.constant 4 : i32
      %add3A_349 = arith.addi %add3A_335, %add3A_348 : i32
      %lt3A_350 = arith.cmpi slt, %add3A_349, %mul3A_46 : i32
      %convert_element_type3A_351 = arith.extui %lt3A_350 : i1 to i32
      %cond3A_352 = arith.constant 0 : i32
      %cond3A_353 = arith.cmpi ne, %convert_element_type3A_351, %cond3A_352 : i32
      scf.if %cond3A_353 {
        %add3A_424 = arith.constant 4 : i32
        %add3A_425 = arith.addi %add3A_335, %add3A_424 : i32
        %mul3A_426 = arith.constant 80 : i32
        %mul3A_427 = arith.muli %add3A_425, %mul3A_426 : i32
        %add3A_428 = arith.addi %mul3A_44, %mul3A_427 : i32
        %dma_start3A_429 = tpu.memref_slice %arg3[%add3A_428] : memref<640000xi32, #tpu.memory_space<hbm>> -> memref<80xi32, #tpu.memory_space<hbm>>
        %dma_start3A_430 = tpu.memref_slice %arg3[%add3A_428] : memref<640000xi32, #tpu.memory_space<hbm>> -> memref<80xi32, #tpu.memory_space<hbm>>
        tpu.enqueue_dma source(%dma_start3A_430 : memref<80xi32, #tpu.memory_space<hbm>>) target(%arg8 : memref<80xi32, #tpu.memory_space<vmem>>) target_semaphore(%arg25 : memref<!tpu.dma_semaphore, #tpu.memory_space<semaphore_mem>>)
        %add3A_431 = arith.constant 320000 : i32
        %add3A_432 = arith.addi %add3A_431, %add3A_428 : i32
        %dma_start3A_433 = tpu.memref_slice %arg3[%add3A_432] : memref<640000xi32, #tpu.memory_space<hbm>> -> memref<80xi32, #tpu.memory_space<hbm>>
        %dma_start3A_434 = tpu.memref_slice %arg3[%add3A_432] : memref<640000xi32, #tpu.memory_space<hbm>> -> memref<80xi32, #tpu.memory_space<hbm>>
        tpu.enqueue_dma source(%dma_start3A_434 : memref<80xi32, #tpu.memory_space<hbm>>) target(%arg12 : memref<80xi32, #tpu.memory_space<vmem>>) target_semaphore(%arg25 : memref<!tpu.dma_semaphore, #tpu.memory_space<semaphore_mem>>)
      } else {
      }
      %mul3A_354 = arith.constant 4 : i32
      %mul3A_355 = arith.muli %while3A_330, %mul3A_354 : i32
      %add3A_356 = arith.constant 1 : i32
      %add3A_357 = arith.addi %mul3A_355, %add3A_356 : i32
      %dma_wait3A_358 = arith.constant 0 : i32
      %dma_wait3A_359 = arith.constant 0 : i32
      %dma_wait3A_360 = tpu.memref_slice %arg5[%while3A_219, %dma_wait3A_358, %dma_wait3A_359] : memref<3x10000x128xf32, #tpu.memory_space<hbm>> -> memref<1x10000x128xf32, #tpu.memory_space<hbm>>
      %dma_wait3A_361 = tpu.memref_squeeze %dma_wait3A_360 : memref<1x10000x128xf32, #tpu.memory_space<hbm>> -> memref<10000x128xf32, #tpu.memory_space<hbm>>
      %dma_wait3A_362 = arith.constant 0 : i32
      %dma_wait3A_363 = arith.constant 0 : i32
      %dma_wait3A_364 = tpu.memref_slice %dma_wait3A_361[%dma_wait3A_362, %dma_wait3A_363] : memref<10000x128xf32, #tpu.memory_space<hbm>> -> memref<10000x128xf32, #tpu.memory_space<hbm>>
      tpu.wait_indirect_dma semaphore(%arg22 : memref<!tpu.dma_semaphore, #tpu.memory_space<semaphore_mem>>) src(%dma_wait3A_364 : memref<10000x128xf32, #tpu.memory_space<hbm>>) dst(%arg17 : memref<80x128xf32, #tpu.memory_space<vmem>>)
      "tpu.region"() ({
        %run_scoped3A = tpu.sem_alloc : memref<!tpu.dma_semaphore, #tpu.memory_space<semaphore_mem>>
        %dma_start3A_424 = arith.constant 0 : i32
        %dma_start3A_425 = arith.constant 0 : i32
        %dma_start3A_426 = tpu.memref_slice %arg20[%dma_start3A_424, %dma_start3A_425] : memref<10112x128xf32, #tpu.memory_space<vmem_shared>> -> memref<10112x128xf32, #tpu.memory_space<vmem_shared>>
        tpu.enqueue_indirect_dma source(%arg17 : memref<80x128xf32, #tpu.memory_space<vmem>>) target(%dma_start3A_426 : memref<10112x128xf32, #tpu.memory_space<vmem_shared>>) offsets(%arg13 : memref<80xi32, #tpu.memory_space<vmem>>) semaphore(%run_scoped3A : memref<!tpu.dma_semaphore, #tpu.memory_space<semaphore_mem>>) {add = true}
        %dma_wait3A_427 = arith.constant 0 : i32
        %dma_wait3A_428 = arith.constant 0 : i32
        %dma_wait3A_429 = tpu.memref_slice %arg20[%dma_wait3A_427, %dma_wait3A_428] : memref<10112x128xf32, #tpu.memory_space<vmem_shared>> -> memref<10112x128xf32, #tpu.memory_space<vmem_shared>>
        tpu.wait_indirect_dma semaphore(%run_scoped3A : memref<!tpu.dma_semaphore, #tpu.memory_space<semaphore_mem>>) src(%arg17 : memref<80x128xf32, #tpu.memory_space<vmem>>) dst(%dma_wait3A_429 : memref<10112x128xf32, #tpu.memory_space<vmem_shared>>)
        tpu.yield
      }) : () -> ()
      %add3A_365 = arith.constant 3 : i32
      %add3A_366 = arith.addi %add3A_357, %add3A_365 : i32
      %lt3A_367 = arith.cmpi slt, %add3A_366, %mul3A_46 : i32
      %convert_element_type3A_368 = arith.extui %lt3A_367 : i1 to i32
      %cond3A_369 = arith.constant 0 : i32
      %cond3A_370 = arith.cmpi ne, %convert_element_type3A_368, %cond3A_369 : i32
      scf.if %cond3A_370 {
        %dma_wait3A_424 = arith.constant 0 : i32
        %dma_wait3A_425 = tpu.memref_slice %arg3[%dma_wait3A_424] : memref<640000xi32, #tpu.memory_space<hbm>> -> memref<80xi32, #tpu.memory_space<hbm>>
        %dma_wait3A_426 = arith.constant 0 : i32
        %dma_wait3A_427 = tpu.memref_slice %arg3[%dma_wait3A_426] : memref<640000xi32, #tpu.memory_space<hbm>> -> memref<80xi32, #tpu.memory_space<hbm>>
        tpu.wait_dma2 semaphore(%arg25 : memref<!tpu.dma_semaphore, #tpu.memory_space<semaphore_mem>>) src(%dma_wait3A_427 : memref<80xi32, #tpu.memory_space<hbm>>) dst(%arg8 : memref<80xi32, #tpu.memory_space<vmem>>)
        %dma_wait3A_428 = arith.constant 0 : i32
        %dma_wait3A_429 = tpu.memref_slice %arg3[%dma_wait3A_428] : memref<640000xi32, #tpu.memory_space<hbm>> -> memref<80xi32, #tpu.memory_space<hbm>>
        %dma_wait3A_430 = arith.constant 0 : i32
        %dma_wait3A_431 = tpu.memref_slice %arg3[%dma_wait3A_430] : memref<640000xi32, #tpu.memory_space<hbm>> -> memref<80xi32, #tpu.memory_space<hbm>>
        tpu.wait_dma2 semaphore(%arg25 : memref<!tpu.dma_semaphore, #tpu.memory_space<semaphore_mem>>) src(%dma_wait3A_431 : memref<80xi32, #tpu.memory_space<hbm>>) dst(%arg12 : memref<80xi32, #tpu.memory_space<vmem>>)
        %dma_start3A_432 = arith.constant 0 : i32
        %dma_start3A_433 = arith.constant 0 : i32
        %dma_start3A_434 = tpu.memref_slice %arg5[%while3A_219, %dma_start3A_432, %dma_start3A_433] : memref<3x10000x128xf32, #tpu.memory_space<hbm>> -> memref<1x10000x128xf32, #tpu.memory_space<hbm>>
        %dma_start3A_435 = tpu.memref_squeeze %dma_start3A_434 : memref<1x10000x128xf32, #tpu.memory_space<hbm>> -> memref<10000x128xf32, #tpu.memory_space<hbm>>
        %dma_start3A_436 = arith.constant 0 : i32
        %dma_start3A_437 = arith.constant 0 : i32
        %dma_start3A_438 = tpu.memref_slice %dma_start3A_435[%dma_start3A_436, %dma_start3A_437] : memref<10000x128xf32, #tpu.memory_space<hbm>> -> memref<10000x128xf32, #tpu.memory_space<hbm>>
        tpu.enqueue_indirect_dma source(%dma_start3A_438 : memref<10000x128xf32, #tpu.memory_space<hbm>>) target(%arg16 : memref<80x128xf32, #tpu.memory_space<vmem>>) offsets(%arg8 : memref<80xi32, #tpu.memory_space<vmem>>) semaphore(%arg21 : memref<!tpu.dma_semaphore, #tpu.memory_space<semaphore_mem>>)
      } else {
      }
      %add3A_371 = arith.constant 4 : i32
      %add3A_372 = arith.addi %add3A_357, %add3A_371 : i32
      %lt3A_373 = arith.cmpi slt, %add3A_372, %mul3A_46 : i32
      %convert_element_type3A_374 = arith.extui %lt3A_373 : i1 to i32
      %cond3A_375 = arith.constant 0 : i32
      %cond3A_376 = arith.cmpi ne, %convert_element_type3A_374, %cond3A_375 : i32
      scf.if %cond3A_376 {
        %add3A_424 = arith.constant 4 : i32
        %add3A_425 = arith.addi %add3A_357, %add3A_424 : i32
        %mul3A_426 = arith.constant 80 : i32
        %mul3A_427 = arith.muli %add3A_425, %mul3A_426 : i32
        %add3A_428 = arith.addi %mul3A_44, %mul3A_427 : i32
        %dma_start3A_429 = tpu.memref_slice %arg3[%add3A_428] : memref<640000xi32, #tpu.memory_space<hbm>> -> memref<80xi32, #tpu.memory_space<hbm>>
        %dma_start3A_430 = tpu.memref_slice %arg3[%add3A_428] : memref<640000xi32, #tpu.memory_space<hbm>> -> memref<80xi32, #tpu.memory_space<hbm>>
        tpu.enqueue_dma source(%dma_start3A_430 : memref<80xi32, #tpu.memory_space<hbm>>) target(%arg9 : memref<80xi32, #tpu.memory_space<vmem>>) target_semaphore(%arg26 : memref<!tpu.dma_semaphore, #tpu.memory_space<semaphore_mem>>)
        %add3A_431 = arith.constant 320000 : i32
        %add3A_432 = arith.addi %add3A_431, %add3A_428 : i32
        %dma_start3A_433 = tpu.memref_slice %arg3[%add3A_432] : memref<640000xi32, #tpu.memory_space<hbm>> -> memref<80xi32, #tpu.memory_space<hbm>>
        %dma_start3A_434 = tpu.memref_slice %arg3[%add3A_432] : memref<640000xi32, #tpu.memory_space<hbm>> -> memref<80xi32, #tpu.memory_space<hbm>>
        tpu.enqueue_dma source(%dma_start3A_434 : memref<80xi32, #tpu.memory_space<hbm>>) target(%arg13 : memref<80xi32, #tpu.memory_space<vmem>>) target_semaphore(%arg26 : memref<!tpu.dma_semaphore, #tpu.memory_space<semaphore_mem>>)
      } else {
      }
      %mul3A_377 = arith.constant 4 : i32
      %mul3A_378 = arith.muli %while3A_330, %mul3A_377 : i32
      %add3A_379 = arith.constant 2 : i32
      %add3A_380 = arith.addi %mul3A_378, %add3A_379 : i32
      %dma_wait3A_381 = arith.constant 0 : i32
      %dma_wait3A_382 = arith.constant 0 : i32
      %dma_wait3A_383 = tpu.memref_slice %arg5[%while3A_219, %dma_wait3A_381, %dma_wait3A_382] : memref<3x10000x128xf32, #tpu.memory_space<hbm>> -> memref<1x10000x128xf32, #tpu.memory_space<hbm>>
      %dma_wait3A_384 = tpu.memref_squeeze %dma_wait3A_383 : memref<1x10000x128xf32, #tpu.memory_space<hbm>> -> memref<10000x128xf32, #tpu.memory_space<hbm>>
      %dma_wait3A_385 = arith.constant 0 : i32
      %dma_wait3A_386 = arith.constant 0 : i32
      %dma_wait3A_387 = tpu.memref_slice %dma_wait3A_384[%dma_wait3A_385, %dma_wait3A_386] : memref<10000x128xf32, #tpu.memory_space<hbm>> -> memref<10000x128xf32, #tpu.memory_space<hbm>>
      tpu.wait_indirect_dma semaphore(%arg23 : memref<!tpu.dma_semaphore, #tpu.memory_space<semaphore_mem>>) src(%dma_wait3A_387 : memref<10000x128xf32, #tpu.memory_space<hbm>>) dst(%arg18 : memref<80x128xf32, #tpu.memory_space<vmem>>)
      "tpu.region"() ({
        %run_scoped3A = tpu.sem_alloc : memref<!tpu.dma_semaphore, #tpu.memory_space<semaphore_mem>>
        %dma_start3A_424 = arith.constant 0 : i32
        %dma_start3A_425 = arith.constant 0 : i32
        %dma_start3A_426 = tpu.memref_slice %arg20[%dma_start3A_424, %dma_start3A_425] : memref<10112x128xf32, #tpu.memory_space<vmem_shared>> -> memref<10112x128xf32, #tpu.memory_space<vmem_shared>>
        tpu.enqueue_indirect_dma source(%arg18 : memref<80x128xf32, #tpu.memory_space<vmem>>) target(%dma_start3A_426 : memref<10112x128xf32, #tpu.memory_space<vmem_shared>>) offsets(%arg14 : memref<80xi32, #tpu.memory_space<vmem>>) semaphore(%run_scoped3A : memref<!tpu.dma_semaphore, #tpu.memory_space<semaphore_mem>>) {add = true}
        %dma_wait3A_427 = arith.constant 0 : i32
        %dma_wait3A_428 = arith.constant 0 : i32
        %dma_wait3A_429 = tpu.memref_slice %arg20[%dma_wait3A_427, %dma_wait3A_428] : memref<10112x128xf32, #tpu.memory_space<vmem_shared>> -> memref<10112x128xf32, #tpu.memory_space<vmem_shared>>
        tpu.wait_indirect_dma semaphore(%run_scoped3A : memref<!tpu.dma_semaphore, #tpu.memory_space<semaphore_mem>>) src(%arg18 : memref<80x128xf32, #tpu.memory_space<vmem>>) dst(%dma_wait3A_429 : memref<10112x128xf32, #tpu.memory_space<vmem_shared>>)
        tpu.yield
      }) : () -> ()
      %add3A_388 = arith.constant 3 : i32
      %add3A_389 = arith.addi %add3A_380, %add3A_388 : i32
      %lt3A_390 = arith.cmpi slt, %add3A_389, %mul3A_46 : i32
      %convert_element_type3A_391 = arith.extui %lt3A_390 : i1 to i32
      %cond3A_392 = arith.constant 0 : i32
      %cond3A_393 = arith.cmpi ne, %convert_element_type3A_391, %cond3A_392 : i32
      scf.if %cond3A_393 {
        %dma_wait3A_424 = arith.constant 0 : i32
        %dma_wait3A_425 = tpu.memref_slice %arg3[%dma_wait3A_424] : memref<640000xi32, #tpu.memory_space<hbm>> -> memref<80xi32, #tpu.memory_space<hbm>>
        %dma_wait3A_426 = arith.constant 0 : i32
        %dma_wait3A_427 = tpu.memref_slice %arg3[%dma_wait3A_426] : memref<640000xi32, #tpu.memory_space<hbm>> -> memref<80xi32, #tpu.memory_space<hbm>>
        tpu.wait_dma2 semaphore(%arg26 : memref<!tpu.dma_semaphore, #tpu.memory_space<semaphore_mem>>) src(%dma_wait3A_427 : memref<80xi32, #tpu.memory_space<hbm>>) dst(%arg9 : memref<80xi32, #tpu.memory_space<vmem>>)
        %dma_wait3A_428 = arith.constant 0 : i32
        %dma_wait3A_429 = tpu.memref_slice %arg3[%dma_wait3A_428] : memref<640000xi32, #tpu.memory_space<hbm>> -> memref<80xi32, #tpu.memory_space<hbm>>
        %dma_wait3A_430 = arith.constant 0 : i32
        %dma_wait3A_431 = tpu.memref_slice %arg3[%dma_wait3A_430] : memref<640000xi32, #tpu.memory_space<hbm>> -> memref<80xi32, #tpu.memory_space<hbm>>
        tpu.wait_dma2 semaphore(%arg26 : memref<!tpu.dma_semaphore, #tpu.memory_space<semaphore_mem>>) src(%dma_wait3A_431 : memref<80xi32, #tpu.memory_space<hbm>>) dst(%arg13 : memref<80xi32, #tpu.memory_space<vmem>>)
        %dma_start3A_432 = arith.constant 0 : i32
        %dma_start3A_433 = arith.constant 0 : i32
        %dma_start3A_434 = tpu.memref_slice %arg5[%while3A_219, %dma_start3A_432, %dma_start3A_433] : memref<3x10000x128xf32, #tpu.memory_space<hbm>> -> memref<1x10000x128xf32, #tpu.memory_space<hbm>>
        %dma_start3A_435 = tpu.memref_squeeze %dma_start3A_434 : memref<1x10000x128xf32, #tpu.memory_space<hbm>> -> memref<10000x128xf32, #tpu.memory_space<hbm>>
        %dma_start3A_436 = arith.constant 0 : i32
        %dma_start3A_437 = arith.constant 0 : i32
        %dma_start3A_438 = tpu.memref_slice %dma_start3A_435[%dma_start3A_436, %dma_start3A_437] : memref<10000x128xf32, #tpu.memory_space<hbm>> -> memref<10000x128xf32, #tpu.memory_space<hbm>>
        tpu.enqueue_indirect_dma source(%dma_start3A_438 : memref<10000x128xf32, #tpu.memory_space<hbm>>) target(%arg17 : memref<80x128xf32, #tpu.memory_space<vmem>>) offsets(%arg9 : memref<80xi32, #tpu.memory_space<vmem>>) semaphore(%arg22 : memref<!tpu.dma_semaphore, #tpu.memory_space<semaphore_mem>>)
      } else {
      }
      %add3A_394 = arith.constant 4 : i32
      %add3A_395 = arith.addi %add3A_380, %add3A_394 : i32
      %lt3A_396 = arith.cmpi slt, %add3A_395, %mul3A_46 : i32
      %convert_element_type3A_397 = arith.extui %lt3A_396 : i1 to i32
      %cond3A_398 = arith.constant 0 : i32
      %cond3A_399 = arith.cmpi ne, %convert_element_type3A_397, %cond3A_398 : i32
      scf.if %cond3A_399 {
        %add3A_424 = arith.constant 4 : i32
        %add3A_425 = arith.addi %add3A_380, %add3A_424 : i32
        %mul3A_426 = arith.constant 80 : i32
        %mul3A_427 = arith.muli %add3A_425, %mul3A_426 : i32
        %add3A_428 = arith.addi %mul3A_44, %mul3A_427 : i32
        %dma_start3A_429 = tpu.memref_slice %arg3[%add3A_428] : memref<640000xi32, #tpu.memory_space<hbm>> -> memref<80xi32, #tpu.memory_space<hbm>>
        %dma_start3A_430 = tpu.memref_slice %arg3[%add3A_428] : memref<640000xi32, #tpu.memory_space<hbm>> -> memref<80xi32, #tpu.memory_space<hbm>>
        tpu.enqueue_dma source(%dma_start3A_430 : memref<80xi32, #tpu.memory_space<hbm>>) target(%arg10 : memref<80xi32, #tpu.memory_space<vmem>>) target_semaphore(%arg27 : memref<!tpu.dma_semaphore, #tpu.memory_space<semaphore_mem>>)
        %add3A_431 = arith.constant 320000 : i32
        %add3A_432 = arith.addi %add3A_431, %add3A_428 : i32
        %dma_start3A_433 = tpu.memref_slice %arg3[%add3A_432] : memref<640000xi32, #tpu.memory_space<hbm>> -> memref<80xi32, #tpu.memory_space<hbm>>
        %dma_start3A_434 = tpu.memref_slice %arg3[%add3A_432] : memref<640000xi32, #tpu.memory_space<hbm>> -> memref<80xi32, #tpu.memory_space<hbm>>
        tpu.enqueue_dma source(%dma_start3A_434 : memref<80xi32, #tpu.memory_space<hbm>>) target(%arg14 : memref<80xi32, #tpu.memory_space<vmem>>) target_semaphore(%arg27 : memref<!tpu.dma_semaphore, #tpu.memory_space<semaphore_mem>>)
      } else {
      }
      %mul3A_400 = arith.constant 4 : i32
      %mul3A_401 = arith.muli %while3A_330, %mul3A_400 : i32
      %add3A_402 = arith.constant 3 : i32
      %add3A_403 = arith.addi %mul3A_401, %add3A_402 : i32
      %dma_wait3A_404 = arith.constant 0 : i32
      %dma_wait3A_405 = arith.constant 0 : i32
      %dma_wait3A_406 = tpu.memref_slice %arg5[%while3A_219, %dma_wait3A_404, %dma_wait3A_405] : memref<3x10000x128xf32, #tpu.memory_space<hbm>> -> memref<1x10000x128xf32, #tpu.memory_space<hbm>>
      %dma_wait3A_407 = tpu.memref_squeeze %dma_wait3A_406 : memref<1x10000x128xf32, #tpu.memory_space<hbm>> -> memref<10000x128xf32, #tpu.memory_space<hbm>>
      %dma_wait3A_408 = arith.constant 0 : i32
      %dma_wait3A_409 = arith.constant 0 : i32
      %dma_wait3A_410 = tpu.memref_slice %dma_wait3A_407[%dma_wait3A_408, %dma_wait3A_409] : memref<10000x128xf32, #tpu.memory_space<hbm>> -> memref<10000x128xf32, #tpu.memory_space<hbm>>
      tpu.wait_indirect_dma semaphore(%arg24 : memref<!tpu.dma_semaphore, #tpu.memory_space<semaphore_mem>>) src(%dma_wait3A_410 : memref<10000x128xf32, #tpu.memory_space<hbm>>) dst(%arg19 : memref<80x128xf32, #tpu.memory_space<vmem>>)
      "tpu.region"() ({
        %run_scoped3A = tpu.sem_alloc : memref<!tpu.dma_semaphore, #tpu.memory_space<semaphore_mem>>
        %dma_start3A_424 = arith.constant 0 : i32
        %dma_start3A_425 = arith.constant 0 : i32
        %dma_start3A_426 = tpu.memref_slice %arg20[%dma_start3A_424, %dma_start3A_425] : memref<10112x128xf32, #tpu.memory_space<vmem_shared>> -> memref<10112x128xf32, #tpu.memory_space<vmem_shared>>
        tpu.enqueue_indirect_dma source(%arg19 : memref<80x128xf32, #tpu.memory_space<vmem>>) target(%dma_start3A_426 : memref<10112x128xf32, #tpu.memory_space<vmem_shared>>) offsets(%arg15 : memref<80xi32, #tpu.memory_space<vmem>>) semaphore(%run_scoped3A : memref<!tpu.dma_semaphore, #tpu.memory_space<semaphore_mem>>) {add = true}
        %dma_wait3A_427 = arith.constant 0 : i32
        %dma_wait3A_428 = arith.constant 0 : i32
        %dma_wait3A_429 = tpu.memref_slice %arg20[%dma_wait3A_427, %dma_wait3A_428] : memref<10112x128xf32, #tpu.memory_space<vmem_shared>> -> memref<10112x128xf32, #tpu.memory_space<vmem_shared>>
        tpu.wait_indirect_dma semaphore(%run_scoped3A : memref<!tpu.dma_semaphore, #tpu.memory_space<semaphore_mem>>) src(%arg19 : memref<80x128xf32, #tpu.memory_space<vmem>>) dst(%dma_wait3A_429 : memref<10112x128xf32, #tpu.memory_space<vmem_shared>>)
        tpu.yield
      }) : () -> ()
      %add3A_411 = arith.constant 3 : i32
      %add3A_412 = arith.addi %add3A_403, %add3A_411 : i32
      %lt3A_413 = arith.cmpi slt, %add3A_412, %mul3A_46 : i32
      %convert_element_type3A_414 = arith.extui %lt3A_413 : i1 to i32
      %cond3A_415 = arith.constant 0 : i32
      %cond3A_416 = arith.cmpi ne, %convert_element_type3A_414, %cond3A_415 : i32
      scf.if %cond3A_416 {
        %dma_wait3A_424 = arith.constant 0 : i32
        %dma_wait3A_425 = tpu.memref_slice %arg3[%dma_wait3A_424] : memref<640000xi32, #tpu.memory_space<hbm>> -> memref<80xi32, #tpu.memory_space<hbm>>
        %dma_wait3A_426 = arith.constant 0 : i32
        %dma_wait3A_427 = tpu.memref_slice %arg3[%dma_wait3A_426] : memref<640000xi32, #tpu.memory_space<hbm>> -> memref<80xi32, #tpu.memory_space<hbm>>
        tpu.wait_dma2 semaphore(%arg27 : memref<!tpu.dma_semaphore, #tpu.memory_space<semaphore_mem>>) src(%dma_wait3A_427 : memref<80xi32, #tpu.memory_space<hbm>>) dst(%arg10 : memref<80xi32, #tpu.memory_space<vmem>>)
        %dma_wait3A_428 = arith.constant 0 : i32
        %dma_wait3A_429 = tpu.memref_slice %arg3[%dma_wait3A_428] : memref<640000xi32, #tpu.memory_space<hbm>> -> memref<80xi32, #tpu.memory_space<hbm>>
        %dma_wait3A_430 = arith.constant 0 : i32
        %dma_wait3A_431 = tpu.memref_slice %arg3[%dma_wait3A_430] : memref<640000xi32, #tpu.memory_space<hbm>> -> memref<80xi32, #tpu.memory_space<hbm>>
        tpu.wait_dma2 semaphore(%arg27 : memref<!tpu.dma_semaphore, #tpu.memory_space<semaphore_mem>>) src(%dma_wait3A_431 : memref<80xi32, #tpu.memory_space<hbm>>) dst(%arg14 : memref<80xi32, #tpu.memory_space<vmem>>)
        %dma_start3A_432 = arith.constant 0 : i32
        %dma_start3A_433 = arith.constant 0 : i32
        %dma_start3A_434 = tpu.memref_slice %arg5[%while3A_219, %dma_start3A_432, %dma_start3A_433] : memref<3x10000x128xf32, #tpu.memory_space<hbm>> -> memref<1x10000x128xf32, #tpu.memory_space<hbm>>
        %dma_start3A_435 = tpu.memref_squeeze %dma_start3A_434 : memref<1x10000x128xf32, #tpu.memory_space<hbm>> -> memref<10000x128xf32, #tpu.memory_space<hbm>>
        %dma_start3A_436 = arith.constant 0 : i32
        %dma_start3A_437 = arith.constant 0 : i32
        %dma_start3A_438 = tpu.memref_slice %dma_start3A_435[%dma_start3A_436, %dma_start3A_437] : memref<10000x128xf32, #tpu.memory_space<hbm>> -> memref<10000x128xf32, #tpu.memory_space<hbm>>
        tpu.enqueue_indirect_dma source(%dma_start3A_438 : memref<10000x128xf32, #tpu.memory_space<hbm>>) target(%arg18 : memref<80x128xf32, #tpu.memory_space<vmem>>) offsets(%arg10 : memref<80xi32, #tpu.memory_space<vmem>>) semaphore(%arg23 : memref<!tpu.dma_semaphore, #tpu.memory_space<semaphore_mem>>)
      } else {
      }
      %add3A_417 = arith.constant 4 : i32
      %add3A_418 = arith.addi %add3A_403, %add3A_417 : i32
      %lt3A_419 = arith.cmpi slt, %add3A_418, %mul3A_46 : i32
      %convert_element_type3A_420 = arith.extui %lt3A_419 : i1 to i32
      %cond3A_421 = arith.constant 0 : i32
      %cond3A_422 = arith.cmpi ne, %convert_element_type3A_420, %cond3A_421 : i32
      scf.if %cond3A_422 {
        %add3A_424 = arith.constant 4 : i32
        %add3A_425 = arith.addi %add3A_403, %add3A_424 : i32
        %mul3A_426 = arith.constant 80 : i32
        %mul3A_427 = arith.muli %add3A_425, %mul3A_426 : i32
        %add3A_428 = arith.addi %mul3A_44, %mul3A_427 : i32
        %dma_start3A_429 = tpu.memref_slice %arg3[%add3A_428] : memref<640000xi32, #tpu.memory_space<hbm>> -> memref<80xi32, #tpu.memory_space<hbm>>
        %dma_start3A_430 = tpu.memref_slice %arg3[%add3A_428] : memref<640000xi32, #tpu.memory_space<hbm>> -> memref<80xi32, #tpu.memory_space<hbm>>
        tpu.enqueue_dma source(%dma_start3A_430 : memref<80xi32, #tpu.memory_space<hbm>>) target(%arg11 : memref<80xi32, #tpu.memory_space<vmem>>) target_semaphore(%arg28 : memref<!tpu.dma_semaphore, #tpu.memory_space<semaphore_mem>>)
        %add3A_431 = arith.constant 320000 : i32
        %add3A_432 = arith.addi %add3A_431, %add3A_428 : i32
        %dma_start3A_433 = tpu.memref_slice %arg3[%add3A_432] : memref<640000xi32, #tpu.memory_space<hbm>> -> memref<80xi32, #tpu.memory_space<hbm>>
        %dma_start3A_434 = tpu.memref_slice %arg3[%add3A_432] : memref<640000xi32, #tpu.memory_space<hbm>> -> memref<80xi32, #tpu.memory_space<hbm>>
        tpu.enqueue_dma source(%dma_start3A_434 : memref<80xi32, #tpu.memory_space<hbm>>) target(%arg15 : memref<80xi32, #tpu.memory_space<vmem>>) target_semaphore(%arg28 : memref<!tpu.dma_semaphore, #tpu.memory_space<semaphore_mem>>)
      } else {
      }
      %while3A_423 = arith.constant 0 : i32
      scf.yield %while3A_423 : i32
    }
    %while3A_230 = arith.constant 1 : i32
    %while3A_231 = scf.for %while3A_330 = %while3A_227 to %while3A_223 step %while3A_230 iter_args(%while3A_331 = %while3A_229) -> (i32)  : i32 {
      %mul3A_332 = arith.constant 4 : i32
      %mul3A_333 = arith.muli %while3A_330, %mul3A_332 : i32
      %add3A_334 = arith.constant 0 : i32
      %add3A_335 = arith.addi %mul3A_333, %add3A_334 : i32
      %dma_wait3A_336 = arith.constant 0 : i32
      %dma_wait3A_337 = arith.constant 0 : i32
      %dma_wait3A_338 = tpu.memref_slice %arg5[%while3A_219, %dma_wait3A_336, %dma_wait3A_337] : memref<3x10000x128xf32, #tpu.memory_space<hbm>> -> memref<1x10000x128xf32, #tpu.memory_space<hbm>>
      %dma_wait3A_339 = tpu.memref_squeeze %dma_wait3A_338 : memref<1x10000x128xf32, #tpu.memory_space<hbm>> -> memref<10000x128xf32, #tpu.memory_space<hbm>>
      %dma_wait3A_340 = arith.constant 0 : i32
      %dma_wait3A_341 = arith.constant 0 : i32
      %dma_wait3A_342 = tpu.memref_slice %dma_wait3A_339[%dma_wait3A_340, %dma_wait3A_341] : memref<10000x128xf32, #tpu.memory_space<hbm>> -> memref<10000x128xf32, #tpu.memory_space<hbm>>
      tpu.wait_indirect_dma semaphore(%arg21 : memref<!tpu.dma_semaphore, #tpu.memory_space<semaphore_mem>>) src(%dma_wait3A_342 : memref<10000x128xf32, #tpu.memory_space<hbm>>) dst(%arg16 : memref<80x128xf32, #tpu.memory_space<vmem>>)
      "tpu.region"() ({
        %run_scoped3A = tpu.sem_alloc : memref<!tpu.dma_semaphore, #tpu.memory_space<semaphore_mem>>
        %dma_start3A_424 = arith.constant 0 : i32
        %dma_start3A_425 = arith.constant 0 : i32
        %dma_start3A_426 = tpu.memref_slice %arg20[%dma_start3A_424, %dma_start3A_425] : memref<10112x128xf32, #tpu.memory_space<vmem_shared>> -> memref<10112x128xf32, #tpu.memory_space<vmem_shared>>
        tpu.enqueue_indirect_dma source(%arg16 : memref<80x128xf32, #tpu.memory_space<vmem>>) target(%dma_start3A_426 : memref<10112x128xf32, #tpu.memory_space<vmem_shared>>) offsets(%arg12 : memref<80xi32, #tpu.memory_space<vmem>>) semaphore(%run_scoped3A : memref<!tpu.dma_semaphore, #tpu.memory_space<semaphore_mem>>) {add = true}
        %dma_wait3A_427 = arith.constant 0 : i32
        %dma_wait3A_428 = arith.constant 0 : i32
        %dma_wait3A_429 = tpu.memref_slice %arg20[%dma_wait3A_427, %dma_wait3A_428] : memref<10112x128xf32, #tpu.memory_space<vmem_shared>> -> memref<10112x128xf32, #tpu.memory_space<vmem_shared>>
        tpu.wait_indirect_dma semaphore(%run_scoped3A : memref<!tpu.dma_semaphore, #tpu.memory_space<semaphore_mem>>) src(%arg16 : memref<80x128xf32, #tpu.memory_space<vmem>>) dst(%dma_wait3A_429 : memref<10112x128xf32, #tpu.memory_space<vmem_shared>>)
        tpu.yield
      }) : () -> ()
      %add3A_343 = arith.constant 3 : i32
      %add3A_344 = arith.addi %add3A_335, %add3A_343 : i32
      %lt3A_345 = arith.cmpi slt, %add3A_344, %mul3A_46 : i32
      %convert_element_type3A_346 = arith.extui %lt3A_345 : i1 to i32
      %cond3A = arith.constant 0 : i32
      %cond3A_347 = arith.cmpi ne, %convert_element_type3A_346, %cond3A : i32
      scf.if %cond3A_347 {
        %dma_wait3A_424 = arith.constant 0 : i32
        %dma_wait3A_425 = tpu.memref_slice %arg3[%dma_wait3A_424] : memref<640000xi32, #tpu.memory_space<hbm>> -> memref<80xi32, #tpu.memory_space<hbm>>
        %dma_wait3A_426 = arith.constant 0 : i32
        %dma_wait3A_427 = tpu.memref_slice %arg3[%dma_wait3A_426] : memref<640000xi32, #tpu.memory_space<hbm>> -> memref<80xi32, #tpu.memory_space<hbm>>
        tpu.wait_dma2 semaphore(%arg28 : memref<!tpu.dma_semaphore, #tpu.memory_space<semaphore_mem>>) src(%dma_wait3A_427 : memref<80xi32, #tpu.memory_space<hbm>>) dst(%arg11 : memref<80xi32, #tpu.memory_space<vmem>>)
        %dma_wait3A_428 = arith.constant 0 : i32
        %dma_wait3A_429 = tpu.memref_slice %arg3[%dma_wait3A_428] : memref<640000xi32, #tpu.memory_space<hbm>> -> memref<80xi32, #tpu.memory_space<hbm>>
        %dma_wait3A_430 = arith.constant 0 : i32
        %dma_wait3A_431 = tpu.memref_slice %arg3[%dma_wait3A_430] : memref<640000xi32, #tpu.memory_space<hbm>> -> memref<80xi32, #tpu.memory_space<hbm>>
        tpu.wait_dma2 semaphore(%arg28 : memref<!tpu.dma_semaphore, #tpu.memory_space<semaphore_mem>>) src(%dma_wait3A_431 : memref<80xi32, #tpu.memory_space<hbm>>) dst(%arg15 : memref<80xi32, #tpu.memory_space<vmem>>)
        %dma_start3A_432 = arith.constant 0 : i32
        %dma_start3A_433 = arith.constant 0 : i32
        %dma_start3A_434 = tpu.memref_slice %arg5[%while3A_219, %dma_start3A_432, %dma_start3A_433] : memref<3x10000x128xf32, #tpu.memory_space<hbm>> -> memref<1x10000x128xf32, #tpu.memory_space<hbm>>
        %dma_start3A_435 = tpu.memref_squeeze %dma_start3A_434 : memref<1x10000x128xf32, #tpu.memory_space<hbm>> -> memref<10000x128xf32, #tpu.memory_space<hbm>>
        %dma_start3A_436 = arith.constant 0 : i32
        %dma_start3A_437 = arith.constant 0 : i32
        %dma_start3A_438 = tpu.memref_slice %dma_start3A_435[%dma_start3A_436, %dma_start3A_437] : memref<10000x128xf32, #tpu.memory_space<hbm>> -> memref<10000x128xf32, #tpu.memory_space<hbm>>
        tpu.enqueue_indirect_dma source(%dma_start3A_438 : memref<10000x128xf32, #tpu.memory_space<hbm>>) target(%arg19 : memref<80x128xf32, #tpu.memory_space<vmem>>) offsets(%arg11 : memref<80xi32, #tpu.memory_space<vmem>>) semaphore(%arg24 : memref<!tpu.dma_semaphore, #tpu.memory_space<semaphore_mem>>)
      } else {
      }
      %add3A_348 = arith.constant 4 : i32
      %add3A_349 = arith.addi %add3A_335, %add3A_348 : i32
      %lt3A_350 = arith.cmpi slt, %add3A_349, %mul3A_46 : i32
      %convert_element_type3A_351 = arith.extui %lt3A_350 : i1 to i32
      %cond3A_352 = arith.constant 0 : i32
      %cond3A_353 = arith.cmpi ne, %convert_element_type3A_351, %cond3A_352 : i32
      scf.if %cond3A_353 {
        %add3A_424 = arith.constant 4 : i32
        %add3A_425 = arith.addi %add3A_335, %add3A_424 : i32
        %mul3A_426 = arith.constant 80 : i32
        %mul3A_427 = arith.muli %add3A_425, %mul3A_426 : i32
        %add3A_428 = arith.addi %mul3A_44, %mul3A_427 : i32
        %dma_start3A_429 = tpu.memref_slice %arg3[%add3A_428] : memref<640000xi32, #tpu.memory_space<hbm>> -> memref<80xi32, #tpu.memory_space<hbm>>
        %dma_start3A_430 = tpu.memref_slice %arg3[%add3A_428] : memref<640000xi32, #tpu.memory_space<hbm>> -> memref<80xi32, #tpu.memory_space<hbm>>
        tpu.enqueue_dma source(%dma_start3A_430 : memref<80xi32, #tpu.memory_space<hbm>>) target(%arg8 : memref<80xi32, #tpu.memory_space<vmem>>) target_semaphore(%arg25 : memref<!tpu.dma_semaphore, #tpu.memory_space<semaphore_mem>>)
        %add3A_431 = arith.constant 320000 : i32
        %add3A_432 = arith.addi %add3A_431, %add3A_428 : i32
        %dma_start3A_433 = tpu.memref_slice %arg3[%add3A_432] : memref<640000xi32, #tpu.memory_space<hbm>> -> memref<80xi32, #tpu.memory_space<hbm>>
        %dma_start3A_434 = tpu.memref_slice %arg3[%add3A_432] : memref<640000xi32, #tpu.memory_space<hbm>> -> memref<80xi32, #tpu.memory_space<hbm>>
        tpu.enqueue_dma source(%dma_start3A_434 : memref<80xi32, #tpu.memory_space<hbm>>) target(%arg12 : memref<80xi32, #tpu.memory_space<vmem>>) target_semaphore(%arg25 : memref<!tpu.dma_semaphore, #tpu.memory_space<semaphore_mem>>)
      } else {
      }
      %mul3A_354 = arith.constant 4 : i32
      %mul3A_355 = arith.muli %while3A_330, %mul3A_354 : i32
      %add3A_356 = arith.constant 1 : i32
      %add3A_357 = arith.addi %mul3A_355, %add3A_356 : i32
      %dma_wait3A_358 = arith.constant 0 : i32
      %dma_wait3A_359 = arith.constant 0 : i32
      %dma_wait3A_360 = tpu.memref_slice %arg5[%while3A_219, %dma_wait3A_358, %dma_wait3A_359] : memref<3x10000x128xf32, #tpu.memory_space<hbm>> -> memref<1x10000x128xf32, #tpu.memory_space<hbm>>
      %dma_wait3A_361 = tpu.memref_squeeze %dma_wait3A_360 : memref<1x10000x128xf32, #tpu.memory_space<hbm>> -> memref<10000x128xf32, #tpu.memory_space<hbm>>
      %dma_wait3A_362 = arith.constant 0 : i32
      %dma_wait3A_363 = arith.constant 0 : i32
      %dma_wait3A_364 = tpu.memref_slice %dma_wait3A_361[%dma_wait3A_362, %dma_wait3A_363] : memref<10000x128xf32, #tpu.memory_space<hbm>> -> memref<10000x128xf32, #tpu.memory_space<hbm>>
      tpu.wait_indirect_dma semaphore(%arg22 : memref<!tpu.dma_semaphore, #tpu.memory_space<semaphore_mem>>) src(%dma_wait3A_364 : memref<10000x128xf32, #tpu.memory_space<hbm>>) dst(%arg17 : memref<80x128xf32, #tpu.memory_space<vmem>>)
      "tpu.region"() ({
        %run_scoped3A = tpu.sem_alloc : memref<!tpu.dma_semaphore, #tpu.memory_space<semaphore_mem>>
        %dma_start3A_424 = arith.constant 0 : i32
        %dma_start3A_425 = arith.constant 0 : i32
        %dma_start3A_426 = tpu.memref_slice %arg20[%dma_start3A_424, %dma_start3A_425] : memref<10112x128xf32, #tpu.memory_space<vmem_shared>> -> memref<10112x128xf32, #tpu.memory_space<vmem_shared>>
        tpu.enqueue_indirect_dma source(%arg17 : memref<80x128xf32, #tpu.memory_space<vmem>>) target(%dma_start3A_426 : memref<10112x128xf32, #tpu.memory_space<vmem_shared>>) offsets(%arg13 : memref<80xi32, #tpu.memory_space<vmem>>) semaphore(%run_scoped3A : memref<!tpu.dma_semaphore, #tpu.memory_space<semaphore_mem>>) {add = true}
        %dma_wait3A_427 = arith.constant 0 : i32
        %dma_wait3A_428 = arith.constant 0 : i32
        %dma_wait3A_429 = tpu.memref_slice %arg20[%dma_wait3A_427, %dma_wait3A_428] : memref<10112x128xf32, #tpu.memory_space<vmem_shared>> -> memref<10112x128xf32, #tpu.memory_space<vmem_shared>>
        tpu.wait_indirect_dma semaphore(%run_scoped3A : memref<!tpu.dma_semaphore, #tpu.memory_space<semaphore_mem>>) src(%arg17 : memref<80x128xf32, #tpu.memory_space<vmem>>) dst(%dma_wait3A_429 : memref<10112x128xf32, #tpu.memory_space<vmem_shared>>)
        tpu.yield
      }) : () -> ()
      %add3A_365 = arith.constant 3 : i32
      %add3A_366 = arith.addi %add3A_357, %add3A_365 : i32
      %lt3A_367 = arith.cmpi slt, %add3A_366, %mul3A_46 : i32
      %convert_element_type3A_368 = arith.extui %lt3A_367 : i1 to i32
      %cond3A_369 = arith.constant 0 : i32
      %cond3A_370 = arith.cmpi ne, %convert_element_type3A_368, %cond3A_369 : i32
      scf.if %cond3A_370 {
        %dma_wait3A_424 = arith.constant 0 : i32
        %dma_wait3A_425 = tpu.memref_slice %arg3[%dma_wait3A_424] : memref<640000xi32, #tpu.memory_space<hbm>> -> memref<80xi32, #tpu.memory_space<hbm>>
        %dma_wait3A_426 = arith.constant 0 : i32
        %dma_wait3A_427 = tpu.memref_slice %arg3[%dma_wait3A_426] : memref<640000xi32, #tpu.memory_space<hbm>> -> memref<80xi32, #tpu.memory_space<hbm>>
        tpu.wait_dma2 semaphore(%arg25 : memref<!tpu.dma_semaphore, #tpu.memory_space<semaphore_mem>>) src(%dma_wait3A_427 : memref<80xi32, #tpu.memory_space<hbm>>) dst(%arg8 : memref<80xi32, #tpu.memory_space<vmem>>)
        %dma_wait3A_428 = arith.constant 0 : i32
        %dma_wait3A_429 = tpu.memref_slice %arg3[%dma_wait3A_428] : memref<640000xi32, #tpu.memory_space<hbm>> -> memref<80xi32, #tpu.memory_space<hbm>>
        %dma_wait3A_430 = arith.constant 0 : i32
        %dma_wait3A_431 = tpu.memref_slice %arg3[%dma_wait3A_430] : memref<640000xi32, #tpu.memory_space<hbm>> -> memref<80xi32, #tpu.memory_space<hbm>>
        tpu.wait_dma2 semaphore(%arg25 : memref<!tpu.dma_semaphore, #tpu.memory_space<semaphore_mem>>) src(%dma_wait3A_431 : memref<80xi32, #tpu.memory_space<hbm>>) dst(%arg12 : memref<80xi32, #tpu.memory_space<vmem>>)
        %dma_start3A_432 = arith.constant 0 : i32
        %dma_start3A_433 = arith.constant 0 : i32
        %dma_start3A_434 = tpu.memref_slice %arg5[%while3A_219, %dma_start3A_432, %dma_start3A_433] : memref<3x10000x128xf32, #tpu.memory_space<hbm>> -> memref<1x10000x128xf32, #tpu.memory_space<hbm>>
        %dma_start3A_435 = tpu.memref_squeeze %dma_start3A_434 : memref<1x10000x128xf32, #tpu.memory_space<hbm>> -> memref<10000x128xf32, #tpu.memory_space<hbm>>
        %dma_start3A_436 = arith.constant 0 : i32
        %dma_start3A_437 = arith.constant 0 : i32
        %dma_start3A_438 = tpu.memref_slice %dma_start3A_435[%dma_start3A_436, %dma_start3A_437] : memref<10000x128xf32, #tpu.memory_space<hbm>> -> memref<10000x128xf32, #tpu.memory_space<hbm>>
        tpu.enqueue_indirect_dma source(%dma_start3A_438 : memref<10000x128xf32, #tpu.memory_space<hbm>>) target(%arg16 : memref<80x128xf32, #tpu.memory_space<vmem>>) offsets(%arg8 : memref<80xi32, #tpu.memory_space<vmem>>) semaphore(%arg21 : memref<!tpu.dma_semaphore, #tpu.memory_space<semaphore_mem>>)
      } else {
      }
      %add3A_371 = arith.constant 4 : i32
      %add3A_372 = arith.addi %add3A_357, %add3A_371 : i32
      %lt3A_373 = arith.cmpi slt, %add3A_372, %mul3A_46 : i32
      %convert_element_type3A_374 = arith.extui %lt3A_373 : i1 to i32
      %cond3A_375 = arith.constant 0 : i32
      %cond3A_376 = arith.cmpi ne, %convert_element_type3A_374, %cond3A_375 : i32
      scf.if %cond3A_376 {
        %add3A_424 = arith.constant 4 : i32
        %add3A_425 = arith.addi %add3A_357, %add3A_424 : i32
        %mul3A_426 = arith.constant 80 : i32
        %mul3A_427 = arith.muli %add3A_425, %mul3A_426 : i32
        %add3A_428 = arith.addi %mul3A_44, %mul3A_427 : i32
        %dma_start3A_429 = tpu.memref_slice %arg3[%add3A_428] : memref<640000xi32, #tpu.memory_space<hbm>> -> memref<80xi32, #tpu.memory_space<hbm>>
        %dma_start3A_430 = tpu.memref_slice %arg3[%add3A_428] : memref<640000xi32, #tpu.memory_space<hbm>> -> memref<80xi32, #tpu.memory_space<hbm>>
        tpu.enqueue_dma source(%dma_start3A_430 : memref<80xi32, #tpu.memory_space<hbm>>) target(%arg9 : memref<80xi32, #tpu.memory_space<vmem>>) target_semaphore(%arg26 : memref<!tpu.dma_semaphore, #tpu.memory_space<semaphore_mem>>)
        %add3A_431 = arith.constant 320000 : i32
        %add3A_432 = arith.addi %add3A_431, %add3A_428 : i32
        %dma_start3A_433 = tpu.memref_slice %arg3[%add3A_432] : memref<640000xi32, #tpu.memory_space<hbm>> -> memref<80xi32, #tpu.memory_space<hbm>>
        %dma_start3A_434 = tpu.memref_slice %arg3[%add3A_432] : memref<640000xi32, #tpu.memory_space<hbm>> -> memref<80xi32, #tpu.memory_space<hbm>>
        tpu.enqueue_dma source(%dma_start3A_434 : memref<80xi32, #tpu.memory_space<hbm>>) target(%arg13 : memref<80xi32, #tpu.memory_space<vmem>>) target_semaphore(%arg26 : memref<!tpu.dma_semaphore, #tpu.memory_space<semaphore_mem>>)
      } else {
      }
      %mul3A_377 = arith.constant 4 : i32
      %mul3A_378 = arith.muli %while3A_330, %mul3A_377 : i32
      %add3A_379 = arith.constant 2 : i32
      %add3A_380 = arith.addi %mul3A_378, %add3A_379 : i32
      %dma_wait3A_381 = arith.constant 0 : i32
      %dma_wait3A_382 = arith.constant 0 : i32
      %dma_wait3A_383 = tpu.memref_slice %arg5[%while3A_219, %dma_wait3A_381, %dma_wait3A_382] : memref<3x10000x128xf32, #tpu.memory_space<hbm>> -> memref<1x10000x128xf32, #tpu.memory_space<hbm>>
      %dma_wait3A_384 = tpu.memref_squeeze %dma_wait3A_383 : memref<1x10000x128xf32, #tpu.memory_space<hbm>> -> memref<10000x128xf32, #tpu.memory_space<hbm>>
      %dma_wait3A_385 = arith.constant 0 : i32
      %dma_wait3A_386 = arith.constant 0 : i32
      %dma_wait3A_387 = tpu.memref_slice %dma_wait3A_384[%dma_wait3A_385, %dma_wait3A_386] : memref<10000x128xf32, #tpu.memory_space<hbm>> -> memref<10000x128xf32, #tpu.memory_space<hbm>>
      tpu.wait_indirect_dma semaphore(%arg23 : memref<!tpu.dma_semaphore, #tpu.memory_space<semaphore_mem>>) src(%dma_wait3A_387 : memref<10000x128xf32, #tpu.memory_space<hbm>>) dst(%arg18 : memref<80x128xf32, #tpu.memory_space<vmem>>)
      "tpu.region"() ({
        %run_scoped3A = tpu.sem_alloc : memref<!tpu.dma_semaphore, #tpu.memory_space<semaphore_mem>>
        %dma_start3A_424 = arith.constant 0 : i32
        %dma_start3A_425 = arith.constant 0 : i32
        %dma_start3A_426 = tpu.memref_slice %arg20[%dma_start3A_424, %dma_start3A_425] : memref<10112x128xf32, #tpu.memory_space<vmem_shared>> -> memref<10112x128xf32, #tpu.memory_space<vmem_shared>>
        tpu.enqueue_indirect_dma source(%arg18 : memref<80x128xf32, #tpu.memory_space<vmem>>) target(%dma_start3A_426 : memref<10112x128xf32, #tpu.memory_space<vmem_shared>>) offsets(%arg14 : memref<80xi32, #tpu.memory_space<vmem>>) semaphore(%run_scoped3A : memref<!tpu.dma_semaphore, #tpu.memory_space<semaphore_mem>>) {add = true}
        %dma_wait3A_427 = arith.constant 0 : i32
        %dma_wait3A_428 = arith.constant 0 : i32
        %dma_wait3A_429 = tpu.memref_slice %arg20[%dma_wait3A_427, %dma_wait3A_428] : memref<10112x128xf32, #tpu.memory_space<vmem_shared>> -> memref<10112x128xf32, #tpu.memory_space<vmem_shared>>
        tpu.wait_indirect_dma semaphore(%run_scoped3A : memref<!tpu.dma_semaphore, #tpu.memory_space<semaphore_mem>>) src(%arg18 : memref<80x128xf32, #tpu.memory_space<vmem>>) dst(%dma_wait3A_429 : memref<10112x128xf32, #tpu.memory_space<vmem_shared>>)
        tpu.yield
      }) : () -> ()
      %add3A_388 = arith.constant 3 : i32
      %add3A_389 = arith.addi %add3A_380, %add3A_388 : i32
      %lt3A_390 = arith.cmpi slt, %add3A_389, %mul3A_46 : i32
      %convert_element_type3A_391 = arith.extui %lt3A_390 : i1 to i32
      %cond3A_392 = arith.constant 0 : i32
      %cond3A_393 = arith.cmpi ne, %convert_element_type3A_391, %cond3A_392 : i32
      scf.if %cond3A_393 {
        %dma_wait3A_424 = arith.constant 0 : i32
        %dma_wait3A_425 = tpu.memref_slice %arg3[%dma_wait3A_424] : memref<640000xi32, #tpu.memory_space<hbm>> -> memref<80xi32, #tpu.memory_space<hbm>>
        %dma_wait3A_426 = arith.constant 0 : i32
        %dma_wait3A_427 = tpu.memref_slice %arg3[%dma_wait3A_426] : memref<640000xi32, #tpu.memory_space<hbm>> -> memref<80xi32, #tpu.memory_space<hbm>>
        tpu.wait_dma2 semaphore(%arg26 : memref<!tpu.dma_semaphore, #tpu.memory_space<semaphore_mem>>) src(%dma_wait3A_427 : memref<80xi32, #tpu.memory_space<hbm>>) dst(%arg9 : memref<80xi32, #tpu.memory_space<vmem>>)
        %dma_wait3A_428 = arith.constant 0 : i32
        %dma_wait3A_429 = tpu.memref_slice %arg3[%dma_wait3A_428] : memref<640000xi32, #tpu.memory_space<hbm>> -> memref<80xi32, #tpu.memory_space<hbm>>
        %dma_wait3A_430 = arith.constant 0 : i32
        %dma_wait3A_431 = tpu.memref_slice %arg3[%dma_wait3A_430] : memref<640000xi32, #tpu.memory_space<hbm>> -> memref<80xi32, #tpu.memory_space<hbm>>
        tpu.wait_dma2 semaphore(%arg26 : memref<!tpu.dma_semaphore, #tpu.memory_space<semaphore_mem>>) src(%dma_wait3A_431 : memref<80xi32, #tpu.memory_space<hbm>>) dst(%arg13 : memref<80xi32, #tpu.memory_space<vmem>>)
        %dma_start3A_432 = arith.constant 0 : i32
        %dma_start3A_433 = arith.constant 0 : i32
        %dma_start3A_434 = tpu.memref_slice %arg5[%while3A_219, %dma_start3A_432, %dma_start3A_433] : memref<3x10000x128xf32, #tpu.memory_space<hbm>> -> memref<1x10000x128xf32, #tpu.memory_space<hbm>>
        %dma_start3A_435 = tpu.memref_squeeze %dma_start3A_434 : memref<1x10000x128xf32, #tpu.memory_space<hbm>> -> memref<10000x128xf32, #tpu.memory_space<hbm>>
        %dma_start3A_436 = arith.constant 0 : i32
        %dma_start3A_437 = arith.constant 0 : i32
        %dma_start3A_438 = tpu.memref_slice %dma_start3A_435[%dma_start3A_436, %dma_start3A_437] : memref<10000x128xf32, #tpu.memory_space<hbm>> -> memref<10000x128xf32, #tpu.memory_space<hbm>>
        tpu.enqueue_indirect_dma source(%dma_start3A_438 : memref<10000x128xf32, #tpu.memory_space<hbm>>) target(%arg17 : memref<80x128xf32, #tpu.memory_space<vmem>>) offsets(%arg9 : memref<80xi32, #tpu.memory_space<vmem>>) semaphore(%arg22 : memref<!tpu.dma_semaphore, #tpu.memory_space<semaphore_mem>>)
      } else {
      }
      %add3A_394 = arith.constant 4 : i32
      %add3A_395 = arith.addi %add3A_380, %add3A_394 : i32
      %lt3A_396 = arith.cmpi slt, %add3A_395, %mul3A_46 : i32
      %convert_element_type3A_397 = arith.extui %lt3A_396 : i1 to i32
      %cond3A_398 = arith.constant 0 : i32
      %cond3A_399 = arith.cmpi ne, %convert_element_type3A_397, %cond3A_398 : i32
      scf.if %cond3A_399 {
        %add3A_424 = arith.constant 4 : i32
        %add3A_425 = arith.addi %add3A_380, %add3A_424 : i32
        %mul3A_426 = arith.constant 80 : i32
        %mul3A_427 = arith.muli %add3A_425, %mul3A_426 : i32
        %add3A_428 = arith.addi %mul3A_44, %mul3A_427 : i32
        %dma_start3A_429 = tpu.memref_slice %arg3[%add3A_428] : memref<640000xi32, #tpu.memory_space<hbm>> -> memref<80xi32, #tpu.memory_space<hbm>>
        %dma_start3A_430 = tpu.memref_slice %arg3[%add3A_428] : memref<640000xi32, #tpu.memory_space<hbm>> -> memref<80xi32, #tpu.memory_space<hbm>>
        tpu.enqueue_dma source(%dma_start3A_430 : memref<80xi32, #tpu.memory_space<hbm>>) target(%arg10 : memref<80xi32, #tpu.memory_space<vmem>>) target_semaphore(%arg27 : memref<!tpu.dma_semaphore, #tpu.memory_space<semaphore_mem>>)
        %add3A_431 = arith.constant 320000 : i32
        %add3A_432 = arith.addi %add3A_431, %add3A_428 : i32
        %dma_start3A_433 = tpu.memref_slice %arg3[%add3A_432] : memref<640000xi32, #tpu.memory_space<hbm>> -> memref<80xi32, #tpu.memory_space<hbm>>
        %dma_start3A_434 = tpu.memref_slice %arg3[%add3A_432] : memref<640000xi32, #tpu.memory_space<hbm>> -> memref<80xi32, #tpu.memory_space<hbm>>
        tpu.enqueue_dma source(%dma_start3A_434 : memref<80xi32, #tpu.memory_space<hbm>>) target(%arg14 : memref<80xi32, #tpu.memory_space<vmem>>) target_semaphore(%arg27 : memref<!tpu.dma_semaphore, #tpu.memory_space<semaphore_mem>>)
      } else {
      }
      %mul3A_400 = arith.constant 4 : i32
      %mul3A_401 = arith.muli %while3A_330, %mul3A_400 : i32
      %add3A_402 = arith.constant 3 : i32
      %add3A_403 = arith.addi %mul3A_401, %add3A_402 : i32
      %dma_wait3A_404 = arith.constant 0 : i32
      %dma_wait3A_405 = arith.constant 0 : i32
      %dma_wait3A_406 = tpu.memref_slice %arg5[%while3A_219, %dma_wait3A_404, %dma_wait3A_405] : memref<3x10000x128xf32, #tpu.memory_space<hbm>> -> memref<1x10000x128xf32, #tpu.memory_space<hbm>>
      %dma_wait3A_407 = tpu.memref_squeeze %dma_wait3A_406 : memref<1x10000x128xf32, #tpu.memory_space<hbm>> -> memref<10000x128xf32, #tpu.memory_space<hbm>>
      %dma_wait3A_408 = arith.constant 0 : i32
      %dma_wait3A_409 = arith.constant 0 : i32
      %dma_wait3A_410 = tpu.memref_slice %dma_wait3A_407[%dma_wait3A_408, %dma_wait3A_409] : memref<10000x128xf32, #tpu.memory_space<hbm>> -> memref<10000x128xf32, #tpu.memory_space<hbm>>
      tpu.wait_indirect_dma semaphore(%arg24 : memref<!tpu.dma_semaphore, #tpu.memory_space<semaphore_mem>>) src(%dma_wait3A_410 : memref<10000x128xf32, #tpu.memory_space<hbm>>) dst(%arg19 : memref<80x128xf32, #tpu.memory_space<vmem>>)
      "tpu.region"() ({
        %run_scoped3A = tpu.sem_alloc : memref<!tpu.dma_semaphore, #tpu.memory_space<semaphore_mem>>
        %dma_start3A_424 = arith.constant 0 : i32
        %dma_start3A_425 = arith.constant 0 : i32
        %dma_start3A_426 = tpu.memref_slice %arg20[%dma_start3A_424, %dma_start3A_425] : memref<10112x128xf32, #tpu.memory_space<vmem_shared>> -> memref<10112x128xf32, #tpu.memory_space<vmem_shared>>
        tpu.enqueue_indirect_dma source(%arg19 : memref<80x128xf32, #tpu.memory_space<vmem>>) target(%dma_start3A_426 : memref<10112x128xf32, #tpu.memory_space<vmem_shared>>) offsets(%arg15 : memref<80xi32, #tpu.memory_space<vmem>>) semaphore(%run_scoped3A : memref<!tpu.dma_semaphore, #tpu.memory_space<semaphore_mem>>) {add = true}
        %dma_wait3A_427 = arith.constant 0 : i32
        %dma_wait3A_428 = arith.constant 0 : i32
        %dma_wait3A_429 = tpu.memref_slice %arg20[%dma_wait3A_427, %dma_wait3A_428] : memref<10112x128xf32, #tpu.memory_space<vmem_shared>> -> memref<10112x128xf32, #tpu.memory_space<vmem_shared>>
        tpu.wait_indirect_dma semaphore(%run_scoped3A : memref<!tpu.dma_semaphore, #tpu.memory_space<semaphore_mem>>) src(%arg19 : memref<80x128xf32, #tpu.memory_space<vmem>>) dst(%dma_wait3A_429 : memref<10112x128xf32, #tpu.memory_space<vmem_shared>>)
        tpu.yield
      }) : () -> ()
      %add3A_411 = arith.constant 3 : i32
      %add3A_412 = arith.addi %add3A_403, %add3A_411 : i32
      %lt3A_413 = arith.cmpi slt, %add3A_412, %mul3A_46 : i32
      %convert_element_type3A_414 = arith.extui %lt3A_413 : i1 to i32
      %cond3A_415 = arith.constant 0 : i32
      %cond3A_416 = arith.cmpi ne, %convert_element_type3A_414, %cond3A_415 : i32
      scf.if %cond3A_416 {
        %dma_wait3A_424 = arith.constant 0 : i32
        %dma_wait3A_425 = tpu.memref_slice %arg3[%dma_wait3A_424] : memref<640000xi32, #tpu.memory_space<hbm>> -> memref<80xi32, #tpu.memory_space<hbm>>
        %dma_wait3A_426 = arith.constant 0 : i32
        %dma_wait3A_427 = tpu.memref_slice %arg3[%dma_wait3A_426] : memref<640000xi32, #tpu.memory_space<hbm>> -> memref<80xi32, #tpu.memory_space<hbm>>
        tpu.wait_dma2 semaphore(%arg27 : memref<!tpu.dma_semaphore, #tpu.memory_space<semaphore_mem>>) src(%dma_wait3A_427 : memref<80xi32, #tpu.memory_space<hbm>>) dst(%arg10 : memref<80xi32, #tpu.memory_space<vmem>>)
        %dma_wait3A_428 = arith.constant 0 : i32
        %dma_wait3A_429 = tpu.memref_slice %arg3[%dma_wait3A_428] : memref<640000xi32, #tpu.memory_space<hbm>> -> memref<80xi32, #tpu.memory_space<hbm>>
        %dma_wait3A_430 = arith.constant 0 : i32
        %dma_wait3A_431 = tpu.memref_slice %arg3[%dma_wait3A_430] : memref<640000xi32, #tpu.memory_space<hbm>> -> memref<80xi32, #tpu.memory_space<hbm>>
        tpu.wait_dma2 semaphore(%arg27 : memref<!tpu.dma_semaphore, #tpu.memory_space<semaphore_mem>>) src(%dma_wait3A_431 : memref<80xi32, #tpu.memory_space<hbm>>) dst(%arg14 : memref<80xi32, #tpu.memory_space<vmem>>)
        %dma_start3A_432 = arith.constant 0 : i32
        %dma_start3A_433 = arith.constant 0 : i32
        %dma_start3A_434 = tpu.memref_slice %arg5[%while3A_219, %dma_start3A_432, %dma_start3A_433] : memref<3x10000x128xf32, #tpu.memory_space<hbm>> -> memref<1x10000x128xf32, #tpu.memory_space<hbm>>
        %dma_start3A_435 = tpu.memref_squeeze %dma_start3A_434 : memref<1x10000x128xf32, #tpu.memory_space<hbm>> -> memref<10000x128xf32, #tpu.memory_space<hbm>>
        %dma_start3A_436 = arith.constant 0 : i32
        %dma_start3A_437 = arith.constant 0 : i32
        %dma_start3A_438 = tpu.memref_slice %dma_start3A_435[%dma_start3A_436, %dma_start3A_437] : memref<10000x128xf32, #tpu.memory_space<hbm>> -> memref<10000x128xf32, #tpu.memory_space<hbm>>
        tpu.enqueue_indirect_dma source(%dma_start3A_438 : memref<10000x128xf32, #tpu.memory_space<hbm>>) target(%arg18 : memref<80x128xf32, #tpu.memory_space<vmem>>) offsets(%arg10 : memref<80xi32, #tpu.memory_space<vmem>>) semaphore(%arg23 : memref<!tpu.dma_semaphore, #tpu.memory_space<semaphore_mem>>)
      } else {
      }
      %add3A_417 = arith.constant 4 : i32
      %add3A_418 = arith.addi %add3A_403, %add3A_417 : i32
      %lt3A_419 = arith.cmpi slt, %add3A_418, %mul3A_46 : i32
      %convert_element_type3A_420 = arith.extui %lt3A_419 : i1 to i32
      %cond3A_421 = arith.constant 0 : i32
      %cond3A_422 = arith.cmpi ne, %convert_element_type3A_420, %cond3A_421 : i32
      scf.if %cond3A_422 {
        %add3A_424 = arith.constant 4 : i32
        %add3A_425 = arith.addi %add3A_403, %add3A_424 : i32
        %mul3A_426 = arith.constant 80 : i32
        %mul3A_427 = arith.muli %add3A_425, %mul3A_426 : i32
        %add3A_428 = arith.addi %mul3A_44, %mul3A_427 : i32
        %dma_start3A_429 = tpu.memref_slice %arg3[%add3A_428] : memref<640000xi32, #tpu.memory_space<hbm>> -> memref<80xi32, #tpu.memory_space<hbm>>
        %dma_start3A_430 = tpu.memref_slice %arg3[%add3A_428] : memref<640000xi32, #tpu.memory_space<hbm>> -> memref<80xi32, #tpu.memory_space<hbm>>
        tpu.enqueue_dma source(%dma_start3A_430 : memref<80xi32, #tpu.memory_space<hbm>>) target(%arg11 : memref<80xi32, #tpu.memory_space<vmem>>) target_semaphore(%arg28 : memref<!tpu.dma_semaphore, #tpu.memory_space<semaphore_mem>>)
        %add3A_431 = arith.constant 320000 : i32
        %add3A_432 = arith.addi %add3A_431, %add3A_428 : i32
        %dma_start3A_433 = tpu.memref_slice %arg3[%add3A_432] : memref<640000xi32, #tpu.memory_space<hbm>> -> memref<80xi32, #tpu.memory_space<hbm>>
        %dma_start3A_434 = tpu.memref_slice %arg3[%add3A_432] : memref<640000xi32, #tpu.memory_space<hbm>> -> memref<80xi32, #tpu.memory_space<hbm>>
        tpu.enqueue_dma source(%dma_start3A_434 : memref<80xi32, #tpu.memory_space<hbm>>) target(%arg15 : memref<80xi32, #tpu.memory_space<vmem>>) target_semaphore(%arg28 : memref<!tpu.dma_semaphore, #tpu.memory_space<semaphore_mem>>)
      } else {
      }
      %while3A_423 = arith.constant 0 : i32
      scf.yield %while3A_423 : i32
    }
    %add3A_232 = arith.constant 0 : i32
    %add3A_233 = arith.addi %mul3A_44, %add3A_232 : i32
    %dma_start3A_234 = tpu.memref_slice %arg4[%add3A_233] : memref<640000xi32, #tpu.memory_space<hbm>> -> memref<80xi32, #tpu.memory_space<hbm>>
    %dma_start3A_235 = tpu.memref_slice %arg4[%add3A_233] : memref<640000xi32, #tpu.memory_space<hbm>> -> memref<80xi32, #tpu.memory_space<hbm>>
    tpu.enqueue_dma source(%dma_start3A_235 : memref<80xi32, #tpu.memory_space<hbm>>) target(%arg8 : memref<80xi32, #tpu.memory_space<vmem>>) target_semaphore(%arg25 : memref<!tpu.dma_semaphore, #tpu.memory_space<semaphore_mem>>)
    %add3A_236 = arith.constant 320000 : i32
    %add3A_237 = arith.addi %add3A_236, %add3A_233 : i32
    %dma_start3A_238 = tpu.memref_slice %arg4[%add3A_237] : memref<640000xi32, #tpu.memory_space<hbm>> -> memref<80xi32, #tpu.memory_space<hbm>>
    %dma_start3A_239 = tpu.memref_slice %arg4[%add3A_237] : memref<640000xi32, #tpu.memory_space<hbm>> -> memref<80xi32, #tpu.memory_space<hbm>>
    tpu.enqueue_dma source(%dma_start3A_239 : memref<80xi32, #tpu.memory_space<hbm>>) target(%arg12 : memref<80xi32, #tpu.memory_space<vmem>>) target_semaphore(%arg25 : memref<!tpu.dma_semaphore, #tpu.memory_space<semaphore_mem>>)
    %add3A_240 = arith.constant 80 : i32
    %add3A_241 = arith.addi %mul3A_44, %add3A_240 : i32
    %dma_start3A_242 = tpu.memref_slice %arg4[%add3A_241] : memref<640000xi32, #tpu.memory_space<hbm>> -> memref<80xi32, #tpu.memory_space<hbm>>
    %dma_start3A_243 = tpu.memref_slice %arg4[%add3A_241] : memref<640000xi32, #tpu.memory_space<hbm>> -> memref<80xi32, #tpu.memory_space<hbm>>
    tpu.enqueue_dma source(%dma_start3A_243 : memref<80xi32, #tpu.memory_space<hbm>>) target(%arg9 : memref<80xi32, #tpu.memory_space<vmem>>) target_semaphore(%arg26 : memref<!tpu.dma_semaphore, #tpu.memory_space<semaphore_mem>>)
    %add3A_244 = arith.constant 320000 : i32
    %add3A_245 = arith.addi %add3A_244, %add3A_241 : i32
    %dma_start3A_246 = tpu.memref_slice %arg4[%add3A_245] : memref<640000xi32, #tpu.memory_space<hbm>> -> memref<80xi32, #tpu.memory_space<hbm>>
    %dma_start3A_247 = tpu.memref_slice %arg4[%add3A_245] : memref<640000xi32, #tpu.memory_space<hbm>> -> memref<80xi32, #tpu.memory_space<hbm>>
    tpu.enqueue_dma source(%dma_start3A_247 : memref<80xi32, #tpu.memory_space<hbm>>) target(%arg13 : memref<80xi32, #tpu.memory_space<vmem>>) target_semaphore(%arg26 : memref<!tpu.dma_semaphore, #tpu.memory_space<semaphore_mem>>)
    %add3A_248 = arith.constant 160 : i32
    %add3A_249 = arith.addi %mul3A_44, %add3A_248 : i32
    %dma_start3A_250 = tpu.memref_slice %arg4[%add3A_249] : memref<640000xi32, #tpu.memory_space<hbm>> -> memref<80xi32, #tpu.memory_space<hbm>>
    %dma_start3A_251 = tpu.memref_slice %arg4[%add3A_249] : memref<640000xi32, #tpu.memory_space<hbm>> -> memref<80xi32, #tpu.memory_space<hbm>>
    tpu.enqueue_dma source(%dma_start3A_251 : memref<80xi32, #tpu.memory_space<hbm>>) target(%arg10 : memref<80xi32, #tpu.memory_space<vmem>>) target_semaphore(%arg27 : memref<!tpu.dma_semaphore, #tpu.memory_space<semaphore_mem>>)
    %add3A_252 = arith.constant 320000 : i32
    %add3A_253 = arith.addi %add3A_252, %add3A_249 : i32
    %dma_start3A_254 = tpu.memref_slice %arg4[%add3A_253] : memref<640000xi32, #tpu.memory_space<hbm>> -> memref<80xi32, #tpu.memory_space<hbm>>
    %dma_start3A_255 = tpu.memref_slice %arg4[%add3A_253] : memref<640000xi32, #tpu.memory_space<hbm>> -> memref<80xi32, #tpu.memory_space<hbm>>
    tpu.enqueue_dma source(%dma_start3A_255 : memref<80xi32, #tpu.memory_space<hbm>>) target(%arg14 : memref<80xi32, #tpu.memory_space<vmem>>) target_semaphore(%arg27 : memref<!tpu.dma_semaphore, #tpu.memory_space<semaphore_mem>>)
    %add3A_256 = arith.constant 240 : i32
    %add3A_257 = arith.addi %mul3A_44, %add3A_256 : i32
    %dma_start3A_258 = tpu.memref_slice %arg4[%add3A_257] : memref<640000xi32, #tpu.memory_space<hbm>> -> memref<80xi32, #tpu.memory_space<hbm>>
    %dma_start3A_259 = tpu.memref_slice %arg4[%add3A_257] : memref<640000xi32, #tpu.memory_space<hbm>> -> memref<80xi32, #tpu.memory_space<hbm>>
    tpu.enqueue_dma source(%dma_start3A_259 : memref<80xi32, #tpu.memory_space<hbm>>) target(%arg11 : memref<80xi32, #tpu.memory_space<vmem>>) target_semaphore(%arg28 : memref<!tpu.dma_semaphore, #tpu.memory_space<semaphore_mem>>)
    %add3A_260 = arith.constant 320000 : i32
    %add3A_261 = arith.addi %add3A_260, %add3A_257 : i32
    %dma_start3A_262 = tpu.memref_slice %arg4[%add3A_261] : memref<640000xi32, #tpu.memory_space<hbm>> -> memref<80xi32, #tpu.memory_space<hbm>>
    %dma_start3A_263 = tpu.memref_slice %arg4[%add3A_261] : memref<640000xi32, #tpu.memory_space<hbm>> -> memref<80xi32, #tpu.memory_space<hbm>>
    tpu.enqueue_dma source(%dma_start3A_263 : memref<80xi32, #tpu.memory_space<hbm>>) target(%arg15 : memref<80xi32, #tpu.memory_space<vmem>>) target_semaphore(%arg28 : memref<!tpu.dma_semaphore, #tpu.memory_space<semaphore_mem>>)
    %dma_wait3A_264 = arith.constant 0 : i32
    %dma_wait3A_265 = tpu.memref_slice %arg4[%dma_wait3A_264] : memref<640000xi32, #tpu.memory_space<hbm>> -> memref<80xi32, #tpu.memory_space<hbm>>
    %dma_wait3A_266 = arith.constant 0 : i32
    %dma_wait3A_267 = tpu.memref_slice %arg4[%dma_wait3A_266] : memref<640000xi32, #tpu.memory_space<hbm>> -> memref<80xi32, #tpu.memory_space<hbm>>
    tpu.wait_dma2 semaphore(%arg25 : memref<!tpu.dma_semaphore, #tpu.memory_space<semaphore_mem>>) src(%dma_wait3A_267 : memref<80xi32, #tpu.memory_space<hbm>>) dst(%arg8 : memref<80xi32, #tpu.memory_space<vmem>>)
    %dma_wait3A_268 = arith.constant 0 : i32
    %dma_wait3A_269 = tpu.memref_slice %arg4[%dma_wait3A_268] : memref<640000xi32, #tpu.memory_space<hbm>> -> memref<80xi32, #tpu.memory_space<hbm>>
    %dma_wait3A_270 = arith.constant 0 : i32
    %dma_wait3A_271 = tpu.memref_slice %arg4[%dma_wait3A_270] : memref<640000xi32, #tpu.memory_space<hbm>> -> memref<80xi32, #tpu.memory_space<hbm>>
    tpu.wait_dma2 semaphore(%arg25 : memref<!tpu.dma_semaphore, #tpu.memory_space<semaphore_mem>>) src(%dma_wait3A_271 : memref<80xi32, #tpu.memory_space<hbm>>) dst(%arg12 : memref<80xi32, #tpu.memory_space<vmem>>)
    %dma_start3A_272 = arith.constant 2 : i32
    %dma_start3A_273 = arith.constant 0 : i32
    %dma_start3A_274 = arith.constant 0 : i32
    %dma_start3A_275 = tpu.memref_slice %arg5[%dma_start3A_272, %dma_start3A_273, %dma_start3A_274] : memref<3x10000x128xf32, #tpu.memory_space<hbm>> -> memref<1x10000x128xf32, #tpu.memory_space<hbm>>
    %dma_start3A_276 = tpu.memref_squeeze %dma_start3A_275 : memref<1x10000x128xf32, #tpu.memory_space<hbm>> -> memref<10000x128xf32, #tpu.memory_space<hbm>>
    %dma_start3A_277 = arith.constant 0 : i32
    %dma_start3A_278 = arith.constant 0 : i32
    %dma_start3A_279 = tpu.memref_slice %dma_start3A_276[%dma_start3A_277, %dma_start3A_278] : memref<10000x128xf32, #tpu.memory_space<hbm>> -> memref<10000x128xf32, #tpu.memory_space<hbm>>
    tpu.enqueue_indirect_dma source(%dma_start3A_279 : memref<10000x128xf32, #tpu.memory_space<hbm>>) target(%arg16 : memref<80x128xf32, #tpu.memory_space<vmem>>) offsets(%arg8 : memref<80xi32, #tpu.memory_space<vmem>>) semaphore(%arg21 : memref<!tpu.dma_semaphore, #tpu.memory_space<semaphore_mem>>)
    %dma_wait3A_280 = arith.constant 0 : i32
    %dma_wait3A_281 = tpu.memref_slice %arg4[%dma_wait3A_280] : memref<640000xi32, #tpu.memory_space<hbm>> -> memref<80xi32, #tpu.memory_space<hbm>>
    %dma_wait3A_282 = arith.constant 0 : i32
    %dma_wait3A_283 = tpu.memref_slice %arg4[%dma_wait3A_282] : memref<640000xi32, #tpu.memory_space<hbm>> -> memref<80xi32, #tpu.memory_space<hbm>>
    tpu.wait_dma2 semaphore(%arg26 : memref<!tpu.dma_semaphore, #tpu.memory_space<semaphore_mem>>) src(%dma_wait3A_283 : memref<80xi32, #tpu.memory_space<hbm>>) dst(%arg9 : memref<80xi32, #tpu.memory_space<vmem>>)
    %dma_wait3A_284 = arith.constant 0 : i32
    %dma_wait3A_285 = tpu.memref_slice %arg4[%dma_wait3A_284] : memref<640000xi32, #tpu.memory_space<hbm>> -> memref<80xi32, #tpu.memory_space<hbm>>
    %dma_wait3A_286 = arith.constant 0 : i32
    %dma_wait3A_287 = tpu.memref_slice %arg4[%dma_wait3A_286] : memref<640000xi32, #tpu.memory_space<hbm>> -> memref<80xi32, #tpu.memory_space<hbm>>
    tpu.wait_dma2 semaphore(%arg26 : memref<!tpu.dma_semaphore, #tpu.memory_space<semaphore_mem>>) src(%dma_wait3A_287 : memref<80xi32, #tpu.memory_space<hbm>>) dst(%arg13 : memref<80xi32, #tpu.memory_space<vmem>>)
    %dma_start3A_288 = arith.constant 2 : i32
    %dma_start3A_289 = arith.constant 0 : i32
    %dma_start3A_290 = arith.constant 0 : i32
    %dma_start3A_291 = tpu.memref_slice %arg5[%dma_start3A_288, %dma_start3A_289, %dma_start3A_290] : memref<3x10000x128xf32, #tpu.memory_space<hbm>> -> memref<1x10000x128xf32, #tpu.memory_space<hbm>>
    %dma_start3A_292 = tpu.memref_squeeze %dma_start3A_291 : memref<1x10000x128xf32, #tpu.memory_space<hbm>> -> memref<10000x128xf32, #tpu.memory_space<hbm>>
    %dma_start3A_293 = arith.constant 0 : i32
    %dma_start3A_294 = arith.constant 0 : i32
    %dma_start3A_295 = tpu.memref_slice %dma_start3A_292[%dma_start3A_293, %dma_start3A_294] : memref<10000x128xf32, #tpu.memory_space<hbm>> -> memref<10000x128xf32, #tpu.memory_space<hbm>>
    tpu.enqueue_indirect_dma source(%dma_start3A_295 : memref<10000x128xf32, #tpu.memory_space<hbm>>) target(%arg17 : memref<80x128xf32, #tpu.memory_space<vmem>>) offsets(%arg9 : memref<80xi32, #tpu.memory_space<vmem>>) semaphore(%arg22 : memref<!tpu.dma_semaphore, #tpu.memory_space<semaphore_mem>>)
    %dma_wait3A_296 = arith.constant 0 : i32
    %dma_wait3A_297 = tpu.memref_slice %arg4[%dma_wait3A_296] : memref<640000xi32, #tpu.memory_space<hbm>> -> memref<80xi32, #tpu.memory_space<hbm>>
    %dma_wait3A_298 = arith.constant 0 : i32
    %dma_wait3A_299 = tpu.memref_slice %arg4[%dma_wait3A_298] : memref<640000xi32, #tpu.memory_space<hbm>> -> memref<80xi32, #tpu.memory_space<hbm>>
    tpu.wait_dma2 semaphore(%arg27 : memref<!tpu.dma_semaphore, #tpu.memory_space<semaphore_mem>>) src(%dma_wait3A_299 : memref<80xi32, #tpu.memory_space<hbm>>) dst(%arg10 : memref<80xi32, #tpu.memory_space<vmem>>)
    %dma_wait3A_300 = arith.constant 0 : i32
    %dma_wait3A_301 = tpu.memref_slice %arg4[%dma_wait3A_300] : memref<640000xi32, #tpu.memory_space<hbm>> -> memref<80xi32, #tpu.memory_space<hbm>>
    %dma_wait3A_302 = arith.constant 0 : i32
    %dma_wait3A_303 = tpu.memref_slice %arg4[%dma_wait3A_302] : memref<640000xi32, #tpu.memory_space<hbm>> -> memref<80xi32, #tpu.memory_space<hbm>>
    tpu.wait_dma2 semaphore(%arg27 : memref<!tpu.dma_semaphore, #tpu.memory_space<semaphore_mem>>) src(%dma_wait3A_303 : memref<80xi32, #tpu.memory_space<hbm>>) dst(%arg14 : memref<80xi32, #tpu.memory_space<vmem>>)
    %dma_start3A_304 = arith.constant 2 : i32
    %dma_start3A_305 = arith.constant 0 : i32
    %dma_start3A_306 = arith.constant 0 : i32
    %dma_start3A_307 = tpu.memref_slice %arg5[%dma_start3A_304, %dma_start3A_305, %dma_start3A_306] : memref<3x10000x128xf32, #tpu.memory_space<hbm>> -> memref<1x10000x128xf32, #tpu.memory_space<hbm>>
    %dma_start3A_308 = tpu.memref_squeeze %dma_start3A_307 : memref<1x10000x128xf32, #tpu.memory_space<hbm>> -> memref<10000x128xf32, #tpu.memory_space<hbm>>
    %dma_start3A_309 = arith.constant 0 : i32
    %dma_start3A_310 = arith.constant 0 : i32
    %dma_start3A_311 = tpu.memref_slice %dma_start3A_308[%dma_start3A_309, %dma_start3A_310] : memref<10000x128xf32, #tpu.memory_space<hbm>> -> memref<10000x128xf32, #tpu.memory_space<hbm>>
    tpu.enqueue_indirect_dma source(%dma_start3A_311 : memref<10000x128xf32, #tpu.memory_space<hbm>>) target(%arg18 : memref<80x128xf32, #tpu.memory_space<vmem>>) offsets(%arg10 : memref<80xi32, #tpu.memory_space<vmem>>) semaphore(%arg23 : memref<!tpu.dma_semaphore, #tpu.memory_space<semaphore_mem>>)
    %while3A_312 = arith.constant 2 : i32
    %while3A_313 = arith.constant 0 : i32
    %while3A_314 = arith.constant 0 : i32
    %while3A_315 = arith.subi %add3A_40, %while3A_313 : i32
    %while3A_316 = arith.addi %while3A_313, %while3A_315 : i32
    %while3A_317 = arith.constant 1 : i32
    %while3A_318 = arith.divsi %while3A_315, %while3A_317 : i32
    %while3A_319 = arith.muli %while3A_318, %while3A_317 : i32
    %while3A_320 = arith.addi %while3A_313, %while3A_319 : i32
    %while3A_321 = arith.constant 1 : i32
    %while3A_322 = scf.for %while3A_330 = %while3A_313 to %while3A_320 step %while3A_321 iter_args(%while3A_331 = %while3A_314) -> (i32)  : i32 {
      %mul3A_332 = arith.constant 4 : i32
      %mul3A_333 = arith.muli %while3A_330, %mul3A_332 : i32
      %add3A_334 = arith.constant 0 : i32
      %add3A_335 = arith.addi %mul3A_333, %add3A_334 : i32
      %dma_wait3A_336 = arith.constant 0 : i32
      %dma_wait3A_337 = arith.constant 0 : i32
      %dma_wait3A_338 = tpu.memref_slice %arg5[%while3A_312, %dma_wait3A_336, %dma_wait3A_337] : memref<3x10000x128xf32, #tpu.memory_space<hbm>> -> memref<1x10000x128xf32, #tpu.memory_space<hbm>>
      %dma_wait3A_339 = tpu.memref_squeeze %dma_wait3A_338 : memref<1x10000x128xf32, #tpu.memory_space<hbm>> -> memref<10000x128xf32, #tpu.memory_space<hbm>>
      %dma_wait3A_340 = arith.constant 0 : i32
      %dma_wait3A_341 = arith.constant 0 : i32
      %dma_wait3A_342 = tpu.memref_slice %dma_wait3A_339[%dma_wait3A_340, %dma_wait3A_341] : memref<10000x128xf32, #tpu.memory_space<hbm>> -> memref<10000x128xf32, #tpu.memory_space<hbm>>
      tpu.wait_indirect_dma semaphore(%arg21 : memref<!tpu.dma_semaphore, #tpu.memory_space<semaphore_mem>>) src(%dma_wait3A_342 : memref<10000x128xf32, #tpu.memory_space<hbm>>) dst(%arg16 : memref<80x128xf32, #tpu.memory_space<vmem>>)
      "tpu.region"() ({
        %run_scoped3A = tpu.sem_alloc : memref<!tpu.dma_semaphore, #tpu.memory_space<semaphore_mem>>
        %dma_start3A_424 = arith.constant 0 : i32
        %dma_start3A_425 = arith.constant 0 : i32
        %dma_start3A_426 = tpu.memref_slice %arg20[%dma_start3A_424, %dma_start3A_425] : memref<10112x128xf32, #tpu.memory_space<vmem_shared>> -> memref<10112x128xf32, #tpu.memory_space<vmem_shared>>
        tpu.enqueue_indirect_dma source(%arg16 : memref<80x128xf32, #tpu.memory_space<vmem>>) target(%dma_start3A_426 : memref<10112x128xf32, #tpu.memory_space<vmem_shared>>) offsets(%arg12 : memref<80xi32, #tpu.memory_space<vmem>>) semaphore(%run_scoped3A : memref<!tpu.dma_semaphore, #tpu.memory_space<semaphore_mem>>) {add = true}
        %dma_wait3A_427 = arith.constant 0 : i32
        %dma_wait3A_428 = arith.constant 0 : i32
        %dma_wait3A_429 = tpu.memref_slice %arg20[%dma_wait3A_427, %dma_wait3A_428] : memref<10112x128xf32, #tpu.memory_space<vmem_shared>> -> memref<10112x128xf32, #tpu.memory_space<vmem_shared>>
        tpu.wait_indirect_dma semaphore(%run_scoped3A : memref<!tpu.dma_semaphore, #tpu.memory_space<semaphore_mem>>) src(%arg16 : memref<80x128xf32, #tpu.memory_space<vmem>>) dst(%dma_wait3A_429 : memref<10112x128xf32, #tpu.memory_space<vmem_shared>>)
        tpu.yield
      }) : () -> ()
      %add3A_343 = arith.constant 3 : i32
      %add3A_344 = arith.addi %add3A_335, %add3A_343 : i32
      %lt3A_345 = arith.cmpi slt, %add3A_344, %mul3A_46 : i32
      %convert_element_type3A_346 = arith.extui %lt3A_345 : i1 to i32
      %cond3A = arith.constant 0 : i32
      %cond3A_347 = arith.cmpi ne, %convert_element_type3A_346, %cond3A : i32
      scf.if %cond3A_347 {
        %dma_wait3A_424 = arith.constant 0 : i32
        %dma_wait3A_425 = tpu.memref_slice %arg4[%dma_wait3A_424] : memref<640000xi32, #tpu.memory_space<hbm>> -> memref<80xi32, #tpu.memory_space<hbm>>
        %dma_wait3A_426 = arith.constant 0 : i32
        %dma_wait3A_427 = tpu.memref_slice %arg4[%dma_wait3A_426] : memref<640000xi32, #tpu.memory_space<hbm>> -> memref<80xi32, #tpu.memory_space<hbm>>
        tpu.wait_dma2 semaphore(%arg28 : memref<!tpu.dma_semaphore, #tpu.memory_space<semaphore_mem>>) src(%dma_wait3A_427 : memref<80xi32, #tpu.memory_space<hbm>>) dst(%arg11 : memref<80xi32, #tpu.memory_space<vmem>>)
        %dma_wait3A_428 = arith.constant 0 : i32
        %dma_wait3A_429 = tpu.memref_slice %arg4[%dma_wait3A_428] : memref<640000xi32, #tpu.memory_space<hbm>> -> memref<80xi32, #tpu.memory_space<hbm>>
        %dma_wait3A_430 = arith.constant 0 : i32
        %dma_wait3A_431 = tpu.memref_slice %arg4[%dma_wait3A_430] : memref<640000xi32, #tpu.memory_space<hbm>> -> memref<80xi32, #tpu.memory_space<hbm>>
        tpu.wait_dma2 semaphore(%arg28 : memref<!tpu.dma_semaphore, #tpu.memory_space<semaphore_mem>>) src(%dma_wait3A_431 : memref<80xi32, #tpu.memory_space<hbm>>) dst(%arg15 : memref<80xi32, #tpu.memory_space<vmem>>)
        %dma_start3A_432 = arith.constant 0 : i32
        %dma_start3A_433 = arith.constant 0 : i32
        %dma_start3A_434 = tpu.memref_slice %arg5[%while3A_312, %dma_start3A_432, %dma_start3A_433] : memref<3x10000x128xf32, #tpu.memory_space<hbm>> -> memref<1x10000x128xf32, #tpu.memory_space<hbm>>
        %dma_start3A_435 = tpu.memref_squeeze %dma_start3A_434 : memref<1x10000x128xf32, #tpu.memory_space<hbm>> -> memref<10000x128xf32, #tpu.memory_space<hbm>>
        %dma_start3A_436 = arith.constant 0 : i32
        %dma_start3A_437 = arith.constant 0 : i32
        %dma_start3A_438 = tpu.memref_slice %dma_start3A_435[%dma_start3A_436, %dma_start3A_437] : memref<10000x128xf32, #tpu.memory_space<hbm>> -> memref<10000x128xf32, #tpu.memory_space<hbm>>
        tpu.enqueue_indirect_dma source(%dma_start3A_438 : memref<10000x128xf32, #tpu.memory_space<hbm>>) target(%arg19 : memref<80x128xf32, #tpu.memory_space<vmem>>) offsets(%arg11 : memref<80xi32, #tpu.memory_space<vmem>>) semaphore(%arg24 : memref<!tpu.dma_semaphore, #tpu.memory_space<semaphore_mem>>)
      } else {
      }
      %add3A_348 = arith.constant 4 : i32
      %add3A_349 = arith.addi %add3A_335, %add3A_348 : i32
      %lt3A_350 = arith.cmpi slt, %add3A_349, %mul3A_46 : i32
      %convert_element_type3A_351 = arith.extui %lt3A_350 : i1 to i32
      %cond3A_352 = arith.constant 0 : i32
      %cond3A_353 = arith.cmpi ne, %convert_element_type3A_351, %cond3A_352 : i32
      scf.if %cond3A_353 {
        %add3A_424 = arith.constant 4 : i32
        %add3A_425 = arith.addi %add3A_335, %add3A_424 : i32
        %mul3A_426 = arith.constant 80 : i32
        %mul3A_427 = arith.muli %add3A_425, %mul3A_426 : i32
        %add3A_428 = arith.addi %mul3A_44, %mul3A_427 : i32
        %dma_start3A_429 = tpu.memref_slice %arg4[%add3A_428] : memref<640000xi32, #tpu.memory_space<hbm>> -> memref<80xi32, #tpu.memory_space<hbm>>
        %dma_start3A_430 = tpu.memref_slice %arg4[%add3A_428] : memref<640000xi32, #tpu.memory_space<hbm>> -> memref<80xi32, #tpu.memory_space<hbm>>
        tpu.enqueue_dma source(%dma_start3A_430 : memref<80xi32, #tpu.memory_space<hbm>>) target(%arg8 : memref<80xi32, #tpu.memory_space<vmem>>) target_semaphore(%arg25 : memref<!tpu.dma_semaphore, #tpu.memory_space<semaphore_mem>>)
        %add3A_431 = arith.constant 320000 : i32
        %add3A_432 = arith.addi %add3A_431, %add3A_428 : i32
        %dma_start3A_433 = tpu.memref_slice %arg4[%add3A_432] : memref<640000xi32, #tpu.memory_space<hbm>> -> memref<80xi32, #tpu.memory_space<hbm>>
        %dma_start3A_434 = tpu.memref_slice %arg4[%add3A_432] : memref<640000xi32, #tpu.memory_space<hbm>> -> memref<80xi32, #tpu.memory_space<hbm>>
        tpu.enqueue_dma source(%dma_start3A_434 : memref<80xi32, #tpu.memory_space<hbm>>) target(%arg12 : memref<80xi32, #tpu.memory_space<vmem>>) target_semaphore(%arg25 : memref<!tpu.dma_semaphore, #tpu.memory_space<semaphore_mem>>)
      } else {
      }
      %mul3A_354 = arith.constant 4 : i32
      %mul3A_355 = arith.muli %while3A_330, %mul3A_354 : i32
      %add3A_356 = arith.constant 1 : i32
      %add3A_357 = arith.addi %mul3A_355, %add3A_356 : i32
      %dma_wait3A_358 = arith.constant 0 : i32
      %dma_wait3A_359 = arith.constant 0 : i32
      %dma_wait3A_360 = tpu.memref_slice %arg5[%while3A_312, %dma_wait3A_358, %dma_wait3A_359] : memref<3x10000x128xf32, #tpu.memory_space<hbm>> -> memref<1x10000x128xf32, #tpu.memory_space<hbm>>
      %dma_wait3A_361 = tpu.memref_squeeze %dma_wait3A_360 : memref<1x10000x128xf32, #tpu.memory_space<hbm>> -> memref<10000x128xf32, #tpu.memory_space<hbm>>
      %dma_wait3A_362 = arith.constant 0 : i32
      %dma_wait3A_363 = arith.constant 0 : i32
      %dma_wait3A_364 = tpu.memref_slice %dma_wait3A_361[%dma_wait3A_362, %dma_wait3A_363] : memref<10000x128xf32, #tpu.memory_space<hbm>> -> memref<10000x128xf32, #tpu.memory_space<hbm>>
      tpu.wait_indirect_dma semaphore(%arg22 : memref<!tpu.dma_semaphore, #tpu.memory_space<semaphore_mem>>) src(%dma_wait3A_364 : memref<10000x128xf32, #tpu.memory_space<hbm>>) dst(%arg17 : memref<80x128xf32, #tpu.memory_space<vmem>>)
      "tpu.region"() ({
        %run_scoped3A = tpu.sem_alloc : memref<!tpu.dma_semaphore, #tpu.memory_space<semaphore_mem>>
        %dma_start3A_424 = arith.constant 0 : i32
        %dma_start3A_425 = arith.constant 0 : i32
        %dma_start3A_426 = tpu.memref_slice %arg20[%dma_start3A_424, %dma_start3A_425] : memref<10112x128xf32, #tpu.memory_space<vmem_shared>> -> memref<10112x128xf32, #tpu.memory_space<vmem_shared>>
        tpu.enqueue_indirect_dma source(%arg17 : memref<80x128xf32, #tpu.memory_space<vmem>>) target(%dma_start3A_426 : memref<10112x128xf32, #tpu.memory_space<vmem_shared>>) offsets(%arg13 : memref<80xi32, #tpu.memory_space<vmem>>) semaphore(%run_scoped3A : memref<!tpu.dma_semaphore, #tpu.memory_space<semaphore_mem>>) {add = true}
        %dma_wait3A_427 = arith.constant 0 : i32
        %dma_wait3A_428 = arith.constant 0 : i32
        %dma_wait3A_429 = tpu.memref_slice %arg20[%dma_wait3A_427, %dma_wait3A_428] : memref<10112x128xf32, #tpu.memory_space<vmem_shared>> -> memref<10112x128xf32, #tpu.memory_space<vmem_shared>>
        tpu.wait_indirect_dma semaphore(%run_scoped3A : memref<!tpu.dma_semaphore, #tpu.memory_space<semaphore_mem>>) src(%arg17 : memref<80x128xf32, #tpu.memory_space<vmem>>) dst(%dma_wait3A_429 : memref<10112x128xf32, #tpu.memory_space<vmem_shared>>)
        tpu.yield
      }) : () -> ()
      %add3A_365 = arith.constant 3 : i32
      %add3A_366 = arith.addi %add3A_357, %add3A_365 : i32
      %lt3A_367 = arith.cmpi slt, %add3A_366, %mul3A_46 : i32
      %convert_element_type3A_368 = arith.extui %lt3A_367 : i1 to i32
      %cond3A_369 = arith.constant 0 : i32
      %cond3A_370 = arith.cmpi ne, %convert_element_type3A_368, %cond3A_369 : i32
      scf.if %cond3A_370 {
        %dma_wait3A_424 = arith.constant 0 : i32
        %dma_wait3A_425 = tpu.memref_slice %arg4[%dma_wait3A_424] : memref<640000xi32, #tpu.memory_space<hbm>> -> memref<80xi32, #tpu.memory_space<hbm>>
        %dma_wait3A_426 = arith.constant 0 : i32
        %dma_wait3A_427 = tpu.memref_slice %arg4[%dma_wait3A_426] : memref<640000xi32, #tpu.memory_space<hbm>> -> memref<80xi32, #tpu.memory_space<hbm>>
        tpu.wait_dma2 semaphore(%arg25 : memref<!tpu.dma_semaphore, #tpu.memory_space<semaphore_mem>>) src(%dma_wait3A_427 : memref<80xi32, #tpu.memory_space<hbm>>) dst(%arg8 : memref<80xi32, #tpu.memory_space<vmem>>)
        %dma_wait3A_428 = arith.constant 0 : i32
        %dma_wait3A_429 = tpu.memref_slice %arg4[%dma_wait3A_428] : memref<640000xi32, #tpu.memory_space<hbm>> -> memref<80xi32, #tpu.memory_space<hbm>>
        %dma_wait3A_430 = arith.constant 0 : i32
        %dma_wait3A_431 = tpu.memref_slice %arg4[%dma_wait3A_430] : memref<640000xi32, #tpu.memory_space<hbm>> -> memref<80xi32, #tpu.memory_space<hbm>>
        tpu.wait_dma2 semaphore(%arg25 : memref<!tpu.dma_semaphore, #tpu.memory_space<semaphore_mem>>) src(%dma_wait3A_431 : memref<80xi32, #tpu.memory_space<hbm>>) dst(%arg12 : memref<80xi32, #tpu.memory_space<vmem>>)
        %dma_start3A_432 = arith.constant 0 : i32
        %dma_start3A_433 = arith.constant 0 : i32
        %dma_start3A_434 = tpu.memref_slice %arg5[%while3A_312, %dma_start3A_432, %dma_start3A_433] : memref<3x10000x128xf32, #tpu.memory_space<hbm>> -> memref<1x10000x128xf32, #tpu.memory_space<hbm>>
        %dma_start3A_435 = tpu.memref_squeeze %dma_start3A_434 : memref<1x10000x128xf32, #tpu.memory_space<hbm>> -> memref<10000x128xf32, #tpu.memory_space<hbm>>
        %dma_start3A_436 = arith.constant 0 : i32
        %dma_start3A_437 = arith.constant 0 : i32
        %dma_start3A_438 = tpu.memref_slice %dma_start3A_435[%dma_start3A_436, %dma_start3A_437] : memref<10000x128xf32, #tpu.memory_space<hbm>> -> memref<10000x128xf32, #tpu.memory_space<hbm>>
        tpu.enqueue_indirect_dma source(%dma_start3A_438 : memref<10000x128xf32, #tpu.memory_space<hbm>>) target(%arg16 : memref<80x128xf32, #tpu.memory_space<vmem>>) offsets(%arg8 : memref<80xi32, #tpu.memory_space<vmem>>) semaphore(%arg21 : memref<!tpu.dma_semaphore, #tpu.memory_space<semaphore_mem>>)
      } else {
      }
      %add3A_371 = arith.constant 4 : i32
      %add3A_372 = arith.addi %add3A_357, %add3A_371 : i32
      %lt3A_373 = arith.cmpi slt, %add3A_372, %mul3A_46 : i32
      %convert_element_type3A_374 = arith.extui %lt3A_373 : i1 to i32
      %cond3A_375 = arith.constant 0 : i32
      %cond3A_376 = arith.cmpi ne, %convert_element_type3A_374, %cond3A_375 : i32
      scf.if %cond3A_376 {
        %add3A_424 = arith.constant 4 : i32
        %add3A_425 = arith.addi %add3A_357, %add3A_424 : i32
        %mul3A_426 = arith.constant 80 : i32
        %mul3A_427 = arith.muli %add3A_425, %mul3A_426 : i32
        %add3A_428 = arith.addi %mul3A_44, %mul3A_427 : i32
        %dma_start3A_429 = tpu.memref_slice %arg4[%add3A_428] : memref<640000xi32, #tpu.memory_space<hbm>> -> memref<80xi32, #tpu.memory_space<hbm>>
        %dma_start3A_430 = tpu.memref_slice %arg4[%add3A_428] : memref<640000xi32, #tpu.memory_space<hbm>> -> memref<80xi32, #tpu.memory_space<hbm>>
        tpu.enqueue_dma source(%dma_start3A_430 : memref<80xi32, #tpu.memory_space<hbm>>) target(%arg9 : memref<80xi32, #tpu.memory_space<vmem>>) target_semaphore(%arg26 : memref<!tpu.dma_semaphore, #tpu.memory_space<semaphore_mem>>)
        %add3A_431 = arith.constant 320000 : i32
        %add3A_432 = arith.addi %add3A_431, %add3A_428 : i32
        %dma_start3A_433 = tpu.memref_slice %arg4[%add3A_432] : memref<640000xi32, #tpu.memory_space<hbm>> -> memref<80xi32, #tpu.memory_space<hbm>>
        %dma_start3A_434 = tpu.memref_slice %arg4[%add3A_432] : memref<640000xi32, #tpu.memory_space<hbm>> -> memref<80xi32, #tpu.memory_space<hbm>>
        tpu.enqueue_dma source(%dma_start3A_434 : memref<80xi32, #tpu.memory_space<hbm>>) target(%arg13 : memref<80xi32, #tpu.memory_space<vmem>>) target_semaphore(%arg26 : memref<!tpu.dma_semaphore, #tpu.memory_space<semaphore_mem>>)
      } else {
      }
      %mul3A_377 = arith.constant 4 : i32
      %mul3A_378 = arith.muli %while3A_330, %mul3A_377 : i32
      %add3A_379 = arith.constant 2 : i32
      %add3A_380 = arith.addi %mul3A_378, %add3A_379 : i32
      %dma_wait3A_381 = arith.constant 0 : i32
      %dma_wait3A_382 = arith.constant 0 : i32
      %dma_wait3A_383 = tpu.memref_slice %arg5[%while3A_312, %dma_wait3A_381, %dma_wait3A_382] : memref<3x10000x128xf32, #tpu.memory_space<hbm>> -> memref<1x10000x128xf32, #tpu.memory_space<hbm>>
      %dma_wait3A_384 = tpu.memref_squeeze %dma_wait3A_383 : memref<1x10000x128xf32, #tpu.memory_space<hbm>> -> memref<10000x128xf32, #tpu.memory_space<hbm>>
      %dma_wait3A_385 = arith.constant 0 : i32
      %dma_wait3A_386 = arith.constant 0 : i32
      %dma_wait3A_387 = tpu.memref_slice %dma_wait3A_384[%dma_wait3A_385, %dma_wait3A_386] : memref<10000x128xf32, #tpu.memory_space<hbm>> -> memref<10000x128xf32, #tpu.memory_space<hbm>>
      tpu.wait_indirect_dma semaphore(%arg23 : memref<!tpu.dma_semaphore, #tpu.memory_space<semaphore_mem>>) src(%dma_wait3A_387 : memref<10000x128xf32, #tpu.memory_space<hbm>>) dst(%arg18 : memref<80x128xf32, #tpu.memory_space<vmem>>)
      "tpu.region"() ({
        %run_scoped3A = tpu.sem_alloc : memref<!tpu.dma_semaphore, #tpu.memory_space<semaphore_mem>>
        %dma_start3A_424 = arith.constant 0 : i32
        %dma_start3A_425 = arith.constant 0 : i32
        %dma_start3A_426 = tpu.memref_slice %arg20[%dma_start3A_424, %dma_start3A_425] : memref<10112x128xf32, #tpu.memory_space<vmem_shared>> -> memref<10112x128xf32, #tpu.memory_space<vmem_shared>>
        tpu.enqueue_indirect_dma source(%arg18 : memref<80x128xf32, #tpu.memory_space<vmem>>) target(%dma_start3A_426 : memref<10112x128xf32, #tpu.memory_space<vmem_shared>>) offsets(%arg14 : memref<80xi32, #tpu.memory_space<vmem>>) semaphore(%run_scoped3A : memref<!tpu.dma_semaphore, #tpu.memory_space<semaphore_mem>>) {add = true}
        %dma_wait3A_427 = arith.constant 0 : i32
        %dma_wait3A_428 = arith.constant 0 : i32
        %dma_wait3A_429 = tpu.memref_slice %arg20[%dma_wait3A_427, %dma_wait3A_428] : memref<10112x128xf32, #tpu.memory_space<vmem_shared>> -> memref<10112x128xf32, #tpu.memory_space<vmem_shared>>
        tpu.wait_indirect_dma semaphore(%run_scoped3A : memref<!tpu.dma_semaphore, #tpu.memory_space<semaphore_mem>>) src(%arg18 : memref<80x128xf32, #tpu.memory_space<vmem>>) dst(%dma_wait3A_429 : memref<10112x128xf32, #tpu.memory_space<vmem_shared>>)
        tpu.yield
      }) : () -> ()
      %add3A_388 = arith.constant 3 : i32
      %add3A_389 = arith.addi %add3A_380, %add3A_388 : i32
      %lt3A_390 = arith.cmpi slt, %add3A_389, %mul3A_46 : i32
      %convert_element_type3A_391 = arith.extui %lt3A_390 : i1 to i32
      %cond3A_392 = arith.constant 0 : i32
      %cond3A_393 = arith.cmpi ne, %convert_element_type3A_391, %cond3A_392 : i32
      scf.if %cond3A_393 {
        %dma_wait3A_424 = arith.constant 0 : i32
        %dma_wait3A_425 = tpu.memref_slice %arg4[%dma_wait3A_424] : memref<640000xi32, #tpu.memory_space<hbm>> -> memref<80xi32, #tpu.memory_space<hbm>>
        %dma_wait3A_426 = arith.constant 0 : i32
        %dma_wait3A_427 = tpu.memref_slice %arg4[%dma_wait3A_426] : memref<640000xi32, #tpu.memory_space<hbm>> -> memref<80xi32, #tpu.memory_space<hbm>>
        tpu.wait_dma2 semaphore(%arg26 : memref<!tpu.dma_semaphore, #tpu.memory_space<semaphore_mem>>) src(%dma_wait3A_427 : memref<80xi32, #tpu.memory_space<hbm>>) dst(%arg9 : memref<80xi32, #tpu.memory_space<vmem>>)
        %dma_wait3A_428 = arith.constant 0 : i32
        %dma_wait3A_429 = tpu.memref_slice %arg4[%dma_wait3A_428] : memref<640000xi32, #tpu.memory_space<hbm>> -> memref<80xi32, #tpu.memory_space<hbm>>
        %dma_wait3A_430 = arith.constant 0 : i32
        %dma_wait3A_431 = tpu.memref_slice %arg4[%dma_wait3A_430] : memref<640000xi32, #tpu.memory_space<hbm>> -> memref<80xi32, #tpu.memory_space<hbm>>
        tpu.wait_dma2 semaphore(%arg26 : memref<!tpu.dma_semaphore, #tpu.memory_space<semaphore_mem>>) src(%dma_wait3A_431 : memref<80xi32, #tpu.memory_space<hbm>>) dst(%arg13 : memref<80xi32, #tpu.memory_space<vmem>>)
        %dma_start3A_432 = arith.constant 0 : i32
        %dma_start3A_433 = arith.constant 0 : i32
        %dma_start3A_434 = tpu.memref_slice %arg5[%while3A_312, %dma_start3A_432, %dma_start3A_433] : memref<3x10000x128xf32, #tpu.memory_space<hbm>> -> memref<1x10000x128xf32, #tpu.memory_space<hbm>>
        %dma_start3A_435 = tpu.memref_squeeze %dma_start3A_434 : memref<1x10000x128xf32, #tpu.memory_space<hbm>> -> memref<10000x128xf32, #tpu.memory_space<hbm>>
        %dma_start3A_436 = arith.constant 0 : i32
        %dma_start3A_437 = arith.constant 0 : i32
        %dma_start3A_438 = tpu.memref_slice %dma_start3A_435[%dma_start3A_436, %dma_start3A_437] : memref<10000x128xf32, #tpu.memory_space<hbm>> -> memref<10000x128xf32, #tpu.memory_space<hbm>>
        tpu.enqueue_indirect_dma source(%dma_start3A_438 : memref<10000x128xf32, #tpu.memory_space<hbm>>) target(%arg17 : memref<80x128xf32, #tpu.memory_space<vmem>>) offsets(%arg9 : memref<80xi32, #tpu.memory_space<vmem>>) semaphore(%arg22 : memref<!tpu.dma_semaphore, #tpu.memory_space<semaphore_mem>>)
      } else {
      }
      %add3A_394 = arith.constant 4 : i32
      %add3A_395 = arith.addi %add3A_380, %add3A_394 : i32
      %lt3A_396 = arith.cmpi slt, %add3A_395, %mul3A_46 : i32
      %convert_element_type3A_397 = arith.extui %lt3A_396 : i1 to i32
      %cond3A_398 = arith.constant 0 : i32
      %cond3A_399 = arith.cmpi ne, %convert_element_type3A_397, %cond3A_398 : i32
      scf.if %cond3A_399 {
        %add3A_424 = arith.constant 4 : i32
        %add3A_425 = arith.addi %add3A_380, %add3A_424 : i32
        %mul3A_426 = arith.constant 80 : i32
        %mul3A_427 = arith.muli %add3A_425, %mul3A_426 : i32
        %add3A_428 = arith.addi %mul3A_44, %mul3A_427 : i32
        %dma_start3A_429 = tpu.memref_slice %arg4[%add3A_428] : memref<640000xi32, #tpu.memory_space<hbm>> -> memref<80xi32, #tpu.memory_space<hbm>>
        %dma_start3A_430 = tpu.memref_slice %arg4[%add3A_428] : memref<640000xi32, #tpu.memory_space<hbm>> -> memref<80xi32, #tpu.memory_space<hbm>>
        tpu.enqueue_dma source(%dma_start3A_430 : memref<80xi32, #tpu.memory_space<hbm>>) target(%arg10 : memref<80xi32, #tpu.memory_space<vmem>>) target_semaphore(%arg27 : memref<!tpu.dma_semaphore, #tpu.memory_space<semaphore_mem>>)
        %add3A_431 = arith.constant 320000 : i32
        %add3A_432 = arith.addi %add3A_431, %add3A_428 : i32
        %dma_start3A_433 = tpu.memref_slice %arg4[%add3A_432] : memref<640000xi32, #tpu.memory_space<hbm>> -> memref<80xi32, #tpu.memory_space<hbm>>
        %dma_start3A_434 = tpu.memref_slice %arg4[%add3A_432] : memref<640000xi32, #tpu.memory_space<hbm>> -> memref<80xi32, #tpu.memory_space<hbm>>
        tpu.enqueue_dma source(%dma_start3A_434 : memref<80xi32, #tpu.memory_space<hbm>>) target(%arg14 : memref<80xi32, #tpu.memory_space<vmem>>) target_semaphore(%arg27 : memref<!tpu.dma_semaphore, #tpu.memory_space<semaphore_mem>>)
      } else {
      }
      %mul3A_400 = arith.constant 4 : i32
      %mul3A_401 = arith.muli %while3A_330, %mul3A_400 : i32
      %add3A_402 = arith.constant 3 : i32
      %add3A_403 = arith.addi %mul3A_401, %add3A_402 : i32
      %dma_wait3A_404 = arith.constant 0 : i32
      %dma_wait3A_405 = arith.constant 0 : i32
      %dma_wait3A_406 = tpu.memref_slice %arg5[%while3A_312, %dma_wait3A_404, %dma_wait3A_405] : memref<3x10000x128xf32, #tpu.memory_space<hbm>> -> memref<1x10000x128xf32, #tpu.memory_space<hbm>>
      %dma_wait3A_407 = tpu.memref_squeeze %dma_wait3A_406 : memref<1x10000x128xf32, #tpu.memory_space<hbm>> -> memref<10000x128xf32, #tpu.memory_space<hbm>>
      %dma_wait3A_408 = arith.constant 0 : i32
      %dma_wait3A_409 = arith.constant 0 : i32
      %dma_wait3A_410 = tpu.memref_slice %dma_wait3A_407[%dma_wait3A_408, %dma_wait3A_409] : memref<10000x128xf32, #tpu.memory_space<hbm>> -> memref<10000x128xf32, #tpu.memory_space<hbm>>
      tpu.wait_indirect_dma semaphore(%arg24 : memref<!tpu.dma_semaphore, #tpu.memory_space<semaphore_mem>>) src(%dma_wait3A_410 : memref<10000x128xf32, #tpu.memory_space<hbm>>) dst(%arg19 : memref<80x128xf32, #tpu.memory_space<vmem>>)
      "tpu.region"() ({
        %run_scoped3A = tpu.sem_alloc : memref<!tpu.dma_semaphore, #tpu.memory_space<semaphore_mem>>
        %dma_start3A_424 = arith.constant 0 : i32
        %dma_start3A_425 = arith.constant 0 : i32
        %dma_start3A_426 = tpu.memref_slice %arg20[%dma_start3A_424, %dma_start3A_425] : memref<10112x128xf32, #tpu.memory_space<vmem_shared>> -> memref<10112x128xf32, #tpu.memory_space<vmem_shared>>
        tpu.enqueue_indirect_dma source(%arg19 : memref<80x128xf32, #tpu.memory_space<vmem>>) target(%dma_start3A_426 : memref<10112x128xf32, #tpu.memory_space<vmem_shared>>) offsets(%arg15 : memref<80xi32, #tpu.memory_space<vmem>>) semaphore(%run_scoped3A : memref<!tpu.dma_semaphore, #tpu.memory_space<semaphore_mem>>) {add = true}
        %dma_wait3A_427 = arith.constant 0 : i32
        %dma_wait3A_428 = arith.constant 0 : i32
        %dma_wait3A_429 = tpu.memref_slice %arg20[%dma_wait3A_427, %dma_wait3A_428] : memref<10112x128xf32, #tpu.memory_space<vmem_shared>> -> memref<10112x128xf32, #tpu.memory_space<vmem_shared>>
        tpu.wait_indirect_dma semaphore(%run_scoped3A : memref<!tpu.dma_semaphore, #tpu.memory_space<semaphore_mem>>) src(%arg19 : memref<80x128xf32, #tpu.memory_space<vmem>>) dst(%dma_wait3A_429 : memref<10112x128xf32, #tpu.memory_space<vmem_shared>>)
        tpu.yield
      }) : () -> ()
      %add3A_411 = arith.constant 3 : i32
      %add3A_412 = arith.addi %add3A_403, %add3A_411 : i32
      %lt3A_413 = arith.cmpi slt, %add3A_412, %mul3A_46 : i32
      %convert_element_type3A_414 = arith.extui %lt3A_413 : i1 to i32
      %cond3A_415 = arith.constant 0 : i32
      %cond3A_416 = arith.cmpi ne, %convert_element_type3A_414, %cond3A_415 : i32
      scf.if %cond3A_416 {
        %dma_wait3A_424 = arith.constant 0 : i32
        %dma_wait3A_425 = tpu.memref_slice %arg4[%dma_wait3A_424] : memref<640000xi32, #tpu.memory_space<hbm>> -> memref<80xi32, #tpu.memory_space<hbm>>
        %dma_wait3A_426 = arith.constant 0 : i32
        %dma_wait3A_427 = tpu.memref_slice %arg4[%dma_wait3A_426] : memref<640000xi32, #tpu.memory_space<hbm>> -> memref<80xi32, #tpu.memory_space<hbm>>
        tpu.wait_dma2 semaphore(%arg27 : memref<!tpu.dma_semaphore, #tpu.memory_space<semaphore_mem>>) src(%dma_wait3A_427 : memref<80xi32, #tpu.memory_space<hbm>>) dst(%arg10 : memref<80xi32, #tpu.memory_space<vmem>>)
        %dma_wait3A_428 = arith.constant 0 : i32
        %dma_wait3A_429 = tpu.memref_slice %arg4[%dma_wait3A_428] : memref<640000xi32, #tpu.memory_space<hbm>> -> memref<80xi32, #tpu.memory_space<hbm>>
        %dma_wait3A_430 = arith.constant 0 : i32
        %dma_wait3A_431 = tpu.memref_slice %arg4[%dma_wait3A_430] : memref<640000xi32, #tpu.memory_space<hbm>> -> memref<80xi32, #tpu.memory_space<hbm>>
        tpu.wait_dma2 semaphore(%arg27 : memref<!tpu.dma_semaphore, #tpu.memory_space<semaphore_mem>>) src(%dma_wait3A_431 : memref<80xi32, #tpu.memory_space<hbm>>) dst(%arg14 : memref<80xi32, #tpu.memory_space<vmem>>)
        %dma_start3A_432 = arith.constant 0 : i32
        %dma_start3A_433 = arith.constant 0 : i32
        %dma_start3A_434 = tpu.memref_slice %arg5[%while3A_312, %dma_start3A_432, %dma_start3A_433] : memref<3x10000x128xf32, #tpu.memory_space<hbm>> -> memref<1x10000x128xf32, #tpu.memory_space<hbm>>
        %dma_start3A_435 = tpu.memref_squeeze %dma_start3A_434 : memref<1x10000x128xf32, #tpu.memory_space<hbm>> -> memref<10000x128xf32, #tpu.memory_space<hbm>>
        %dma_start3A_436 = arith.constant 0 : i32
        %dma_start3A_437 = arith.constant 0 : i32
        %dma_start3A_438 = tpu.memref_slice %dma_start3A_435[%dma_start3A_436, %dma_start3A_437] : memref<10000x128xf32, #tpu.memory_space<hbm>> -> memref<10000x128xf32, #tpu.memory_space<hbm>>
        tpu.enqueue_indirect_dma source(%dma_start3A_438 : memref<10000x128xf32, #tpu.memory_space<hbm>>) target(%arg18 : memref<80x128xf32, #tpu.memory_space<vmem>>) offsets(%arg10 : memref<80xi32, #tpu.memory_space<vmem>>) semaphore(%arg23 : memref<!tpu.dma_semaphore, #tpu.memory_space<semaphore_mem>>)
      } else {
      }
      %add3A_417 = arith.constant 4 : i32
      %add3A_418 = arith.addi %add3A_403, %add3A_417 : i32
      %lt3A_419 = arith.cmpi slt, %add3A_418, %mul3A_46 : i32
      %convert_element_type3A_420 = arith.extui %lt3A_419 : i1 to i32
      %cond3A_421 = arith.constant 0 : i32
      %cond3A_422 = arith.cmpi ne, %convert_element_type3A_420, %cond3A_421 : i32
      scf.if %cond3A_422 {
        %add3A_424 = arith.constant 4 : i32
        %add3A_425 = arith.addi %add3A_403, %add3A_424 : i32
        %mul3A_426 = arith.constant 80 : i32
        %mul3A_427 = arith.muli %add3A_425, %mul3A_426 : i32
        %add3A_428 = arith.addi %mul3A_44, %mul3A_427 : i32
        %dma_start3A_429 = tpu.memref_slice %arg4[%add3A_428] : memref<640000xi32, #tpu.memory_space<hbm>> -> memref<80xi32, #tpu.memory_space<hbm>>
        %dma_start3A_430 = tpu.memref_slice %arg4[%add3A_428] : memref<640000xi32, #tpu.memory_space<hbm>> -> memref<80xi32, #tpu.memory_space<hbm>>
        tpu.enqueue_dma source(%dma_start3A_430 : memref<80xi32, #tpu.memory_space<hbm>>) target(%arg11 : memref<80xi32, #tpu.memory_space<vmem>>) target_semaphore(%arg28 : memref<!tpu.dma_semaphore, #tpu.memory_space<semaphore_mem>>)
        %add3A_431 = arith.constant 320000 : i32
        %add3A_432 = arith.addi %add3A_431, %add3A_428 : i32
        %dma_start3A_433 = tpu.memref_slice %arg4[%add3A_432] : memref<640000xi32, #tpu.memory_space<hbm>> -> memref<80xi32, #tpu.memory_space<hbm>>
        %dma_start3A_434 = tpu.memref_slice %arg4[%add3A_432] : memref<640000xi32, #tpu.memory_space<hbm>> -> memref<80xi32, #tpu.memory_space<hbm>>
        tpu.enqueue_dma source(%dma_start3A_434 : memref<80xi32, #tpu.memory_space<hbm>>) target(%arg15 : memref<80xi32, #tpu.memory_space<vmem>>) target_semaphore(%arg28 : memref<!tpu.dma_semaphore, #tpu.memory_space<semaphore_mem>>)
      } else {
      }
      %while3A_423 = arith.constant 0 : i32
      scf.yield %while3A_423 : i32
    }
    %while3A_323 = arith.constant 1 : i32
    %while3A_324 = scf.for %while3A_330 = %while3A_320 to %while3A_316 step %while3A_323 iter_args(%while3A_331 = %while3A_322) -> (i32)  : i32 {
      %mul3A_332 = arith.constant 4 : i32
      %mul3A_333 = arith.muli %while3A_330, %mul3A_332 : i32
      %add3A_334 = arith.constant 0 : i32
      %add3A_335 = arith.addi %mul3A_333, %add3A_334 : i32
      %dma_wait3A_336 = arith.constant 0 : i32
      %dma_wait3A_337 = arith.constant 0 : i32
      %dma_wait3A_338 = tpu.memref_slice %arg5[%while3A_312, %dma_wait3A_336, %dma_wait3A_337] : memref<3x10000x128xf32, #tpu.memory_space<hbm>> -> memref<1x10000x128xf32, #tpu.memory_space<hbm>>
      %dma_wait3A_339 = tpu.memref_squeeze %dma_wait3A_338 : memref<1x10000x128xf32, #tpu.memory_space<hbm>> -> memref<10000x128xf32, #tpu.memory_space<hbm>>
      %dma_wait3A_340 = arith.constant 0 : i32
      %dma_wait3A_341 = arith.constant 0 : i32
      %dma_wait3A_342 = tpu.memref_slice %dma_wait3A_339[%dma_wait3A_340, %dma_wait3A_341] : memref<10000x128xf32, #tpu.memory_space<hbm>> -> memref<10000x128xf32, #tpu.memory_space<hbm>>
      tpu.wait_indirect_dma semaphore(%arg21 : memref<!tpu.dma_semaphore, #tpu.memory_space<semaphore_mem>>) src(%dma_wait3A_342 : memref<10000x128xf32, #tpu.memory_space<hbm>>) dst(%arg16 : memref<80x128xf32, #tpu.memory_space<vmem>>)
      "tpu.region"() ({
        %run_scoped3A = tpu.sem_alloc : memref<!tpu.dma_semaphore, #tpu.memory_space<semaphore_mem>>
        %dma_start3A_424 = arith.constant 0 : i32
        %dma_start3A_425 = arith.constant 0 : i32
        %dma_start3A_426 = tpu.memref_slice %arg20[%dma_start3A_424, %dma_start3A_425] : memref<10112x128xf32, #tpu.memory_space<vmem_shared>> -> memref<10112x128xf32, #tpu.memory_space<vmem_shared>>
        tpu.enqueue_indirect_dma source(%arg16 : memref<80x128xf32, #tpu.memory_space<vmem>>) target(%dma_start3A_426 : memref<10112x128xf32, #tpu.memory_space<vmem_shared>>) offsets(%arg12 : memref<80xi32, #tpu.memory_space<vmem>>) semaphore(%run_scoped3A : memref<!tpu.dma_semaphore, #tpu.memory_space<semaphore_mem>>) {add = true}
        %dma_wait3A_427 = arith.constant 0 : i32
        %dma_wait3A_428 = arith.constant 0 : i32
        %dma_wait3A_429 = tpu.memref_slice %arg20[%dma_wait3A_427, %dma_wait3A_428] : memref<10112x128xf32, #tpu.memory_space<vmem_shared>> -> memref<10112x128xf32, #tpu.memory_space<vmem_shared>>
        tpu.wait_indirect_dma semaphore(%run_scoped3A : memref<!tpu.dma_semaphore, #tpu.memory_space<semaphore_mem>>) src(%arg16 : memref<80x128xf32, #tpu.memory_space<vmem>>) dst(%dma_wait3A_429 : memref<10112x128xf32, #tpu.memory_space<vmem_shared>>)
        tpu.yield
      }) : () -> ()
      %add3A_343 = arith.constant 3 : i32
      %add3A_344 = arith.addi %add3A_335, %add3A_343 : i32
      %lt3A_345 = arith.cmpi slt, %add3A_344, %mul3A_46 : i32
      %convert_element_type3A_346 = arith.extui %lt3A_345 : i1 to i32
      %cond3A = arith.constant 0 : i32
      %cond3A_347 = arith.cmpi ne, %convert_element_type3A_346, %cond3A : i32
      scf.if %cond3A_347 {
        %dma_wait3A_424 = arith.constant 0 : i32
        %dma_wait3A_425 = tpu.memref_slice %arg4[%dma_wait3A_424] : memref<640000xi32, #tpu.memory_space<hbm>> -> memref<80xi32, #tpu.memory_space<hbm>>
        %dma_wait3A_426 = arith.constant 0 : i32
        %dma_wait3A_427 = tpu.memref_slice %arg4[%dma_wait3A_426] : memref<640000xi32, #tpu.memory_space<hbm>> -> memref<80xi32, #tpu.memory_space<hbm>>
        tpu.wait_dma2 semaphore(%arg28 : memref<!tpu.dma_semaphore, #tpu.memory_space<semaphore_mem>>) src(%dma_wait3A_427 : memref<80xi32, #tpu.memory_space<hbm>>) dst(%arg11 : memref<80xi32, #tpu.memory_space<vmem>>)
        %dma_wait3A_428 = arith.constant 0 : i32
        %dma_wait3A_429 = tpu.memref_slice %arg4[%dma_wait3A_428] : memref<640000xi32, #tpu.memory_space<hbm>> -> memref<80xi32, #tpu.memory_space<hbm>>
        %dma_wait3A_430 = arith.constant 0 : i32
        %dma_wait3A_431 = tpu.memref_slice %arg4[%dma_wait3A_430] : memref<640000xi32, #tpu.memory_space<hbm>> -> memref<80xi32, #tpu.memory_space<hbm>>
        tpu.wait_dma2 semaphore(%arg28 : memref<!tpu.dma_semaphore, #tpu.memory_space<semaphore_mem>>) src(%dma_wait3A_431 : memref<80xi32, #tpu.memory_space<hbm>>) dst(%arg15 : memref<80xi32, #tpu.memory_space<vmem>>)
        %dma_start3A_432 = arith.constant 0 : i32
        %dma_start3A_433 = arith.constant 0 : i32
        %dma_start3A_434 = tpu.memref_slice %arg5[%while3A_312, %dma_start3A_432, %dma_start3A_433] : memref<3x10000x128xf32, #tpu.memory_space<hbm>> -> memref<1x10000x128xf32, #tpu.memory_space<hbm>>
        %dma_start3A_435 = tpu.memref_squeeze %dma_start3A_434 : memref<1x10000x128xf32, #tpu.memory_space<hbm>> -> memref<10000x128xf32, #tpu.memory_space<hbm>>
        %dma_start3A_436 = arith.constant 0 : i32
        %dma_start3A_437 = arith.constant 0 : i32
        %dma_start3A_438 = tpu.memref_slice %dma_start3A_435[%dma_start3A_436, %dma_start3A_437] : memref<10000x128xf32, #tpu.memory_space<hbm>> -> memref<10000x128xf32, #tpu.memory_space<hbm>>
        tpu.enqueue_indirect_dma source(%dma_start3A_438 : memref<10000x128xf32, #tpu.memory_space<hbm>>) target(%arg19 : memref<80x128xf32, #tpu.memory_space<vmem>>) offsets(%arg11 : memref<80xi32, #tpu.memory_space<vmem>>) semaphore(%arg24 : memref<!tpu.dma_semaphore, #tpu.memory_space<semaphore_mem>>)
      } else {
      }
      %add3A_348 = arith.constant 4 : i32
      %add3A_349 = arith.addi %add3A_335, %add3A_348 : i32
      %lt3A_350 = arith.cmpi slt, %add3A_349, %mul3A_46 : i32
      %convert_element_type3A_351 = arith.extui %lt3A_350 : i1 to i32
      %cond3A_352 = arith.constant 0 : i32
      %cond3A_353 = arith.cmpi ne, %convert_element_type3A_351, %cond3A_352 : i32
      scf.if %cond3A_353 {
        %add3A_424 = arith.constant 4 : i32
        %add3A_425 = arith.addi %add3A_335, %add3A_424 : i32
        %mul3A_426 = arith.constant 80 : i32
        %mul3A_427 = arith.muli %add3A_425, %mul3A_426 : i32
        %add3A_428 = arith.addi %mul3A_44, %mul3A_427 : i32
        %dma_start3A_429 = tpu.memref_slice %arg4[%add3A_428] : memref<640000xi32, #tpu.memory_space<hbm>> -> memref<80xi32, #tpu.memory_space<hbm>>
        %dma_start3A_430 = tpu.memref_slice %arg4[%add3A_428] : memref<640000xi32, #tpu.memory_space<hbm>> -> memref<80xi32, #tpu.memory_space<hbm>>
        tpu.enqueue_dma source(%dma_start3A_430 : memref<80xi32, #tpu.memory_space<hbm>>) target(%arg8 : memref<80xi32, #tpu.memory_space<vmem>>) target_semaphore(%arg25 : memref<!tpu.dma_semaphore, #tpu.memory_space<semaphore_mem>>)
        %add3A_431 = arith.constant 320000 : i32
        %add3A_432 = arith.addi %add3A_431, %add3A_428 : i32
        %dma_start3A_433 = tpu.memref_slice %arg4[%add3A_432] : memref<640000xi32, #tpu.memory_space<hbm>> -> memref<80xi32, #tpu.memory_space<hbm>>
        %dma_start3A_434 = tpu.memref_slice %arg4[%add3A_432] : memref<640000xi32, #tpu.memory_space<hbm>> -> memref<80xi32, #tpu.memory_space<hbm>>
        tpu.enqueue_dma source(%dma_start3A_434 : memref<80xi32, #tpu.memory_space<hbm>>) target(%arg12 : memref<80xi32, #tpu.memory_space<vmem>>) target_semaphore(%arg25 : memref<!tpu.dma_semaphore, #tpu.memory_space<semaphore_mem>>)
      } else {
      }
      %mul3A_354 = arith.constant 4 : i32
      %mul3A_355 = arith.muli %while3A_330, %mul3A_354 : i32
      %add3A_356 = arith.constant 1 : i32
      %add3A_357 = arith.addi %mul3A_355, %add3A_356 : i32
      %dma_wait3A_358 = arith.constant 0 : i32
      %dma_wait3A_359 = arith.constant 0 : i32
      %dma_wait3A_360 = tpu.memref_slice %arg5[%while3A_312, %dma_wait3A_358, %dma_wait3A_359] : memref<3x10000x128xf32, #tpu.memory_space<hbm>> -> memref<1x10000x128xf32, #tpu.memory_space<hbm>>
      %dma_wait3A_361 = tpu.memref_squeeze %dma_wait3A_360 : memref<1x10000x128xf32, #tpu.memory_space<hbm>> -> memref<10000x128xf32, #tpu.memory_space<hbm>>
      %dma_wait3A_362 = arith.constant 0 : i32
      %dma_wait3A_363 = arith.constant 0 : i32
      %dma_wait3A_364 = tpu.memref_slice %dma_wait3A_361[%dma_wait3A_362, %dma_wait3A_363] : memref<10000x128xf32, #tpu.memory_space<hbm>> -> memref<10000x128xf32, #tpu.memory_space<hbm>>
      tpu.wait_indirect_dma semaphore(%arg22 : memref<!tpu.dma_semaphore, #tpu.memory_space<semaphore_mem>>) src(%dma_wait3A_364 : memref<10000x128xf32, #tpu.memory_space<hbm>>) dst(%arg17 : memref<80x128xf32, #tpu.memory_space<vmem>>)
      "tpu.region"() ({
        %run_scoped3A = tpu.sem_alloc : memref<!tpu.dma_semaphore, #tpu.memory_space<semaphore_mem>>
        %dma_start3A_424 = arith.constant 0 : i32
        %dma_start3A_425 = arith.constant 0 : i32
        %dma_start3A_426 = tpu.memref_slice %arg20[%dma_start3A_424, %dma_start3A_425] : memref<10112x128xf32, #tpu.memory_space<vmem_shared>> -> memref<10112x128xf32, #tpu.memory_space<vmem_shared>>
        tpu.enqueue_indirect_dma source(%arg17 : memref<80x128xf32, #tpu.memory_space<vmem>>) target(%dma_start3A_426 : memref<10112x128xf32, #tpu.memory_space<vmem_shared>>) offsets(%arg13 : memref<80xi32, #tpu.memory_space<vmem>>) semaphore(%run_scoped3A : memref<!tpu.dma_semaphore, #tpu.memory_space<semaphore_mem>>) {add = true}
        %dma_wait3A_427 = arith.constant 0 : i32
        %dma_wait3A_428 = arith.constant 0 : i32
        %dma_wait3A_429 = tpu.memref_slice %arg20[%dma_wait3A_427, %dma_wait3A_428] : memref<10112x128xf32, #tpu.memory_space<vmem_shared>> -> memref<10112x128xf32, #tpu.memory_space<vmem_shared>>
        tpu.wait_indirect_dma semaphore(%run_scoped3A : memref<!tpu.dma_semaphore, #tpu.memory_space<semaphore_mem>>) src(%arg17 : memref<80x128xf32, #tpu.memory_space<vmem>>) dst(%dma_wait3A_429 : memref<10112x128xf32, #tpu.memory_space<vmem_shared>>)
        tpu.yield
      }) : () -> ()
      %add3A_365 = arith.constant 3 : i32
      %add3A_366 = arith.addi %add3A_357, %add3A_365 : i32
      %lt3A_367 = arith.cmpi slt, %add3A_366, %mul3A_46 : i32
      %convert_element_type3A_368 = arith.extui %lt3A_367 : i1 to i32
      %cond3A_369 = arith.constant 0 : i32
      %cond3A_370 = arith.cmpi ne, %convert_element_type3A_368, %cond3A_369 : i32
      scf.if %cond3A_370 {
        %dma_wait3A_424 = arith.constant 0 : i32
        %dma_wait3A_425 = tpu.memref_slice %arg4[%dma_wait3A_424] : memref<640000xi32, #tpu.memory_space<hbm>> -> memref<80xi32, #tpu.memory_space<hbm>>
        %dma_wait3A_426 = arith.constant 0 : i32
        %dma_wait3A_427 = tpu.memref_slice %arg4[%dma_wait3A_426] : memref<640000xi32, #tpu.memory_space<hbm>> -> memref<80xi32, #tpu.memory_space<hbm>>
        tpu.wait_dma2 semaphore(%arg25 : memref<!tpu.dma_semaphore, #tpu.memory_space<semaphore_mem>>) src(%dma_wait3A_427 : memref<80xi32, #tpu.memory_space<hbm>>) dst(%arg8 : memref<80xi32, #tpu.memory_space<vmem>>)
        %dma_wait3A_428 = arith.constant 0 : i32
        %dma_wait3A_429 = tpu.memref_slice %arg4[%dma_wait3A_428] : memref<640000xi32, #tpu.memory_space<hbm>> -> memref<80xi32, #tpu.memory_space<hbm>>
        %dma_wait3A_430 = arith.constant 0 : i32
        %dma_wait3A_431 = tpu.memref_slice %arg4[%dma_wait3A_430] : memref<640000xi32, #tpu.memory_space<hbm>> -> memref<80xi32, #tpu.memory_space<hbm>>
        tpu.wait_dma2 semaphore(%arg25 : memref<!tpu.dma_semaphore, #tpu.memory_space<semaphore_mem>>) src(%dma_wait3A_431 : memref<80xi32, #tpu.memory_space<hbm>>) dst(%arg12 : memref<80xi32, #tpu.memory_space<vmem>>)
        %dma_start3A_432 = arith.constant 0 : i32
        %dma_start3A_433 = arith.constant 0 : i32
        %dma_start3A_434 = tpu.memref_slice %arg5[%while3A_312, %dma_start3A_432, %dma_start3A_433] : memref<3x10000x128xf32, #tpu.memory_space<hbm>> -> memref<1x10000x128xf32, #tpu.memory_space<hbm>>
        %dma_start3A_435 = tpu.memref_squeeze %dma_start3A_434 : memref<1x10000x128xf32, #tpu.memory_space<hbm>> -> memref<10000x128xf32, #tpu.memory_space<hbm>>
        %dma_start3A_436 = arith.constant 0 : i32
        %dma_start3A_437 = arith.constant 0 : i32
        %dma_start3A_438 = tpu.memref_slice %dma_start3A_435[%dma_start3A_436, %dma_start3A_437] : memref<10000x128xf32, #tpu.memory_space<hbm>> -> memref<10000x128xf32, #tpu.memory_space<hbm>>
        tpu.enqueue_indirect_dma source(%dma_start3A_438 : memref<10000x128xf32, #tpu.memory_space<hbm>>) target(%arg16 : memref<80x128xf32, #tpu.memory_space<vmem>>) offsets(%arg8 : memref<80xi32, #tpu.memory_space<vmem>>) semaphore(%arg21 : memref<!tpu.dma_semaphore, #tpu.memory_space<semaphore_mem>>)
      } else {
      }
      %add3A_371 = arith.constant 4 : i32
      %add3A_372 = arith.addi %add3A_357, %add3A_371 : i32
      %lt3A_373 = arith.cmpi slt, %add3A_372, %mul3A_46 : i32
      %convert_element_type3A_374 = arith.extui %lt3A_373 : i1 to i32
      %cond3A_375 = arith.constant 0 : i32
      %cond3A_376 = arith.cmpi ne, %convert_element_type3A_374, %cond3A_375 : i32
      scf.if %cond3A_376 {
        %add3A_424 = arith.constant 4 : i32
        %add3A_425 = arith.addi %add3A_357, %add3A_424 : i32
        %mul3A_426 = arith.constant 80 : i32
        %mul3A_427 = arith.muli %add3A_425, %mul3A_426 : i32
        %add3A_428 = arith.addi %mul3A_44, %mul3A_427 : i32
        %dma_start3A_429 = tpu.memref_slice %arg4[%add3A_428] : memref<640000xi32, #tpu.memory_space<hbm>> -> memref<80xi32, #tpu.memory_space<hbm>>
        %dma_start3A_430 = tpu.memref_slice %arg4[%add3A_428] : memref<640000xi32, #tpu.memory_space<hbm>> -> memref<80xi32, #tpu.memory_space<hbm>>
        tpu.enqueue_dma source(%dma_start3A_430 : memref<80xi32, #tpu.memory_space<hbm>>) target(%arg9 : memref<80xi32, #tpu.memory_space<vmem>>) target_semaphore(%arg26 : memref<!tpu.dma_semaphore, #tpu.memory_space<semaphore_mem>>)
        %add3A_431 = arith.constant 320000 : i32
        %add3A_432 = arith.addi %add3A_431, %add3A_428 : i32
        %dma_start3A_433 = tpu.memref_slice %arg4[%add3A_432] : memref<640000xi32, #tpu.memory_space<hbm>> -> memref<80xi32, #tpu.memory_space<hbm>>
        %dma_start3A_434 = tpu.memref_slice %arg4[%add3A_432] : memref<640000xi32, #tpu.memory_space<hbm>> -> memref<80xi32, #tpu.memory_space<hbm>>
        tpu.enqueue_dma source(%dma_start3A_434 : memref<80xi32, #tpu.memory_space<hbm>>) target(%arg13 : memref<80xi32, #tpu.memory_space<vmem>>) target_semaphore(%arg26 : memref<!tpu.dma_semaphore, #tpu.memory_space<semaphore_mem>>)
      } else {
      }
      %mul3A_377 = arith.constant 4 : i32
      %mul3A_378 = arith.muli %while3A_330, %mul3A_377 : i32
      %add3A_379 = arith.constant 2 : i32
      %add3A_380 = arith.addi %mul3A_378, %add3A_379 : i32
      %dma_wait3A_381 = arith.constant 0 : i32
      %dma_wait3A_382 = arith.constant 0 : i32
      %dma_wait3A_383 = tpu.memref_slice %arg5[%while3A_312, %dma_wait3A_381, %dma_wait3A_382] : memref<3x10000x128xf32, #tpu.memory_space<hbm>> -> memref<1x10000x128xf32, #tpu.memory_space<hbm>>
      %dma_wait3A_384 = tpu.memref_squeeze %dma_wait3A_383 : memref<1x10000x128xf32, #tpu.memory_space<hbm>> -> memref<10000x128xf32, #tpu.memory_space<hbm>>
      %dma_wait3A_385 = arith.constant 0 : i32
      %dma_wait3A_386 = arith.constant 0 : i32
      %dma_wait3A_387 = tpu.memref_slice %dma_wait3A_384[%dma_wait3A_385, %dma_wait3A_386] : memref<10000x128xf32, #tpu.memory_space<hbm>> -> memref<10000x128xf32, #tpu.memory_space<hbm>>
      tpu.wait_indirect_dma semaphore(%arg23 : memref<!tpu.dma_semaphore, #tpu.memory_space<semaphore_mem>>) src(%dma_wait3A_387 : memref<10000x128xf32, #tpu.memory_space<hbm>>) dst(%arg18 : memref<80x128xf32, #tpu.memory_space<vmem>>)
      "tpu.region"() ({
        %run_scoped3A = tpu.sem_alloc : memref<!tpu.dma_semaphore, #tpu.memory_space<semaphore_mem>>
        %dma_start3A_424 = arith.constant 0 : i32
        %dma_start3A_425 = arith.constant 0 : i32
        %dma_start3A_426 = tpu.memref_slice %arg20[%dma_start3A_424, %dma_start3A_425] : memref<10112x128xf32, #tpu.memory_space<vmem_shared>> -> memref<10112x128xf32, #tpu.memory_space<vmem_shared>>
        tpu.enqueue_indirect_dma source(%arg18 : memref<80x128xf32, #tpu.memory_space<vmem>>) target(%dma_start3A_426 : memref<10112x128xf32, #tpu.memory_space<vmem_shared>>) offsets(%arg14 : memref<80xi32, #tpu.memory_space<vmem>>) semaphore(%run_scoped3A : memref<!tpu.dma_semaphore, #tpu.memory_space<semaphore_mem>>) {add = true}
        %dma_wait3A_427 = arith.constant 0 : i32
        %dma_wait3A_428 = arith.constant 0 : i32
        %dma_wait3A_429 = tpu.memref_slice %arg20[%dma_wait3A_427, %dma_wait3A_428] : memref<10112x128xf32, #tpu.memory_space<vmem_shared>> -> memref<10112x128xf32, #tpu.memory_space<vmem_shared>>
        tpu.wait_indirect_dma semaphore(%run_scoped3A : memref<!tpu.dma_semaphore, #tpu.memory_space<semaphore_mem>>) src(%arg18 : memref<80x128xf32, #tpu.memory_space<vmem>>) dst(%dma_wait3A_429 : memref<10112x128xf32, #tpu.memory_space<vmem_shared>>)
        tpu.yield
      }) : () -> ()
      %add3A_388 = arith.constant 3 : i32
      %add3A_389 = arith.addi %add3A_380, %add3A_388 : i32
      %lt3A_390 = arith.cmpi slt, %add3A_389, %mul3A_46 : i32
      %convert_element_type3A_391 = arith.extui %lt3A_390 : i1 to i32
      %cond3A_392 = arith.constant 0 : i32
      %cond3A_393 = arith.cmpi ne, %convert_element_type3A_391, %cond3A_392 : i32
      scf.if %cond3A_393 {
        %dma_wait3A_424 = arith.constant 0 : i32
        %dma_wait3A_425 = tpu.memref_slice %arg4[%dma_wait3A_424] : memref<640000xi32, #tpu.memory_space<hbm>> -> memref<80xi32, #tpu.memory_space<hbm>>
        %dma_wait3A_426 = arith.constant 0 : i32
        %dma_wait3A_427 = tpu.memref_slice %arg4[%dma_wait3A_426] : memref<640000xi32, #tpu.memory_space<hbm>> -> memref<80xi32, #tpu.memory_space<hbm>>
        tpu.wait_dma2 semaphore(%arg26 : memref<!tpu.dma_semaphore, #tpu.memory_space<semaphore_mem>>) src(%dma_wait3A_427 : memref<80xi32, #tpu.memory_space<hbm>>) dst(%arg9 : memref<80xi32, #tpu.memory_space<vmem>>)
        %dma_wait3A_428 = arith.constant 0 : i32
        %dma_wait3A_429 = tpu.memref_slice %arg4[%dma_wait3A_428] : memref<640000xi32, #tpu.memory_space<hbm>> -> memref<80xi32, #tpu.memory_space<hbm>>
        %dma_wait3A_430 = arith.constant 0 : i32
        %dma_wait3A_431 = tpu.memref_slice %arg4[%dma_wait3A_430] : memref<640000xi32, #tpu.memory_space<hbm>> -> memref<80xi32, #tpu.memory_space<hbm>>
        tpu.wait_dma2 semaphore(%arg26 : memref<!tpu.dma_semaphore, #tpu.memory_space<semaphore_mem>>) src(%dma_wait3A_431 : memref<80xi32, #tpu.memory_space<hbm>>) dst(%arg13 : memref<80xi32, #tpu.memory_space<vmem>>)
        %dma_start3A_432 = arith.constant 0 : i32
        %dma_start3A_433 = arith.constant 0 : i32
        %dma_start3A_434 = tpu.memref_slice %arg5[%while3A_312, %dma_start3A_432, %dma_start3A_433] : memref<3x10000x128xf32, #tpu.memory_space<hbm>> -> memref<1x10000x128xf32, #tpu.memory_space<hbm>>
        %dma_start3A_435 = tpu.memref_squeeze %dma_start3A_434 : memref<1x10000x128xf32, #tpu.memory_space<hbm>> -> memref<10000x128xf32, #tpu.memory_space<hbm>>
        %dma_start3A_436 = arith.constant 0 : i32
        %dma_start3A_437 = arith.constant 0 : i32
        %dma_start3A_438 = tpu.memref_slice %dma_start3A_435[%dma_start3A_436, %dma_start3A_437] : memref<10000x128xf32, #tpu.memory_space<hbm>> -> memref<10000x128xf32, #tpu.memory_space<hbm>>
        tpu.enqueue_indirect_dma source(%dma_start3A_438 : memref<10000x128xf32, #tpu.memory_space<hbm>>) target(%arg17 : memref<80x128xf32, #tpu.memory_space<vmem>>) offsets(%arg9 : memref<80xi32, #tpu.memory_space<vmem>>) semaphore(%arg22 : memref<!tpu.dma_semaphore, #tpu.memory_space<semaphore_mem>>)
      } else {
      }
      %add3A_394 = arith.constant 4 : i32
      %add3A_395 = arith.addi %add3A_380, %add3A_394 : i32
      %lt3A_396 = arith.cmpi slt, %add3A_395, %mul3A_46 : i32
      %convert_element_type3A_397 = arith.extui %lt3A_396 : i1 to i32
      %cond3A_398 = arith.constant 0 : i32
      %cond3A_399 = arith.cmpi ne, %convert_element_type3A_397, %cond3A_398 : i32
      scf.if %cond3A_399 {
        %add3A_424 = arith.constant 4 : i32
        %add3A_425 = arith.addi %add3A_380, %add3A_424 : i32
        %mul3A_426 = arith.constant 80 : i32
        %mul3A_427 = arith.muli %add3A_425, %mul3A_426 : i32
        %add3A_428 = arith.addi %mul3A_44, %mul3A_427 : i32
        %dma_start3A_429 = tpu.memref_slice %arg4[%add3A_428] : memref<640000xi32, #tpu.memory_space<hbm>> -> memref<80xi32, #tpu.memory_space<hbm>>
        %dma_start3A_430 = tpu.memref_slice %arg4[%add3A_428] : memref<640000xi32, #tpu.memory_space<hbm>> -> memref<80xi32, #tpu.memory_space<hbm>>
        tpu.enqueue_dma source(%dma_start3A_430 : memref<80xi32, #tpu.memory_space<hbm>>) target(%arg10 : memref<80xi32, #tpu.memory_space<vmem>>) target_semaphore(%arg27 : memref<!tpu.dma_semaphore, #tpu.memory_space<semaphore_mem>>)
        %add3A_431 = arith.constant 320000 : i32
        %add3A_432 = arith.addi %add3A_431, %add3A_428 : i32
        %dma_start3A_433 = tpu.memref_slice %arg4[%add3A_432] : memref<640000xi32, #tpu.memory_space<hbm>> -> memref<80xi32, #tpu.memory_space<hbm>>
        %dma_start3A_434 = tpu.memref_slice %arg4[%add3A_432] : memref<640000xi32, #tpu.memory_space<hbm>> -> memref<80xi32, #tpu.memory_space<hbm>>
        tpu.enqueue_dma source(%dma_start3A_434 : memref<80xi32, #tpu.memory_space<hbm>>) target(%arg14 : memref<80xi32, #tpu.memory_space<vmem>>) target_semaphore(%arg27 : memref<!tpu.dma_semaphore, #tpu.memory_space<semaphore_mem>>)
      } else {
      }
      %mul3A_400 = arith.constant 4 : i32
      %mul3A_401 = arith.muli %while3A_330, %mul3A_400 : i32
      %add3A_402 = arith.constant 3 : i32
      %add3A_403 = arith.addi %mul3A_401, %add3A_402 : i32
      %dma_wait3A_404 = arith.constant 0 : i32
      %dma_wait3A_405 = arith.constant 0 : i32
      %dma_wait3A_406 = tpu.memref_slice %arg5[%while3A_312, %dma_wait3A_404, %dma_wait3A_405] : memref<3x10000x128xf32, #tpu.memory_space<hbm>> -> memref<1x10000x128xf32, #tpu.memory_space<hbm>>
      %dma_wait3A_407 = tpu.memref_squeeze %dma_wait3A_406 : memref<1x10000x128xf32, #tpu.memory_space<hbm>> -> memref<10000x128xf32, #tpu.memory_space<hbm>>
      %dma_wait3A_408 = arith.constant 0 : i32
      %dma_wait3A_409 = arith.constant 0 : i32
      %dma_wait3A_410 = tpu.memref_slice %dma_wait3A_407[%dma_wait3A_408, %dma_wait3A_409] : memref<10000x128xf32, #tpu.memory_space<hbm>> -> memref<10000x128xf32, #tpu.memory_space<hbm>>
      tpu.wait_indirect_dma semaphore(%arg24 : memref<!tpu.dma_semaphore, #tpu.memory_space<semaphore_mem>>) src(%dma_wait3A_410 : memref<10000x128xf32, #tpu.memory_space<hbm>>) dst(%arg19 : memref<80x128xf32, #tpu.memory_space<vmem>>)
      "tpu.region"() ({
        %run_scoped3A = tpu.sem_alloc : memref<!tpu.dma_semaphore, #tpu.memory_space<semaphore_mem>>
        %dma_start3A_424 = arith.constant 0 : i32
        %dma_start3A_425 = arith.constant 0 : i32
        %dma_start3A_426 = tpu.memref_slice %arg20[%dma_start3A_424, %dma_start3A_425] : memref<10112x128xf32, #tpu.memory_space<vmem_shared>> -> memref<10112x128xf32, #tpu.memory_space<vmem_shared>>
        tpu.enqueue_indirect_dma source(%arg19 : memref<80x128xf32, #tpu.memory_space<vmem>>) target(%dma_start3A_426 : memref<10112x128xf32, #tpu.memory_space<vmem_shared>>) offsets(%arg15 : memref<80xi32, #tpu.memory_space<vmem>>) semaphore(%run_scoped3A : memref<!tpu.dma_semaphore, #tpu.memory_space<semaphore_mem>>) {add = true}
        %dma_wait3A_427 = arith.constant 0 : i32
        %dma_wait3A_428 = arith.constant 0 : i32
        %dma_wait3A_429 = tpu.memref_slice %arg20[%dma_wait3A_427, %dma_wait3A_428] : memref<10112x128xf32, #tpu.memory_space<vmem_shared>> -> memref<10112x128xf32, #tpu.memory_space<vmem_shared>>
        tpu.wait_indirect_dma semaphore(%run_scoped3A : memref<!tpu.dma_semaphore, #tpu.memory_space<semaphore_mem>>) src(%arg19 : memref<80x128xf32, #tpu.memory_space<vmem>>) dst(%dma_wait3A_429 : memref<10112x128xf32, #tpu.memory_space<vmem_shared>>)
        tpu.yield
      }) : () -> ()
      %add3A_411 = arith.constant 3 : i32
      %add3A_412 = arith.addi %add3A_403, %add3A_411 : i32
      %lt3A_413 = arith.cmpi slt, %add3A_412, %mul3A_46 : i32
      %convert_element_type3A_414 = arith.extui %lt3A_413 : i1 to i32
      %cond3A_415 = arith.constant 0 : i32
      %cond3A_416 = arith.cmpi ne, %convert_element_type3A_414, %cond3A_415 : i32
      scf.if %cond3A_416 {
        %dma_wait3A_424 = arith.constant 0 : i32
        %dma_wait3A_425 = tpu.memref_slice %arg4[%dma_wait3A_424] : memref<640000xi32, #tpu.memory_space<hbm>> -> memref<80xi32, #tpu.memory_space<hbm>>
        %dma_wait3A_426 = arith.constant 0 : i32
        %dma_wait3A_427 = tpu.memref_slice %arg4[%dma_wait3A_426] : memref<640000xi32, #tpu.memory_space<hbm>> -> memref<80xi32, #tpu.memory_space<hbm>>
        tpu.wait_dma2 semaphore(%arg27 : memref<!tpu.dma_semaphore, #tpu.memory_space<semaphore_mem>>) src(%dma_wait3A_427 : memref<80xi32, #tpu.memory_space<hbm>>) dst(%arg10 : memref<80xi32, #tpu.memory_space<vmem>>)
        %dma_wait3A_428 = arith.constant 0 : i32
        %dma_wait3A_429 = tpu.memref_slice %arg4[%dma_wait3A_428] : memref<640000xi32, #tpu.memory_space<hbm>> -> memref<80xi32, #tpu.memory_space<hbm>>
        %dma_wait3A_430 = arith.constant 0 : i32
        %dma_wait3A_431 = tpu.memref_slice %arg4[%dma_wait3A_430] : memref<640000xi32, #tpu.memory_space<hbm>> -> memref<80xi32, #tpu.memory_space<hbm>>
        tpu.wait_dma2 semaphore(%arg27 : memref<!tpu.dma_semaphore, #tpu.memory_space<semaphore_mem>>) src(%dma_wait3A_431 : memref<80xi32, #tpu.memory_space<hbm>>) dst(%arg14 : memref<80xi32, #tpu.memory_space<vmem>>)
        %dma_start3A_432 = arith.constant 0 : i32
        %dma_start3A_433 = arith.constant 0 : i32
        %dma_start3A_434 = tpu.memref_slice %arg5[%while3A_312, %dma_start3A_432, %dma_start3A_433] : memref<3x10000x128xf32, #tpu.memory_space<hbm>> -> memref<1x10000x128xf32, #tpu.memory_space<hbm>>
        %dma_start3A_435 = tpu.memref_squeeze %dma_start3A_434 : memref<1x10000x128xf32, #tpu.memory_space<hbm>> -> memref<10000x128xf32, #tpu.memory_space<hbm>>
        %dma_start3A_436 = arith.constant 0 : i32
        %dma_start3A_437 = arith.constant 0 : i32
        %dma_start3A_438 = tpu.memref_slice %dma_start3A_435[%dma_start3A_436, %dma_start3A_437] : memref<10000x128xf32, #tpu.memory_space<hbm>> -> memref<10000x128xf32, #tpu.memory_space<hbm>>
        tpu.enqueue_indirect_dma source(%dma_start3A_438 : memref<10000x128xf32, #tpu.memory_space<hbm>>) target(%arg18 : memref<80x128xf32, #tpu.memory_space<vmem>>) offsets(%arg10 : memref<80xi32, #tpu.memory_space<vmem>>) semaphore(%arg23 : memref<!tpu.dma_semaphore, #tpu.memory_space<semaphore_mem>>)
      } else {
      }
      %add3A_417 = arith.constant 4 : i32
      %add3A_418 = arith.addi %add3A_403, %add3A_417 : i32
      %lt3A_419 = arith.cmpi slt, %add3A_418, %mul3A_46 : i32
      %convert_element_type3A_420 = arith.extui %lt3A_419 : i1 to i32
      %cond3A_421 = arith.constant 0 : i32
      %cond3A_422 = arith.cmpi ne, %convert_element_type3A_420, %cond3A_421 : i32
      scf.if %cond3A_422 {
        %add3A_424 = arith.constant 4 : i32
        %add3A_425 = arith.addi %add3A_403, %add3A_424 : i32
        %mul3A_426 = arith.constant 80 : i32
        %mul3A_427 = arith.muli %add3A_425, %mul3A_426 : i32
        %add3A_428 = arith.addi %mul3A_44, %mul3A_427 : i32
        %dma_start3A_429 = tpu.memref_slice %arg4[%add3A_428] : memref<640000xi32, #tpu.memory_space<hbm>> -> memref<80xi32, #tpu.memory_space<hbm>>
        %dma_start3A_430 = tpu.memref_slice %arg4[%add3A_428] : memref<640000xi32, #tpu.memory_space<hbm>> -> memref<80xi32, #tpu.memory_space<hbm>>
        tpu.enqueue_dma source(%dma_start3A_430 : memref<80xi32, #tpu.memory_space<hbm>>) target(%arg11 : memref<80xi32, #tpu.memory_space<vmem>>) target_semaphore(%arg28 : memref<!tpu.dma_semaphore, #tpu.memory_space<semaphore_mem>>)
        %add3A_431 = arith.constant 320000 : i32
        %add3A_432 = arith.addi %add3A_431, %add3A_428 : i32
        %dma_start3A_433 = tpu.memref_slice %arg4[%add3A_432] : memref<640000xi32, #tpu.memory_space<hbm>> -> memref<80xi32, #tpu.memory_space<hbm>>
        %dma_start3A_434 = tpu.memref_slice %arg4[%add3A_432] : memref<640000xi32, #tpu.memory_space<hbm>> -> memref<80xi32, #tpu.memory_space<hbm>>
        tpu.enqueue_dma source(%dma_start3A_434 : memref<80xi32, #tpu.memory_space<hbm>>) target(%arg15 : memref<80xi32, #tpu.memory_space<vmem>>) target_semaphore(%arg28 : memref<!tpu.dma_semaphore, #tpu.memory_space<semaphore_mem>>)
      } else {
      }
      %while3A_423 = arith.constant 0 : i32
      scf.yield %while3A_423 : i32
    }
    %barrier3A_325 = arith.constant 0 : index
    tpu.barrier barrier_id(%barrier3A_325)
    %mul3A_326 = arith.constant 632 : i32
    %mul3A_327 = arith.muli %arg1, %mul3A_326 : i32
    %mul3A_328 = arith.constant 632 : i32
    %mul3A_329 = arith.muli %arg1, %mul3A_328 : i32
    "tpu.region"() ({
      %run_scoped3A = tpu.sem_alloc : memref<!tpu.dma_semaphore, #tpu.memory_space<semaphore_mem>>
      %dma_start3A_330 = arith.constant 0 : i32
      %dma_start3A_331 = tpu.memref_slice %arg7[%arg0, %mul3A_329, %dma_start3A_330] : memref<2x10112x128xf32, #tpu.memory_space<hbm>> -> memref<1x632x128xf32, #tpu.memory_space<hbm>>
      %dma_start3A_332 = tpu.memref_squeeze %dma_start3A_331 : memref<1x632x128xf32, #tpu.memory_space<hbm>> -> memref<632x128xf32, #tpu.memory_space<hbm>>
      %dma_start3A_333 = arith.constant 0 : i32
      %dma_start3A_334 = tpu.memref_slice %arg20[%mul3A_327, %dma_start3A_333] : memref<10112x128xf32, #tpu.memory_space<vmem_shared>> -> memref<632x128xf32, #tpu.memory_space<vmem_shared>>
      tpu.enqueue_dma source(%dma_start3A_334 : memref<632x128xf32, #tpu.memory_space<vmem_shared>>) target(%dma_start3A_332 : memref<632x128xf32, #tpu.memory_space<hbm>>) target_semaphore(%run_scoped3A : memref<!tpu.dma_semaphore, #tpu.memory_space<semaphore_mem>>)
      %dma_wait3A_335 = arith.constant 0 : i32
      %dma_wait3A_336 = tpu.memref_slice %arg7[%arg0, %mul3A_329, %dma_wait3A_335] : memref<2x10112x128xf32, #tpu.memory_space<hbm>> -> memref<1x632x128xf32, #tpu.memory_space<hbm>>
      %dma_wait3A_337 = tpu.memref_squeeze %dma_wait3A_336 : memref<1x632x128xf32, #tpu.memory_space<hbm>> -> memref<632x128xf32, #tpu.memory_space<hbm>>
      %dma_wait3A_338 = arith.constant 0 : i32
      %dma_wait3A_339 = tpu.memref_slice %arg20[%mul3A_327, %dma_wait3A_338] : memref<10112x128xf32, #tpu.memory_space<vmem_shared>> -> memref<632x128xf32, #tpu.memory_space<vmem_shared>>
      tpu.wait_dma2 semaphore(%run_scoped3A : memref<!tpu.dma_semaphore, #tpu.memory_space<semaphore_mem>>) src(%dma_wait3A_339 : memref<632x128xf32, #tpu.memory_space<vmem_shared>>) dst(%dma_wait3A_337 : memref<632x128xf32, #tpu.memory_space<hbm>>)
      tpu.yield
    }) : () -> ()
    return
  }
}

module attributes {stable_mosaic.version = 14 : i64} {
  func.func @_mm_body(%arg0: i32, %arg1: i32, %arg2: memref<1000x128xf32, #tpu.memory_space<vmem>>, %arg3: memref<1x128x128xf32, #tpu.memory_space<vmem>>, %arg4: memref<1x1000x128xf32, #tpu.memory_space<vmem>>) attributes {dimension_semantics = [#tpu.dimension_semantics<arbitrary>, #tpu.dimension_semantics<arbitrary>], iteration_bounds = array<i64: 3, 10>, scalar_prefetch = 0 : i64, scratch_operands = 0 : i64, tpu.core_type = #tpu.core_type<tc>, window_params = [{transform_indices = @transform_0, window_bounds = array<i64: 1000, 128>}, {transform_indices = @transform_1, window_bounds = array<i64: 1, 128, 128>}, {transform_indices = @transform_2, window_bounds = array<i64: 1, 1000, 128>}]} {
    %get3A = arith.constant 0 : index
    %get3A_0 = arith.constant 0 : index
    %get3A_1 = vector.load %arg2[%get3A, %get3A_0] : memref<1000x128xf32, #tpu.memory_space<vmem>>, vector<1000x128xf32>
    %get3A_2 = arith.constant 0 : index
    %get3A_3 = arith.constant 0 : index
    %get3A_4 = arith.constant 0 : index
    %get3A_5 = vector.load %arg3[%get3A_2, %get3A_3, %get3A_4] : memref<1x128x128xf32, #tpu.memory_space<vmem>>, vector<1x128x128xf32>
    %get3A_6 = vector.shape_cast %get3A_5 : vector<1x128x128xf32> to vector<128x128xf32>
    %dot_general3A = arith.constant dense<0.000000e+00> : vector<1000x128xf32>
    %dot_general3A_7 = tpu.matmul %get3A_1, %get3A_6, %dot_general3A {dimension_numbers = #tpu.dot_dimension_numbers<[1], [0], [0], [1], [0, 0, 1, 1], [], []>, transpose_lhs_hint = false} : vector<1000x128xf32>, vector<128x128xf32>, vector<1000x128xf32> -> vector<1000x128xf32>
    %swap3A = arith.constant 0 : index
    %swap3A_8 = arith.constant 0 : index
    %swap3A_9 = arith.constant 0 : index
    %swap3A_10 = vector.load %arg4[%swap3A, %swap3A_8, %swap3A_9] : memref<1x1000x128xf32, #tpu.memory_space<vmem>>, vector<1x1000x128xf32>
    %swap3A_11 = vector.shape_cast %swap3A_10 : vector<1x1000x128xf32> to vector<1000x128xf32>
    %swap3A_12 = vector.shape_cast %dot_general3A_7 : vector<1000x128xf32> to vector<1x1000x128xf32>
    tpu.vector_store %arg4[%swap3A, %swap3A_8, %swap3A_9], %swap3A_12 {strides = array<i32>} : memref<1x1000x128xf32, #tpu.memory_space<vmem>>, vector<1x1000x128xf32>,
    return
  }
  func.func @transform_0(%arg0: i32, %arg1: i32) -> (i32, i32) {
    %c0_i32 = arith.constant 0 : i32
    %c0_i32_0 = arith.constant 0 : i32
    return %arg1, %c0_i32 : i32, i32
  }
  func.func @transform_1(%arg0: i32, %arg1: i32) -> (i32, i32, i32) {
    %c0_i32 = arith.constant 0 : i32
    %c0_i32_0 = arith.constant 0 : i32
    %c0_i32_1 = arith.constant 0 : i32
    return %arg0, %c0_i32, %c0_i32_0 : i32, i32, i32
  }
  func.func @transform_2(%arg0: i32, %arg1: i32) -> (i32, i32, i32) {
    %c0_i32 = arith.constant 0 : i32
    %c0_i32_0 = arith.constant 0 : i32
    return %arg0, %arg1, %c0_i32 : i32, i32, i32
  }
}

module attributes {stable_mosaic.version = 14 : i64} {
  func.func @_comb_body(%arg0: i32, %arg1: memref<2x1000x128xf32, #tpu.memory_space<vmem>>, %arg2: memref<1000x128xf32, #tpu.memory_space<vmem>>) attributes {dimension_semantics = [#tpu.dimension_semantics<arbitrary>], iteration_bounds = array<i64: 10>, scalar_prefetch = 0 : i64, scratch_operands = 0 : i64, tpu.core_type = #tpu.core_type<tc>, window_params = [{transform_indices = @transform_0, window_bounds = array<i64: 2, 1000, 128>}, {transform_indices = @transform_1, window_bounds = array<i64: 1000, 128>}]} {
    %get3A = arith.constant 0 : index
    %get3A_0 = arith.constant 0 : index
    %get3A_1 = arith.constant 0 : index
    %get3A_2 = vector.load %arg1[%get3A, %get3A_0, %get3A_1] : memref<2x1000x128xf32, #tpu.memory_space<vmem>>, vector<1x1000x128xf32>
    %get3A_3 = vector.shape_cast %get3A_2 : vector<1x1000x128xf32> to vector<1000x128xf32>
    %get3A_4 = arith.constant 1 : index
    %get3A_5 = arith.constant 0 : index
    %get3A_6 = arith.constant 0 : index
    %get3A_7 = vector.load %arg1[%get3A_4, %get3A_5, %get3A_6] : memref<2x1000x128xf32, #tpu.memory_space<vmem>>, vector<1x1000x128xf32>
    %get3A_8 = vector.shape_cast %get3A_7 : vector<1x1000x128xf32> to vector<1000x128xf32>
    %add3A = arith.addf %get3A_3, %get3A_8 : vector<1000x128xf32>
    %max3A = arith.constant 0.000000e+00 : f32
    %max3A_9 = vector.broadcast %max3A : f32 to vector<1000x128xf32>
    %max3A_10 = arith.maximumf %add3A, %max3A_9 : vector<1000x128xf32>
    %swap3A = arith.constant 0 : index
    %swap3A_11 = arith.constant 0 : index
    %swap3A_12 = vector.load %arg2[%swap3A, %swap3A_11] : memref<1000x128xf32, #tpu.memory_space<vmem>>, vector<1000x128xf32>
    tpu.vector_store %arg2[%swap3A, %swap3A_11], %max3A_10 {strides = array<i32>} : memref<1000x128xf32, #tpu.memory_space<vmem>>, vector<1000x128xf32>,
    return
  }
  func.func @transform_0(%arg0: i32) -> (i32, i32, i32) {
    %c0_i32 = arith.constant 0 : i32
    %c0_i32_0 = arith.constant 0 : i32
    %c0_i32_1 = arith.constant 0 : i32
    return %c0_i32, %arg0, %c0_i32_0 : i32, i32, i32
  }
  func.func @transform_1(%arg0: i32) -> (i32, i32) {
    %c0_i32 = arith.constant 0 : i32
    %c0_i32_0 = arith.constant 0 : i32
    return %arg0, %c0_i32 : i32, i32
  }
}

</mosaic_0001>

<sc_bundles>
// kernel: kernel.5.cloned.1.call-start
scs
__scs_entry_jumppad:
0x0: {  	(pc) =	sbr.rel $0x88, $3  }
0x1: {  	(tag) =	ssettag $0x0;
	lr =	simm.s32 $0x1  }
0x2: {  	[smem:$0x3F9A] =	sst lr;
	_ =	strace $0xD0000000  }
0x3: {  	_ = 	snop  }
0x4: {  	_ = 	snop  }
0x5: {  	_ = 	snop  }
0x6: {  	_ = 	snop  }
0x7: {  	_ = 	snop  }
__scs_overlays_trampoline_lowered:
0x8: {  	[smem:$0x3FA9] =	sst s0  }
0x9: {  	[smem:$0x3FAA] =	sst s1  }
0xa: {  	[smem:$0x3FAB] =	sst s2  }
0xb: {  	[smem:$0x3FAC] =	sst s3  }
0xc: {  	[smem:$0x3FAD] =	sst s4  }
0xd: {  	[smem:$0x3FAE] =	sst s5  }
0xe: {  	[smem:$0x3FAF] =	sst s6  }
0xf: {  	[smem:$0x3FB0] =	sst s7  }
0x10: {  	[smem:$0x3FB1] =	sst s8  }
0x11: {  	[smem:$0x3FB2] =	sst s9;
	s0 =	simm.s32 @!p0 $0x0  }
0x12: {  	s1 =	sld [smem:$0x3F98];
	s0 =	simm.s32 @p0 $0x1  }
0x13: {  	[smem:$0x3FB3] =	sst s0;
	s0 =	simm.s32 @!p1 $0x0  }
0x14: {  	s2 =	sld [smem:$0x3F97];
	s0 =	simm.s32 @p1 $0x1  }
0x15: {  	[smem:$0x3FB4] =	sst s0;
	s0 =	simm.s32 @!p2 $0x0  }
0x16: {  	s3 =	sld [smem:$0x3FDB];
	s0 =	simm.s32 @p2 $0x1  }
0x17: {  	s4 =	simm.s32 $0x1BF5;
	[smem:$0x3FB6] =	sst s0  }
0x18: {  	s0 =	sld [smem:$0x3F99];
	_ =	swait.ge [sflag:s4], $0x0  }
0x19: {  	s7 =	sld [smem:$0x3F9A]  }
0x1a: {  	s8 =	sadd.s32 $0xFFFFE003, lr  }
0x1b: {  	s9 =	sadd.s32 $0xFFFFFEF7, lr;
	s5 =	simm.s32 $0xFFFFFFFF;
	p2 =	slt.u32 s8, $0xFFFFF086  }
0x1c: {  	p1 =	slt.u32 s9, $0xF7A;
	s5 =	simm.s32 @!p2 $0x0  }
0x1d: {  	s5 =	simm.s32 @p1 $0x1;
	p0 =	seq.s32 s7, s2  }
0x1e: {  	s7 =	smul.u32 @!p0 $0xF7A, s2;
	p2 =	seq.s32 @!p0 s5, $0x0  }
0x1f: {  	s9 =	smul.u32 $0xF7A, s1;
	s8 =	simm.s32 @!p0 $0x1BF5;
	p2 =	por !p2, p0  }
0x20: {  	[sflag:s8] =	ssyncset.s32 @!p0 $0xFFFFF086;
	s6 =	sadd.s32 @!p0 s3, s7;
	s7 =	simm.s32 @!p0 $0x108  }
0x21: {  	s3 =	sadd.s32 s3, s9;
	s6 =	sadd.s32 @!p0 $0x88, s6;
	s7 =	simm.s32 @p2 $0x1082  }
0x22: {  	[simem:s7], [sflag:s8] =	dma.local @!p0 [hbm:s6], $0xF7A  }
0x23: {  	s9 =	sor.u32 $0xD0000000, s2;
	s6 =	simm.s32 $0x108;
	_ =	swait.ge @!p0 [sflag:s8], $0x0  }
0x24: {  	s3 =	sadd.s32 $0x88, s3;
	s6 =	simm.s32 @!p1 $0x1082;
	[sflag:s4] =	ssyncset.s32 $0xFFFFF086  }
0x25: {  	[simem:s6], [sflag:s4] =	dma.local [hbm:s3], $0xF7A  }
0x26: {  	[smem:$0x3F9A] =	sst s1;
	(tag) =	ssettag s2;
	_ =	strace s9  }
0x27: {  	s1 =	sld [smem:$0x3FAA]  }
0x28: {  	s2 =	sld [smem:$0x3FAB]  }
0x29: {  	s4 =	sld [smem:$0x3FAD]  }
0x2a: {  	p0 =	seq.s32 s5, $0x0;
	s5 =	sld [smem:$0x3FAE]  }
0x2b: {  	s6 =	sld [smem:$0x3FAF]  }
0x2c: {  	s7 =	sld [smem:$0x3FB0]  }
0x2d: {  	s3 =	simm.s32 $0x108;
	s8 =	sld [smem:$0x3FB1]  }
0x2e: {  	s3 =	simm.s32 @!p0 $0x1082;
	s9 =	sld [smem:$0x3FB2]  }
0x2f: {  	lr =	sadd.s32 s0, s3;
	s0 =	sld [smem:$0x3FA9]  }
0x30: {  	s3 =	sld [smem:$0x3FAC]  }
0x31: {  	[smem:$0x3FB5] =	sst s10  }
0x32: {  	s10 =	sld [smem:$0x3FB3];
	_ =	sdelay $0x3  }
0x33: {  	p0 =	seq.s32 s10, $0x1;
	s10 =	sld [smem:$0x3FB5];
	_ =	sdelay $0x3  }
0x34: {  	[smem:$0x3FB5] =	sst s10  }
0x35: {  	s10 =	sld [smem:$0x3FB4];
	_ =	sdelay $0x3  }
0x36: {  	p1 =	seq.s32 s10, $0x1;
	s10 =	sld [smem:$0x3FB5];
	_ =	sdelay $0x3  }
0x37: {  	[smem:$0x3FB5] =	sst s10  }
0x38: {  	s10 =	sld [smem:$0x3FB6]  }
0x39: {  	_ = 	snop;
	(pc) =	sbr.ind lr, $3  }
0x3a: {  	_ = 	snop  }
0x3b: {  	_ = 	snop  }
0x3c: {  	p2 =	seq.s32 s10, $0x1;
	s10 =	sld [smem:$0x3FB5]  }
0x3d: {  	_ =	shalt  }
0x3e: {  	_ =	shalt  }
0x3f: {  	_ =	shalt  }
0x40: {  	_ =	shalt  }
0x41: {  	_ =	shalt  }
0x42: {  	_ =	shalt  }
0x43: {  	_ =	shalt  }
0x44: {  	_ =	shalt  }
0x45: {  	_ =	shalt  }
0x46: {  	_ =	shalt  }
0x47: {  	_ =	shalt  }
0x48: {  	_ =	shalt  }
0x49: {  	_ =	shalt  }
0x4a: {  	_ =	shalt  }
0x4b: {  	_ =	shalt  }
0x4c: {  	_ =	shalt  }
0x4d: {  	_ =	shalt  }
0x4e: {  	_ =	shalt  }
0x4f: {  	_ =	shalt  }
0x50: {  	_ =	shalt  }
0x51: {  	_ =	shalt  }
0x52: {  	_ =	shalt  }
0x53: {  	_ =	shalt  }
0x54: {  	_ =	shalt  }
0x55: {  	_ =	shalt  }
0x56: {  	_ =	shalt  }
0x57: {  	_ =	shalt  }
0x58: {  	_ =	shalt  }
0x59: {  	_ =	shalt  }
0x5a: {  	_ =	shalt  }
0x5b: {  	_ =	shalt  }
0x5c: {  	_ =	shalt  }
0x5d: {  	_ =	shalt  }
0x5e: {  	_ =	shalt  }
0x5f: {  	_ =	shalt  }
0x60: {  	_ =	shalt  }
0x61: {  	_ =	shalt  }
0x62: {  	_ =	shalt  }
0x63: {  	_ =	shalt  }
0x64: {  	_ =	shalt  }
0x65: {  	_ =	shalt  }
0x66: {  	_ =	shalt  }
0x67: {  	_ =	shalt  }
0x68: {  	_ =	shalt  }
0x69: {  	_ =	shalt  }
0x6a: {  	_ =	shalt  }
0x6b: {  	_ =	shalt  }
0x6c: {  	_ =	shalt  }
0x6d: {  	_ =	shalt  }
0x6e: {  	_ =	shalt  }
0x6f: {  	_ =	shalt  }
0x70: {  	_ =	shalt  }
0x71: {  	_ =	shalt  }
0x72: {  	_ =	shalt  }
0x73: {  	_ =	shalt  }
0x74: {  	_ =	shalt  }
0x75: {  	_ =	shalt  }
0x76: {  	_ =	shalt  }
0x77: {  	_ =	shalt  }
0x78: {  	_ =	shalt  }
0x79: {  	_ =	shalt  }
0x7a: {  	_ =	shalt  }
0x7b: {  	_ =	shalt  }
0x7c: {  	_ =	shalt  }
0x7d: {  	_ =	shalt  }
0x7e: {  	_ =	shalt  }
0x7f: {  	_ =	shalt  }
0x80: {  	_ =	shalt  }
0x81: {  	_ =	shalt  }
0x82: {  	_ =	shalt  }
0x83: {  	_ =	shalt  }
0x84: {  	_ =	shalt  }
0x85: {  	_ =	shalt  }
0x86: {  	_ =	shalt  }
0x87: {  	_ =	shalt  }
.Lfunc_end0:
.L_simem_size_0:
called_computation_lowered:
.L_overlay_start_0:
0x88: {  	s2 =	sld [smem:$0x3FD9]  }
0x89: {  	s3 =	sld [smem:$0x3FFE];
	_ =	sdelay $0x1  }
0x8a: {  	s1 =	srdreg.scid  }
0x8b: {  	s0 =	sand.u32 $0x1, s1  }
0x8c: {  	s17 =	sshll.u32 s0, $0xA;
	s2 =	sadd.s32 s3, s2  }
0x8d: {  	s2 =	sadd.s32 s2, s17  }
0x8e: {  	[smem:$0x3FC1] =	sst s2  }
0x8f: {  	_ = 	snop  }
0x90: {  	s2 =	sld [smem:$0x3FD0];
	(tm) =	ssettm $0x1  }
0x91: {  	s18 =	sld [smem:$0x3FFB];
	_ =	sdelay $0x3  }
0x92: {  	_ =	strace s18  }
0x93: {  	s3 =	sld [smem:$0x3FFC];
	_ =	sdelay $0x3  }
0x94: {  	_ =	strace s3  }
0x95: {  	s3 =	sld [smem:$0x3FFD];
	_ =	sdelay $0x3  }
0x96: {  	_ =	strace s3  }
0x97: {  	_ =	strace $0x8FFFFFFF  }
0x98: {  	s19 =	sld [smem:$0x3FDB];
	_ =	sdelay $0x1  }
0x99: {  	s4 =	simm.s32 $_scs_section_size  }
0x9a: {  	s5 =	simm.s32 $_size__tile_overlayer_lowered;
	s6 =	simm.s32 $_tile_overlayer_lowered  }
0x9b: {  	s22 =	simm.s32 $0x1BFF;
	s21 =	sshll.u32 s6, $0x1;
	s3 =	sadd.s32 s4, s19  }
0x9c: {  	s7 =	simm.s32 $0x0;
	s20 =	sshll.u32 s5, $0x1;
	s5 =	sadd.s32 s21, s3  }
0x9d: {  	[timem:s7], [sflag:s22] =	dma.local [hbm:s5], s20  }
0x9e: {  	_ =	swait.ge [sflag:s22], s20  }
0x9f: {  	s4 =	ssub.s32 $0x0, s20;
	[sflag:s22] =	ssyncset.done $0x0  }
0xa0: {  	[sflag:s22] =	ssyncadd.s32 s4;
	_ =	sdelay $0x1  }
0xa1: {  	s23 =	simm.s32 $0x1B8B  }
0xa2: {  	_ =	swait.ge [sflag:s23], $0x1  }
0xa3: {  	[sflag:s23] =	ssyncset.done $0x0  }
0xa4: {  	s25 =	simm.s32 $0x1B8E;
	s24 =	sld [smem:$0x3FFE];
	[sflag:s23] =	ssyncadd.s32 $0xFFFFFFFF  }
0xa5: {  	s26 =	simm.s32 $execute0_lowered;
	[smem:$0x3FD2] =	sst s25  }
0xa6: {  	s5 =	sshll.u32 s26, $0x1;
	_ =	strace $0x80000046;
	[dreg:$0x1] =	wrdreg $0xFFFFFFFF  }
0xa7: {  	s28 =	simm.s32 $_size_execute0_lowered;
	s3 =	sadd.s32 s3, s5;
	[dreg:$0x0] =	wrdreg $0x0  }
0xa8: {  	s5 =	sshll.u32 s28, $0x1;
	[dreg:$0x2] =	wrdreg s3  }
0xa9: {  	[dreg:$0x3] =	wrdreg s5  }
0xaa: {  	[dreg:$0x4] =	wrdreg $0xC0  }
0xab: {  	_ =	task [dreg:s7], $0x5FFFF  }
0xac: {  	[dreg:$0x1] =	wrdreg $0xFFFFFFFF  }
0xad: {  	[dreg:$0x0] =	wrdreg $0x60  }
0xae: {  	[dreg:$0x2] =	wrdreg s2  }
0xaf: {  	[dreg:$0x3] =	wrdreg s24  }
0xb0: {  	[dreg:$0x4] =	wrdreg $0xA4000  }
0xb1: {  	[dreg:$0x5] =	wrdreg $0x9  }
0xb2: {  	_ =	task.clear_ibuf [dreg:s7], $0x6FFFF;
	_ =	strace $0x90000046  }
0xb3: {  	s29 =	simm.s32 $0x9;
	_ =	strace $0x80000048  }
0xb4: {  	_ =	swait.ge [sflag:s29], $0x1  }
0xb5: {  	[sflag:s29] =	ssyncadd.s32 $0xFFFFFFFF  }
0xb6: {  	_ =	strace $0x90000048  }
0xb7: {  	_ =	sfence  }
0xb8: {  	s30 =	sld [smem:$0x0];
	_ =	sdelay $0x2  }
0xb9: {  	s31 =	sshll.u32 s1, $0xD;
	s1 =	sshrl.u32 s1, $0x2  }
0xba: {  	s3 =	sand.u32 $0x4000, s31;
	s1 =	sadd.s32 s1, s30  }
0xbb: {  	s0 =	sor.u32 s3, s0;
	s1 =	sshll.u32 s1, $0x11  }
0xbc: {  	s0 =	sor.u32 s1, s0  }
0xbd: {  	s0 =	sadd.s32 $0x8F2B, s0  }
0xbe: {  	[sflag:s0] =	ssyncadd.remote.s32 $0x1  }
0xbf: {  	_ =	sfence.sel $0xFFFF  }
0xc0: {  	[dreg:$0x0] =	wrdreg $0xFFFFFFFF;
	(pc) =	sbr.abs _section_cstart, $3  }
0xc1: {  	[dreg:$0x1] =	wrdreg $0xFFFFFFFF  }
0xc2: {  	_ =	task.clear_ibuf [dreg:s7], $0x2FFFF;
	_ =	strace $0x9FFFFFFF  }
0xc3: {  	(tm) =	ssettm $0x7FFFFFFF  }
tec
execute0_lowered:
.L_overlay_start_1:
0x0: {  	(tag) =	ssettag $0x1  }
0x1: {  	s0 =	srdreg.scid  }
0x2: {  	s1 =	sand.u32 $0x1, s0  }
0x3: {  	s3 =	simm.s32 $0x210;
	p0 =	seq.s32 s1, $0x0  }
0x4: {  	s3 =	simm.s32 @!p0 $0x1D8  }
0x5: {  	s2 =	rddreg [dreg:$0x0];
	s16 =	stileid.u32;
	s4 =	sshrl.u32 s3, $0x4  }
0x6: {  	s5 =	simm.s32 $0x0;
	s19 =	ssub.s32 $0x0, s1;
	s6 =	smul.u32 s16, s4  }
0x7: {  	[smem:$0x7FF] =	sst s5;
	s5 =	sand.u32 $0x210, s19;
	s3 =	sand.u32 $0x8, s3  }
0x8: {  	s8 =	smul.u32 $0x13C00, s16;
	s20 =	smin.u32 s16, s3;
	s5 =	sadd.s32 s5, s6  }
0x9: {  	s29 =	rddreg [dreg:$0x2];
	s7 =	smul.u32 $0x13C000, s1;
	s5 =	sadd.s32 s20, s5  }
0xa: {  	s0 =	rddreg [dreg:$0x1];
	s21 =	smul.u32 $0x140, s5  }
0xb: {  	s9 =	sadd.s32 $0x1800, s0;
	s10 =	sadd.s32 $0x15200, s0;
	s1 =	ssub.s32 $0x2, s1  }
0xc: {  	s22 =	sshrl.u32 s1, $0x1;
	s6 =	sadd.s32 s8, s7;
	s7 =	sshrl.u32 s21, $0x3  }
0xd: {  	s1 =	ssub.s32 s1, s22;
	s23 =	sadd.s32 s2, s7;
	s24 =	sadd.s32 $0x9C40, s7  }
0xe: {  	s26 =	sadd.s32 $0xA, s7;
	[dreg:$0x4] =	wrdreg s23;
	s25 =	sadd.s32 s2, s24  }
0xf: {  	s11 =	sadd.s32 $0x9C4A, s7;
	s12 =	sadd.s32 s2, s26;
	[dreg:$0x5] =	wrdreg s25  }
0x10: {  	p0 =	slt.u32 s16, s3;
	s17 =	sadd.s32 s2, s11;
	[dreg:$0x6] =	wrdreg s12  }
0x11: {  	s3 =	simm.s32 $0x1;
	s19 =	sadd.s32 s9, s24;
	[dreg:$0x7] =	wrdreg s17  }
0x12: {  	s3 =	simm.s32 @!p0 $0x0;
	s20 =	sadd.s32 s9, s26;
	[dreg:$0x9] =	wrdreg s19  }
0x13: {  	s3 =	sadd.s32 s3, s4;
	s21 =	sadd.s32 s9, s11;
	[dreg:$0xa] =	wrdreg s20  }
0x14: {  	s18 =	sadd.s32 $0x14, s7;
	s4 =	sadd.s32 s10, s24;
	[dreg:$0xb] =	wrdreg s21  }
0x15: {  	s13 =	sadd.s32 $0x9C54, s7;
	s22 =	sadd.s32 s10, s26;
	[dreg:$0xd] =	wrdreg s4  }
0x16: {  	s14 =	sadd.s32 $0x1E, s7;
	s23 =	sadd.s32 s10, s11;
	[dreg:$0xe] =	wrdreg s22  }
0x17: {  	s15 =	sadd.s32 $0x9C5E, s7;
	s24 =	sadd.s32 s2, s18;
	[dreg:$0xf] =	wrdreg s23  }
0x18: {  	s26 =	sadd.s32 s10, s18;
	s8 =	sadd.s32 s9, s13;
	[dreg:$0x10] =	wrdreg s24  }
0x19: {  	s11 =	sadd.s32 s10, s13;
	s17 =	sadd.s32 s9, s7;
	[dreg:$0x12] =	wrdreg s26  }
0x1a: {  	s7 =	sadd.s32 s10, s7;
	s25 =	sadd.s32 s9, s18;
	[dreg:$0x14] =	wrdreg s8  }
0x1b: {  	[dreg:$0x15] =	wrdreg s11;
	s12 =	sadd.s32 s2, s14;
	s18 =	sadd.s32 s2, s15  }
0x1c: {  	s19 =	sadd.s32 s9, s15;
	s20 =	sadd.s32 s10, s15;
	[dreg:$0x8] =	wrdreg s17  }
0x1d: {  	s21 =	smul.u32 $0x4F000, s16;
	s22 =	sshrl.u32 s6, $0x3;
	[dreg:$0xc] =	wrdreg s7  }
0x1e: {  	s23 =	sshll.u32 s16, $0x6;
	s24 =	sadd.s32 $0x9E000, s0;
	[dreg:$0x11] =	wrdreg s25  }
0x1f: {  	s4 =	sadd.s32 $0x4FD00, s0;
	s26 =	smax.u32 s1, $0x1;
	[dreg:$0x16] =	wrdreg s12  }
0x20: {  	s8 =	sshll.u32 s3, $0x2;
	s1 =	simm.s32 $0x0;
	[dreg:$0x19] =	wrdreg s18  }
0x21: {  	s7 =	sadd.s32 s2, s13;
	s13 =	sadd.s32 s9, s14;
	[dreg:$0x1a] =	wrdreg s19  }
0x22: {  	s14 =	sadd.s32 s10, s14;
	s17 =	smul.u32 $0x28, s5;
	[dreg:$0x1b] =	wrdreg s20  }
0x23: {  	s6 =	sadd.s32 s22, s0;
	s5 =	sadd.s32 $0x76E00, s0;
	[dreg:$0x13] =	wrdreg s7  }
0x24: {  	s11 =	sadd.s32 $0xFFFFFFFD, s8;
	s12 =	simm.s32 $0x9;
	[dreg:$0x17] =	wrdreg s13  }
0x25: {  	s19 =	simm.s32 $0x80;
	s22 =	simm.s32 $0x400;
	[dreg:$0x18] =	wrdreg s14  }
0x26: {  	s7 =	sor.u32 $0x1C09, s23;
	s25 =	sadd.s32 $0xA0800, s6;
	s13 =	simm.s32 $0x200  }
0x27: {  	s23 =	simm.s32 $0x280;
	_ =	strace $0x80000047;
	[dreg:$0x1e] =	wrdreg s24  }
0x28: {  	s28 =	sadd.s32 s17, s2;
	s30 =	sadd.s32 s17, s9;
	[dreg:$0x1f] =	wrdreg s25  }
0x29: {  	s31 =	sadd.s32 s17, s10;
	s2 =	sshrl.u32 s21, $0x2;
	[smem:$0x7FD] =	sst s26  }
0x2a: {  	s9 =	smul.u32 $0x28, s3;
	s10 =	simm.s32 $0x1;
	s24 =	simm.s32 $0x100  }
0x2b: {  	s26 =	simm.s32 $0x300;
	[dreg:$0x1d] =	wrdreg s7;
	s2 =	sadd.s32 s2, s29  }
0x2c: {  	s21 =	simm.s32 $0x50;
	[dreg:$0x1c] =	wrdreg s2;
	s2 =	sadd.s32 $0x28C00, s0  }
.LBB2_1:
0x2d: {  	[smem:$0x7FB] =	sst s1  }
0x2e: {  	s0 =	rddreg [dreg:$0x1c]  }
0x2f: {  	s16 =	rddreg [dreg:$0x1e];
	s15 =	sshrl.u32 s0, $0x3  }
0x30: {  	[smem:$0x7FC] =	sst s15  }
0x31: {  	[spmem:s15], [sflag:s7] =	dma.local [hbm:s16], $0x2780  }
0x32: {  	_ =	swait.ge [sflag:s12], $0x2780  }
0x33: {  	[sflag:s12] =	ssyncset.done $0x0  }
0x34: {  	[sflag:s12] =	ssyncadd.s32 $0xFFFFD880  }
0x35: {  	[bflag:$0x0] =	sbarrier.arrive $0xFFFF  }
0x36: {  	s0 =	simm.s32 $0x0;
	s17 =	rddreg [dreg:$0x4]  }
0x37: {  	[tilespmem:s0], [sflag:$0x5] =	stream.linear.gather [hbm4b:s17+s0], $0x50, $0x38;
	[tilespmem:$0x1E000] =	vst v63  }
0x38: {  	s18 =	rddreg [dreg:$0x5]  }
0x39: {  	[tilespmem:s13], [sflag:$0x5] =	stream.linear.gather [hbm4b:s18+s0], $0x50, $0x38;
	[tilespmem:$0x1E000] =	vst v63  }
0x3a: {  	s20 =	rddreg [dreg:$0x6]  }
0x3b: {  	[tilespmem:s19], [sflag:$0x6] =	stream.linear.gather [hbm4b:s20+s0], $0x50, $0x38;
	[tilespmem:$0x1E000] =	vst v63  }
0x3c: {  	s25 =	rddreg [dreg:$0x7]  }
0x3d: {  	[tilespmem:s23], [sflag:$0x6] =	stream.linear.gather [hbm4b:s25+s0], $0x50, $0x38;
	[tilespmem:$0x1E000] =	vst v63  }
0x3e: {  	s3 =	rddreg [dreg:$0x10]  }
0x3f: {  	[tilespmem:s24], [sflag:$0x7] =	stream.linear.gather [hbm4b:s3+s0], $0x50, $0x38;
	[tilespmem:$0x1E000] =	vst v63  }
0x40: {  	s6 =	rddreg [dreg:$0x13]  }
0x41: {  	[tilespmem:s26], [sflag:$0x7] =	stream.linear.gather [hbm4b:s6+s0], $0x50, $0x38;
	[tilespmem:$0x1E000] =	vst v63  }
0x42: {  	s7 =	rddreg [dreg:$0x16];
	s3 =	simm.s32 $0x180  }
0x43: {  	[tilespmem:s3], [sflag:$0x8] =	stream.linear.gather [hbm4b:s7+s0], $0x50, $0x38;
	[tilespmem:$0x1E000] =	vst v63  }
0x44: {  	s15 =	simm.s32 $0x380;
	s16 =	simm.s32 $0x5;
	s14 =	rddreg [dreg:$0x19]  }
0x45: {  	[tilespmem:s15], [sflag:$0x8] =	stream.linear.gather [hbm4b:s14+s0], $0x50, $0x38;
	[tilespmem:$0x1E000] =	vst v63  }
0x46: {  	_ =	swait.ge [sflag:s16], $0x50  }
0x47: {  	[sflag:s16] =	ssyncset.done $0x0  }
0x48: {  	[sflag:s16] =	ssyncadd.s32 $0xFFFFFFB0  }
0x49: {  	_ =	swait.ge [sflag:s16], $0x50  }
0x4a: {  	[sflag:s16] =	ssyncset.done $0x0  }
0x4b: {  	s17 =	simm.s32 $0x6;
	[sflag:s16] =	ssyncadd.s32 $0xFFFFFFB0  }
0x4c: {  	[tilespmem:s22], [sflag:$0x1] =	stream.indirect.gather [hbm4b:s2+s21], $0x80, s0, s21, $0xb8;
	[tilespmem:$0x1E000] =	vst v63  }
0x4d: {  	_ =	swait.ge [sflag:s17], $0x50  }
0x4e: {  	[sflag:s17] =	ssyncset.done $0x0  }
0x4f: {  	[sflag:s17] =	ssyncadd.s32 $0xFFFFFFB0  }
0x50: {  	_ =	swait.ge [sflag:s17], $0x50  }
0x51: {  	[sflag:s17] =	ssyncset.done $0x0  }
0x52: {  	s18 =	simm.s32 $0x2C00;
	s20 =	simm.s32 $0x7;
	[sflag:s17] =	ssyncadd.s32 $0xFFFFFFB0  }
0x53: {  	[tilespmem:s18], [sflag:$0x2] =	stream.indirect.gather [hbm4b:s2+s21], $0x80, s19, s21, $0xb8;
	[tilespmem:$0x1E000] =	vst v63  }
0x54: {  	_ =	swait.ge [sflag:s20], $0x50  }
0x55: {  	[sflag:s20] =	ssyncset.done $0x0  }
0x56: {  	[sflag:s20] =	ssyncadd.s32 $0xFFFFFFB0  }
0x57: {  	_ =	swait.ge [sflag:s20], $0x50  }
0x58: {  	[sflag:s20] =	ssyncset.done $0x0  }
0x59: {  	s25 =	simm.s32 $0x5400;
	[sflag:s20] =	ssyncadd.s32 $0xFFFFFFB0  }
0x5a: {  	[tilespmem:s25], [sflag:$0x3] =	stream.indirect.gather [hbm4b:s2+s21], $0x80, s24, s21, $0xb8;
	[tilespmem:$0x1E000] =	vst v63  }
0x5b: {  	_ =	swait.ge [sflag:s10], $0x2800  }
0x5c: {  	[sflag:s10] =	ssyncset.done $0x0  }
0x5d: {  	[sflag:s10] =	ssyncadd.s32 $0xFFFFD800  }
0x5e: {  	[spmem:s29] =	stream.indirect.scatter.add.f32 [tilespmem:s22], [sflag:$0x9], $0x80, s13, s21, $0xb8;
	[tilespmem:$0x1E000] =	vst v63  }
0x5f: {  	_ =	swait.ge [sflag:s12], $0x2800  }
0x60: {  	p1 =	sle.u32 s11, $0x0;
	[sflag:s12] =	ssyncset.done $0x0  }
0x61: {  	s0 =	simm.s32 @!p1 $0x8;
	[sflag:s12] =	ssyncadd.s32 $0xFFFFD800  }
0x62: {  	_ =	swait.ge @!p1 [sflag:s0], $0x50  }
0x63: {  	[sflag:s0] =	ssyncset.done @!p1 $0x0  }
0x64: {  	[sflag:s0] =	ssyncadd.s32 @!p1 $0xFFFFFFB0  }
0x65: {  	p0 =	sle.u32 s8, $0x4;
	_ =	swait.ge @!p1 [sflag:s0], $0x50  }
0x66: {  	s1 =	simm.s32 @!p1 $0x180;
	s6 =	simm.s32 @!p1 $0x50;
	[sflag:s0] =	ssyncset.done @!p1 $0x0  }
0x67: {  	s3 =	simm.s32 @!p1 $0x7C00;
	[sflag:s0] =	ssyncadd.s32 @!p1 $0xFFFFFFB0;
	s0 =	simm.s32 @p0 $0x2  }
0x68: {  	[tilespmem:s3], [sflag:$0x4] =	stream.indirect.gather @!p1 [hbm4b:s2+s6], $0x80, s1, s6, $0xb8;
	[tilespmem:$0x1E000] =	vst v63  }
0x69: {  	_ =	swait.ge @p0 [sflag:s0], $0x2800  }
0x6a: {  	s1 =	simm.s32 @p0 $0x2C00;
	s3 =	simm.s32 @p0 $0x50;
	[sflag:s0] =	ssyncset.done @p0 $0x0  }
0x6b: {  	s6 =	simm.s32 @p0 $0x280;
	[sflag:s0] =	ssyncadd.s32 @p0 $0xFFFFD800;
	s0 =	simm.s32 @p0 $0x9  }
0x6c: {  	[spmem:s29] =	stream.indirect.scatter.add.f32 @p0 [tilespmem:s1], [sflag:$0x9], $0x80, s6, s3, $0xb8;
	[tilespmem:$0x1E000] =	vst v63  }
0x6d: {  	_ =	swait.ge @p0 [sflag:s0], $0x2800  }
0x6e: {  	s1 =	sadd.s32 @!p0 $0x0, s28;
	[sflag:s0] =	ssyncset.done @p0 $0x0  }
0x6f: {  	s6 =	simm.s32 @!p0 $0x0;
	s3 =	sadd.s32 @!p0 $0x28, s1;
	[sflag:s0] =	ssyncadd.s32 @p0 $0xFFFFD800  }
0x70: {  	[tilespmem:s6], [sflag:$0x5] =	stream.linear.gather @!p0 [hbm4b:s3+s6], $0x50, $0x38;
	[tilespmem:$0x1E000] =	vst v63  }
0x71: {  	s0 =	sadd.s32 @!p0 $0x9C68, s1;
	s1 =	simm.s32 @!p0 $0x200;
	s3 =	simm.s32 @!p0 $0x2  }
0x72: {  	[tilespmem:s1], [sflag:$0x5] =	stream.linear.gather @!p0 [hbm4b:s0+s6], $0x50, $0x38;
	[tilespmem:$0x1E000] =	vst v63  }
0x73: {  	_ =	swait.ge @!p0 [sflag:s3], $0x2800  }
0x74: {  	s7 =	simm.s32 @!p0 $0x280;
	s0 =	simm.s32 @!p0 $0x2C00;
	[sflag:s3] =	ssyncset.done @!p0 $0x0  }
0x75: {  	s1 =	simm.s32 @!p0 $0x50;
	[sflag:s3] =	ssyncadd.s32 @!p0 $0xFFFFD800;
	s3 =	simm.s32 @!p0 $0x9  }
0x76: {  	[spmem:s29] =	stream.indirect.scatter.add.f32 @!p0 [tilespmem:s0], [sflag:$0x9], $0x80, s7, s1, $0xb8;
	[tilespmem:$0x1E000] =	vst v63  }
0x77: {  	_ =	swait.ge @!p0 [sflag:s3], $0x2800  }
0x78: {  	[sflag:s3] =	ssyncset.done @!p0 $0x0  }
0x79: {  	s0 =	simm.s32 @!p0 $0x5;
	[sflag:s3] =	ssyncadd.s32 @!p0 $0xFFFFD800  }
0x7a: {  	_ =	swait.ge @!p0 [sflag:s0], $0x50  }
0x7b: {  	[sflag:s0] =	ssyncset.done @!p0 $0x0  }
0x7c: {  	[sflag:s0] =	ssyncadd.s32 @!p0 $0xFFFFFFB0  }
0x7d: {  	_ =	swait.ge @!p0 [sflag:s0], $0x50  }
0x7e: {  	p1 =	sle.u32 s8, $0x5;
	[sflag:s0] =	ssyncset.done @!p0 $0x0  }
0x7f: {  	s3 =	simm.s32 @!p0 $0x400;
	[sflag:s0] =	ssyncadd.s32 @!p0 $0xFFFFFFB0;
	s0 =	simm.s32 @p1 $0x3  }
0x80: {  	[tilespmem:s3], [sflag:$0x1] =	stream.indirect.gather @!p0 [hbm4b:s2+s1], $0x80, s6, s1, $0xb8;
	[tilespmem:$0x1E000] =	vst v63  }
0x81: {  	_ =	swait.ge @p1 [sflag:s0], $0x2800  }
0x82: {  	s1 =	simm.s32 @p1 $0x5400;
	s3 =	simm.s32 @p1 $0x50;
	[sflag:s0] =	ssyncset.done @p1 $0x0  }
0x83: {  	s6 =	simm.s32 @p1 $0x300;
	[sflag:s0] =	ssyncadd.s32 @p1 $0xFFFFD800;
	s0 =	simm.s32 @p1 $0x9  }
0x84: {  	[spmem:s29] =	stream.indirect.scatter.add.f32 @p1 [tilespmem:s1], [sflag:$0x9], $0x80, s6, s3, $0xb8;
	[tilespmem:$0x1E000] =	vst v63  }
0x85: {  	_ =	swait.ge @p1 [sflag:s0], $0x2800  }
0x86: {  	s7 =	simm.s32 @!p1 $0x80;
	s1 =	sadd.s32 @!p1 $0x0, s28;
	[sflag:s0] =	ssyncset.done @p1 $0x0  }
0x87: {  	s6 =	simm.s32 @!p1 $0x0;
	s3 =	sadd.s32 @!p1 $0x32, s1;
	[sflag:s0] =	ssyncadd.s32 @p1 $0xFFFFD800  }
0x88: {  	[tilespmem:s7], [sflag:$0x6] =	stream.linear.gather @!p1 [hbm4b:s3+s6], $0x50, $0x38;
	[tilespmem:$0x1E000] =	vst v63  }
0x89: {  	s0 =	sadd.s32 @!p1 $0x9C72, s1;
	s1 =	simm.s32 @!p1 $0x280;
	s3 =	simm.s32 @!p1 $0x3  }
0x8a: {  	[tilespmem:s1], [sflag:$0x6] =	stream.linear.gather @!p1 [hbm4b:s0+s6], $0x50, $0x38;
	[tilespmem:$0x1E000] =	vst v63  }
0x8b: {  	_ =	swait.ge @!p1 [sflag:s3], $0x2800  }
0x8c: {  	s0 =	simm.s32 @!p1 $0x5400;
	s1 =	simm.s32 @!p1 $0x50;
	[sflag:s3] =	ssyncset.done @!p1 $0x0  }
0x8d: {  	s6 =	simm.s32 @!p1 $0x300;
	[sflag:s3] =	ssyncadd.s32 @!p1 $0xFFFFD800;
	s3 =	simm.s32 @!p1 $0x9  }
0x8e: {  	[spmem:s29] =	stream.indirect.scatter.add.f32 @!p1 [tilespmem:s0], [sflag:$0x9], $0x80, s6, s1, $0xb8;
	[tilespmem:$0x1E000] =	vst v63  }
0x8f: {  	_ =	swait.ge @!p1 [sflag:s3], $0x2800  }
0x90: {  	[sflag:s3] =	ssyncset.done @!p1 $0x0  }
0x91: {  	s0 =	simm.s32 @!p1 $0x6;
	[sflag:s3] =	ssyncadd.s32 @!p1 $0xFFFFD800  }
0x92: {  	_ =	swait.ge @!p1 [sflag:s0], $0x50  }
0x93: {  	[sflag:s0] =	ssyncset.done @!p1 $0x0  }
0x94: {  	[sflag:s0] =	ssyncadd.s32 @!p1 $0xFFFFFFB0  }
0x95: {  	_ =	swait.ge @!p1 [sflag:s0], $0x50  }
0x96: {  	p0 =	sle.u32 s8, $0x6;
	[sflag:s0] =	ssyncset.done @!p1 $0x0  }
0x97: {  	s3 =	simm.s32 @!p1 $0x2C00;
	[sflag:s0] =	ssyncadd.s32 @!p1 $0xFFFFFFB0;
	s0 =	simm.s32 @p0 $0x4  }
0x98: {  	[tilespmem:s3], [sflag:$0x2] =	stream.indirect.gather @!p1 [hbm4b:s2+s1], $0x80, s7, s1, $0xb8;
	[tilespmem:$0x1E000] =	vst v63  }
0x99: {  	_ =	swait.ge @p0 [sflag:s0], $0x2800  }
0x9a: {  	s6 =	simm.s32 @p0 $0x380;
	s1 =	simm.s32 @p0 $0x7C00;
	[sflag:s0] =	ssyncset.done @p0 $0x0  }
0x9b: {  	s3 =	simm.s32 @p0 $0x50;
	[sflag:s0] =	ssyncadd.s32 @p0 $0xFFFFD800;
	s0 =	simm.s32 @p0 $0x9  }
0x9c: {  	[spmem:s29] =	stream.indirect.scatter.add.f32 @p0 [tilespmem:s1], [sflag:$0x9], $0x80, s6, s3, $0xb8;
	[tilespmem:$0x1E000] =	vst v63  }
0x9d: {  	_ =	swait.ge @p0 [sflag:s0], $0x2800  }
0x9e: {  	s7 =	simm.s32 @!p0 $0x100;
	s1 =	sadd.s32 @!p0 $0x0, s28;
	[sflag:s0] =	ssyncset.done @p0 $0x0  }
0x9f: {  	s6 =	simm.s32 @!p0 $0x0;
	s3 =	sadd.s32 @!p0 $0x3C, s1;
	[sflag:s0] =	ssyncadd.s32 @p0 $0xFFFFD800  }
0xa0: {  	[tilespmem:s7], [sflag:$0x7] =	stream.linear.gather @!p0 [hbm4b:s3+s6], $0x50, $0x38;
	[tilespmem:$0x1E000] =	vst v63  }
0xa1: {  	s0 =	sadd.s32 @!p0 $0x9C7C, s1;
	s1 =	simm.s32 @!p0 $0x300;
	s3 =	simm.s32 @!p0 $0x4  }
0xa2: {  	[tilespmem:s1], [sflag:$0x7] =	stream.linear.gather @!p0 [hbm4b:s0+s6], $0x50, $0x38;
	[tilespmem:$0x1E000] =	vst v63  }
0xa3: {  	_ =	swait.ge @!p0 [sflag:s3], $0x2800  }
0xa4: {  	s0 =	simm.s32 @!p0 $0x7C00;
	s1 =	simm.s32 @!p0 $0x50;
	[sflag:s3] =	ssyncset.done @!p0 $0x0  }
0xa5: {  	s6 =	simm.s32 @!p0 $0x380;
	[sflag:s3] =	ssyncadd.s32 @!p0 $0xFFFFD800;
	s3 =	simm.s32 @!p0 $0x9  }
0xa6: {  	[spmem:s29] =	stream.indirect.scatter.add.f32 @!p0 [tilespmem:s0], [sflag:$0x9], $0x80, s6, s1, $0xb8;
	[tilespmem:$0x1E000] =	vst v63  }
0xa7: {  	_ =	swait.ge @!p0 [sflag:s3], $0x2800  }
0xa8: {  	[sflag:s3] =	ssyncset.done @!p0 $0x0  }
0xa9: {  	s6 =	simm.s32 @!p0 $0x7;
	[sflag:s3] =	ssyncadd.s32 @!p0 $0xFFFFD800  }
0xaa: {  	_ =	swait.ge @!p0 [sflag:s6], $0x50  }
0xab: {  	[sflag:s6] =	ssyncset.done @!p0 $0x0  }
0xac: {  	[sflag:s6] =	ssyncadd.s32 @!p0 $0xFFFFFFB0  }
0xad: {  	p2 =	sle.u32 s8, $0x7;
	p1 =	sne.s32 s9, $0x28;
	_ =	swait.ge @!p0 [sflag:s6], $0x50  }
.Ltmp0:
0xae: {  	s15 =	sadd.s32 @!p2 $0x0, s28;
	[sflag:s6] =	ssyncset.done @!p0 $0x0;
	(pc) =	sbr.rel @!p1 .LBB2_3-.Ltmp0, $4  }
0xaf: {  	s14 =	simm.s32 @!p2 $0x0;
	s3 =	simm.s32 @!p0 $0x5400;
	[sflag:s6] =	ssyncadd.s32 @!p0 $0xFFFFFFB0  }
0xb0: {  	[tilespmem:s3], [sflag:$0x3] =	stream.indirect.gather @!p0 [hbm4b:s2+s1], $0x80, s7, s1, $0xb8;
	[tilespmem:$0x1E000] =	vst v63  }
0xb1: {  	s0 =	simm.s32 $0x28;
	s6 =	simm.s32 @!p2 $0x180;
	s1 =	simm.s32 $0x4  }
0xb2: {  	s7 =	simm.s32 @!p2 $0x380;
	s3 =	sadd.s32 @!p2 $0x46, s15;
	s15 =	sadd.s32 @!p2 $0x9C86, s15  }
.LBB2_2:
0xb3: {  	[tilespmem:s6], [sflag:$0x8] =	stream.linear.gather @!p2 [hbm4b:s3+s14], $0x50, $0x38;
	[tilespmem:$0x1E000] =	vst v63  }
0xb4: {  	s3 =	smov.u32 s0;
	s0 =	sadd.s32 $0x28, s0;
	s6 =	smov.u32 s1  }
0xb5: {  	[tilespmem:s7], [sflag:$0x8] =	stream.linear.gather @!p2 [hbm4b:s15+s14], $0x50, $0x38;
	[tilespmem:$0x1E000] =	vst v63  }
0xb6: {  	p0 =	sne.s32 s9, s0;
	_ =	swait.ge [sflag:s10], $0x2800  }
0xb7: {  	[sflag:s10] =	ssyncset.done $0x0  }
0xb8: {  	[sflag:s10] =	ssyncadd.s32 $0xFFFFD800  }
0xb9: {  	[spmem:s29] =	stream.indirect.scatter.add.f32 [tilespmem:s22], [sflag:$0x9], $0x80, s13, s21, $0xb8;
	[tilespmem:$0x1E000] =	vst v63  }
0xba: {  	p2 =	sge.u32 s1, s11;
	_ =	swait.ge [sflag:s12], $0x2800  }
0xbb: {  	s7 =	simm.s32 @!p2 $0x8;
	[sflag:s12] =	ssyncset.done $0x0  }
0xbc: {  	[sflag:s12] =	ssyncadd.s32 $0xFFFFD800  }
0xbd: {  	_ =	swait.ge @!p2 [sflag:s7], $0x50  }
0xbe: {  	[sflag:s7] =	ssyncset.done @!p2 $0x0  }
0xbf: {  	s14 =	simm.s32 @!p2 $0x180;
	[sflag:s7] =	ssyncadd.s32 @!p2 $0xFFFFFFB0  }
0xc0: {  	s1 =	sadd.s32 $0x4, s1;
	s15 =	simm.s32 @!p2 $0x7C00;
	_ =	swait.ge @!p2 [sflag:s7], $0x50  }
0xc1: {  	s16 =	simm.s32 @!p2 $0x50;
	p1 =	sge.u32 s1, s8;
	[sflag:s7] =	ssyncset.done @!p2 $0x0  }
0xc2: {  	s17 =	sadd.s32 @!p1 s3, s28;
	[sflag:s7] =	ssyncadd.s32 @!p2 $0xFFFFFFB0;
	s7 =	simm.s32 @p1 $0x2  }
0xc3: {  	[tilespmem:s15], [sflag:$0x4] =	stream.indirect.gather @!p2 [hbm4b:s2+s16], $0x80, s14, s16, $0xb8;
	[tilespmem:$0x1E000] =	vst v63  }
0xc4: {  	s14 =	simm.s32 @p1 $0x2C00;
	s15 =	sadd.s32 @!p1 $0x28, s17;
	_ =	swait.ge @p1 [sflag:s7], $0x2800  }
0xc5: {  	s18 =	simm.s32 @p1 $0x280;
	s16 =	simm.s32 @p1 $0x50;
	[sflag:s7] =	ssyncset.done @p1 $0x0  }
0xc6: {  	s17 =	sadd.s32 @!p1 $0x9C68, s17;
	[sflag:s7] =	ssyncadd.s32 @p1 $0xFFFFD800;
	s7 =	simm.s32 @p1 $0x9  }
0xc7: {  	[spmem:s29] =	stream.indirect.scatter.add.f32 @p1 [tilespmem:s14], [sflag:$0x9], $0x80, s18, s16, $0xb8;
	[tilespmem:$0x1E000] =	vst v63  }
0xc8: {  	_ =	swait.ge @p1 [sflag:s7], $0x2800  }
0xc9: {  	s14 =	simm.s32 @!p1 $0x0;
	[sflag:s7] =	ssyncset.done @p1 $0x0  }
0xca: {  	[sflag:s7] =	ssyncadd.s32 @p1 $0xFFFFD800;
	s7 =	simm.s32 @!p1 $0x200  }
0xcb: {  	[tilespmem:s14], [sflag:$0x5] =	stream.linear.gather @!p1 [hbm4b:s15+s14], $0x50, $0x38;
	[tilespmem:$0x1E000] =	vst v63  }
0xcc: {  	s15 =	simm.s32 @!p1 $0x2  }
0xcd: {  	[tilespmem:s7], [sflag:$0x5] =	stream.linear.gather @!p1 [hbm4b:s17+s14], $0x50, $0x38;
	[tilespmem:$0x1E000] =	vst v63  }
0xce: {  	s7 =	simm.s32 @!p1 $0x2C00;
	_ =	swait.ge @!p1 [sflag:s15], $0x2800  }
0xcf: {  	s16 =	simm.s32 @!p1 $0x50;
	s17 =	simm.s32 @!p1 $0x280;
	[sflag:s15] =	ssyncset.done @!p1 $0x0  }
0xd0: {  	[sflag:s15] =	ssyncadd.s32 @!p1 $0xFFFFD800;
	s15 =	simm.s32 @!p1 $0x9  }
0xd1: {  	[spmem:s29] =	stream.indirect.scatter.add.f32 @!p1 [tilespmem:s7], [sflag:$0x9], $0x80, s17, s16, $0xb8;
	[tilespmem:$0x1E000] =	vst v63  }
0xd2: {  	_ =	swait.ge @!p1 [sflag:s15], $0x2800  }
0xd3: {  	s7 =	simm.s32 @!p1 $0x5;
	[sflag:s15] =	ssyncset.done @!p1 $0x0  }
0xd4: {  	[sflag:s15] =	ssyncadd.s32 @!p1 $0xFFFFD800  }
0xd5: {  	_ =	swait.ge @!p1 [sflag:s7], $0x50  }
0xd6: {  	[sflag:s7] =	ssyncset.done @!p1 $0x0  }
0xd7: {  	[sflag:s7] =	ssyncadd.s32 @!p1 $0xFFFFFFB0  }
0xd8: {  	s15 =	sadd.s32 $0x5, s6;
	_ =	swait.ge @!p1 [sflag:s7], $0x50  }
0xd9: {  	s17 =	simm.s32 @!p1 $0x400;
	p2 =	sge.u32 s15, s8;
	[sflag:s7] =	ssyncset.done @!p1 $0x0  }
0xda: {  	s15 =	sadd.s32 @!p2 s3, s28;
	[sflag:s7] =	ssyncadd.s32 @!p1 $0xFFFFFFB0;
	s7 =	simm.s32 @p2 $0x3  }
0xdb: {  	[tilespmem:s17], [sflag:$0x1] =	stream.indirect.gather @!p1 [hbm4b:s2+s16], $0x80, s14, s16, $0xb8;
	[tilespmem:$0x1E000] =	vst v63  }
0xdc: {  	s14 =	simm.s32 @p2 $0x5400;
	s16 =	sadd.s32 @!p2 $0x32, s15;
	_ =	swait.ge @p2 [sflag:s7], $0x2800  }
0xdd: {  	s18 =	simm.s32 @p2 $0x300;
	s17 =	simm.s32 @p2 $0x50;
	[sflag:s7] =	ssyncset.done @p2 $0x0  }
0xde: {  	s15 =	sadd.s32 @!p2 $0x9C72, s15;
	[sflag:s7] =	ssyncadd.s32 @p2 $0xFFFFD800;
	s7 =	simm.s32 @p2 $0x9  }
0xdf: {  	[spmem:s29] =	stream.indirect.scatter.add.f32 @p2 [tilespmem:s14], [sflag:$0x9], $0x80, s18, s17, $0xb8;
	[tilespmem:$0x1E000] =	vst v63  }
0xe0: {  	_ =	swait.ge @p2 [sflag:s7], $0x2800  }
0xe1: {  	s14 =	simm.s32 @!p2 $0x0;
	s17 =	simm.s32 @!p2 $0x80;
	[sflag:s7] =	ssyncset.done @p2 $0x0  }
0xe2: {  	[sflag:s7] =	ssyncadd.s32 @p2 $0xFFFFD800;
	s7 =	simm.s32 @!p2 $0x280  }
0xe3: {  	[tilespmem:s17], [sflag:$0x6] =	stream.linear.gather @!p2 [hbm4b:s16+s14], $0x50, $0x38;
	[tilespmem:$0x1E000] =	vst v63  }
0xe4: {  	s16 =	simm.s32 @!p2 $0x3  }
0xe5: {  	[tilespmem:s7], [sflag:$0x6] =	stream.linear.gather @!p2 [hbm4b:s15+s14], $0x50, $0x38;
	[tilespmem:$0x1E000] =	vst v63  }
0xe6: {  	s7 =	simm.s32 @!p2 $0x5400;
	_ =	swait.ge @!p2 [sflag:s16], $0x2800  }
0xe7: {  	s14 =	simm.s32 @!p2 $0x50;
	s15 =	simm.s32 @!p2 $0x300;
	[sflag:s16] =	ssyncset.done @!p2 $0x0  }
0xe8: {  	[sflag:s16] =	ssyncadd.s32 @!p2 $0xFFFFD800;
	s16 =	simm.s32 @!p2 $0x9  }
0xe9: {  	[spmem:s29] =	stream.indirect.scatter.add.f32 @!p2 [tilespmem:s7], [sflag:$0x9], $0x80, s15, s14, $0xb8;
	[tilespmem:$0x1E000] =	vst v63  }
0xea: {  	_ =	swait.ge @!p2 [sflag:s16], $0x2800  }
0xeb: {  	s7 =	simm.s32 @!p2 $0x6;
	[sflag:s16] =	ssyncset.done @!p2 $0x0  }
0xec: {  	[sflag:s16] =	ssyncadd.s32 @!p2 $0xFFFFD800  }
0xed: {  	_ =	swait.ge @!p2 [sflag:s7], $0x50  }
0xee: {  	[sflag:s7] =	ssyncset.done @!p2 $0x0  }
0xef: {  	[sflag:s7] =	ssyncadd.s32 @!p2 $0xFFFFFFB0  }
0xf0: {  	s15 =	sadd.s32 $0x6, s6;
	_ =	swait.ge @!p2 [sflag:s7], $0x50  }
0xf1: {  	p1 =	sge.u32 s15, s8;
	s16 =	simm.s32 @!p2 $0x2C00;
	[sflag:s7] =	ssyncset.done @!p2 $0x0  }
0xf2: {  	s15 =	sadd.s32 @!p1 s3, s28;
	[sflag:s7] =	ssyncadd.s32 @!p2 $0xFFFFFFB0;
	s7 =	simm.s32 @p1 $0x4  }
0xf3: {  	[tilespmem:s16], [sflag:$0x2] =	stream.indirect.gather @!p2 [hbm4b:s2+s14], $0x80, s17, s14, $0xb8;
	[tilespmem:$0x1E000] =	vst v63  }
0xf4: {  	s14 =	simm.s32 @p1 $0x7C00;
	s16 =	sadd.s32 @!p1 $0x3C, s15;
	_ =	swait.ge @p1 [sflag:s7], $0x2800  }
0xf5: {  	s18 =	simm.s32 @p1 $0x380;
	s17 =	simm.s32 @p1 $0x50;
	[sflag:s7] =	ssyncset.done @p1 $0x0  }
0xf6: {  	s15 =	sadd.s32 @!p1 $0x9C7C, s15;
	[sflag:s7] =	ssyncadd.s32 @p1 $0xFFFFD800;
	s7 =	simm.s32 @p1 $0x9  }
0xf7: {  	[spmem:s29] =	stream.indirect.scatter.add.f32 @p1 [tilespmem:s14], [sflag:$0x9], $0x80, s18, s17, $0xb8;
	[tilespmem:$0x1E000] =	vst v63  }
0xf8: {  	_ =	swait.ge @p1 [sflag:s7], $0x2800  }
0xf9: {  	s14 =	simm.s32 @!p1 $0x0;
	s17 =	simm.s32 @!p1 $0x100;
	[sflag:s7] =	ssyncset.done @p1 $0x0  }
0xfa: {  	[sflag:s7] =	ssyncadd.s32 @p1 $0xFFFFD800;
	s7 =	simm.s32 @!p1 $0x300  }
0xfb: {  	[tilespmem:s17], [sflag:$0x7] =	stream.linear.gather @!p1 [hbm4b:s16+s14], $0x50, $0x38;
	[tilespmem:$0x1E000] =	vst v63  }
0xfc: {  	s16 =	simm.s32 @!p1 $0x4  }
0xfd: {  	[tilespmem:s7], [sflag:$0x7] =	stream.linear.gather @!p1 [hbm4b:s15+s14], $0x50, $0x38;
	[tilespmem:$0x1E000] =	vst v63  }
0xfe: {  	s7 =	simm.s32 @!p1 $0x7C00;
	_ =	swait.ge @!p1 [sflag:s16], $0x2800  }
0xff: {  	s15 =	simm.s32 @!p1 $0x50;
	s14 =	simm.s32 @!p1 $0x380;
	[sflag:s16] =	ssyncset.done @!p1 $0x0  }
0x100: {  	[sflag:s16] =	ssyncadd.s32 @!p1 $0xFFFFD800;
	s16 =	simm.s32 @!p1 $0x9  }
0x101: {  	[spmem:s29] =	stream.indirect.scatter.add.f32 @!p1 [tilespmem:s7], [sflag:$0x9], $0x80, s14, s15, $0xb8;
	[tilespmem:$0x1E000] =	vst v63  }
0x102: {  	_ =	swait.ge @!p1 [sflag:s16], $0x2800  }
0x103: {  	s7 =	simm.s32 @!p1 $0x7;
	[sflag:s16] =	ssyncset.done @!p1 $0x0  }
0x104: {  	[sflag:s16] =	ssyncadd.s32 @!p1 $0xFFFFD800  }
0x105: {  	_ =	swait.ge @!p1 [sflag:s7], $0x50  }
0x106: {  	[sflag:s7] =	ssyncset.done @!p1 $0x0  }
0x107: {  	s6 =	sadd.s32 $0x7, s6;
	[sflag:s7] =	ssyncadd.s32 @!p1 $0xFFFFFFB0  }
0x108: {  	p2 =	sge.u32 s6, s8;
	_ =	swait.ge @!p1 [sflag:s7], $0x50  }
.Ltmp1:
0x109: {  	s16 =	simm.s32 @!p1 $0x5400;
	[sflag:s7] =	ssyncset.done @!p1 $0x0;
	(pc) =	sbr.rel @p0 .LBB2_2-.Ltmp1, $4  }
0x10a: {  	s18 =	sadd.s32 @!p2 s3, s28;
	[sflag:s7] =	ssyncadd.s32 @!p1 $0xFFFFFFB0;
	s7 =	simm.s32 @!p2 $0x380  }
0x10b: {  	s6 =	simm.s32 @!p2 $0x180;
	s3 =	sadd.s32 @!p2 $0x46, s18;
	s14 =	simm.s32 @!p2 $0x0  }
0x10c: {  	[tilespmem:s16], [sflag:$0x3] =	stream.indirect.gather @!p1 [hbm4b:s2+s15], $0x80, s17, s15, $0xb8;
	[tilespmem:$0x1E000] =	vst v63  }
0x10d: {  	s15 =	sadd.s32 @!p2 $0x9C86, s18  }
.LBB2_3:
0x10e: {  	[tilespmem:s6], [sflag:$0x8] =	stream.linear.gather @!p2 [hbm4b:s3+s14], $0x50, $0x38;
	[tilespmem:$0x1E000] =	vst v63  }
0x10f: {  	_ = 	snop  }
0x110: {  	[tilespmem:s7], [sflag:$0x8] =	stream.linear.gather @!p2 [hbm4b:s15+s14], $0x50, $0x38;
	[tilespmem:$0x1E000] =	vst v63  }
0x111: {  	s0 =	rddreg [dreg:$0x8];
	s7 =	simm.s32 $0x0  }
0x112: {  	[tilespmem:s7], [sflag:$0x5] =	stream.linear.gather [hbm4b:s0+s7], $0x50, $0x38;
	[tilespmem:$0x1E000] =	vst v63  }
0x113: {  	s25 =	rddreg [dreg:$0x9]  }
0x114: {  	[tilespmem:s13], [sflag:$0x5] =	stream.linear.gather [hbm4b:s25+s7], $0x50, $0x38;
	[tilespmem:$0x1E000] =	vst v63  }
0x115: {  	s1 =	rddreg [dreg:$0xa]  }
0x116: {  	[tilespmem:s19], [sflag:$0x6] =	stream.linear.gather [hbm4b:s1+s7], $0x50, $0x38;
	[tilespmem:$0x1E000] =	vst v63  }
0x117: {  	s3 =	rddreg [dreg:$0xb]  }
0x118: {  	[tilespmem:s23], [sflag:$0x6] =	stream.linear.gather [hbm4b:s3+s7], $0x50, $0x38;
	[tilespmem:$0x1E000] =	vst v63  }
0x119: {  	s6 =	rddreg [dreg:$0x11]  }
0x11a: {  	[tilespmem:s24], [sflag:$0x7] =	stream.linear.gather [hbm4b:s6+s7], $0x50, $0x38;
	[tilespmem:$0x1E000] =	vst v63  }
0x11b: {  	s14 =	rddreg [dreg:$0x14]  }
0x11c: {  	[tilespmem:s26], [sflag:$0x7] =	stream.linear.gather [hbm4b:s14+s7], $0x50, $0x38;
	[tilespmem:$0x1E000] =	vst v63  }
0x11d: {  	s15 =	rddreg [dreg:$0x17];
	s1 =	simm.s32 $0x180  }
0x11e: {  	[tilespmem:s1], [sflag:$0x8] =	stream.linear.gather [hbm4b:s15+s7], $0x50, $0x38;
	[tilespmem:$0x1E000] =	vst v63  }
0x11f: {  	s16 =	rddreg [dreg:$0x1a];
	s17 =	simm.s32 $0x380;
	s18 =	simm.s32 $0x5  }
0x120: {  	[tilespmem:s17], [sflag:$0x8] =	stream.linear.gather [hbm4b:s16+s7], $0x50, $0x38;
	[tilespmem:$0x1E000] =	vst v63  }
0x121: {  	_ =	swait.ge [sflag:s18], $0x50  }
0x122: {  	[sflag:s18] =	ssyncset.done $0x0  }
0x123: {  	[sflag:s18] =	ssyncadd.s32 $0xFFFFFFB0  }
0x124: {  	_ =	swait.ge [sflag:s18], $0x50  }
0x125: {  	[sflag:s18] =	ssyncset.done $0x0  }
0x126: {  	s20 =	simm.s32 $0x6;
	[sflag:s18] =	ssyncadd.s32 $0xFFFFFFB0  }
0x127: {  	[tilespmem:s22], [sflag:$0x1] =	stream.indirect.gather [hbm4b:s4+s21], $0x80, s7, s21, $0xb8;
	[tilespmem:$0x1E000] =	vst v63  }
0x128: {  	_ =	swait.ge [sflag:s20], $0x50  }
0x129: {  	[sflag:s20] =	ssyncset.done $0x0  }
0x12a: {  	[sflag:s20] =	ssyncadd.s32 $0xFFFFFFB0  }
0x12b: {  	_ =	swait.ge [sflag:s20], $0x50  }
0x12c: {  	[sflag:s20] =	ssyncset.done $0x0  }
0x12d: {  	s25 =	simm.s32 $0x7;
	s23 =	simm.s32 $0x2C00;
	[sflag:s20] =	ssyncadd.s32 $0xFFFFFFB0  }
0x12e: {  	[tilespmem:s23], [sflag:$0x2] =	stream.indirect.gather [hbm4b:s4+s21], $0x80, s19, s21, $0xb8;
	[tilespmem:$0x1E000] =	vst v63  }
0x12f: {  	_ =	swait.ge [sflag:s25], $0x50  }
0x130: {  	[sflag:s25] =	ssyncset.done $0x0  }
0x131: {  	[sflag:s25] =	ssyncadd.s32 $0xFFFFFFB0  }
0x132: {  	_ =	swait.ge [sflag:s25], $0x50  }
0x133: {  	[sflag:s25] =	ssyncset.done $0x0  }
0x134: {  	s26 =	simm.s32 $0x5400;
	[sflag:s25] =	ssyncadd.s32 $0xFFFFFFB0  }
0x135: {  	[tilespmem:s26], [sflag:$0x3] =	stream.indirect.gather [hbm4b:s4+s21], $0x80, s24, s21, $0xb8;
	[tilespmem:$0x1E000] =	vst v63  }
0x136: {  	_ =	swait.ge [sflag:s10], $0x2800  }
0x137: {  	[sflag:s10] =	ssyncset.done $0x0  }
0x138: {  	[sflag:s10] =	ssyncadd.s32 $0xFFFFD800  }
0x139: {  	[spmem:s29] =	stream.indirect.scatter.add.f32 [tilespmem:s22], [sflag:$0x9], $0x80, s13, s21, $0xb8;
	[tilespmem:$0x1E000] =	vst v63  }
0x13a: {  	_ =	swait.ge [sflag:s12], $0x2800  }
0x13b: {  	p1 =	sle.u32 s11, $0x0;
	[sflag:s12] =	ssyncset.done $0x0  }
0x13c: {  	s0 =	simm.s32 @!p1 $0x8;
	[sflag:s12] =	ssyncadd.s32 $0xFFFFD800  }
0x13d: {  	_ =	swait.ge @!p1 [sflag:s0], $0x50  }
0x13e: {  	[sflag:s0] =	ssyncset.done @!p1 $0x0  }
0x13f: {  	[sflag:s0] =	ssyncadd.s32 @!p1 $0xFFFFFFB0  }
0x140: {  	p2 =	sle.u32 s8, $0x4;
	_ =	swait.ge @!p1 [sflag:s0], $0x50  }
0x141: {  	s3 =	simm.s32 @!p1 $0x7C00;
	s6 =	simm.s32 @!p1 $0x50;
	[sflag:s0] =	ssyncset.done @!p1 $0x0  }
0x142: {  	s1 =	simm.s32 @!p1 $0x180;
	[sflag:s0] =	ssyncadd.s32 @!p1 $0xFFFFFFB0;
	s0 =	simm.s32 @p2 $0x2  }
0x143: {  	[tilespmem:s3], [sflag:$0x4] =	stream.indirect.gather @!p1 [hbm4b:s4+s6], $0x80, s1, s6, $0xb8;
	[tilespmem:$0x1E000] =	vst v63  }
0x144: {  	_ =	swait.ge @p2 [sflag:s0], $0x2800  }
0x145: {  	s1 =	simm.s32 @p2 $0x2C00;
	s3 =	simm.s32 @p2 $0x50;
	[sflag:s0] =	ssyncset.done @p2 $0x0  }
0x146: {  	s6 =	simm.s32 @p2 $0x280;
	[sflag:s0] =	ssyncadd.s32 @p2 $0xFFFFD800;
	s0 =	simm.s32 @p2 $0x9  }
0x147: {  	[spmem:s29] =	stream.indirect.scatter.add.f32 @p2 [tilespmem:s1], [sflag:$0x9], $0x80, s6, s3, $0xb8;
	[tilespmem:$0x1E000] =	vst v63  }
0x148: {  	_ =	swait.ge @p2 [sflag:s0], $0x2800  }
0x149: {  	s1 =	sadd.s32 @!p2 $0x0, s30;
	[sflag:s0] =	ssyncset.done @p2 $0x0  }
0x14a: {  	s6 =	simm.s32 @!p2 $0x0;
	s3 =	sadd.s32 @!p2 $0x28, s1;
	[sflag:s0] =	ssyncadd.s32 @p2 $0xFFFFD800  }
0x14b: {  	[tilespmem:s6], [sflag:$0x5] =	stream.linear.gather @!p2 [hbm4b:s3+s6], $0x50, $0x38;
	[tilespmem:$0x1E000] =	vst v63  }
0x14c: {  	s0 =	sadd.s32 @!p2 $0x9C68, s1;
	s1 =	simm.s32 @!p2 $0x200;
	s3 =	simm.s32 @!p2 $0x2  }
0x14d: {  	[tilespmem:s1], [sflag:$0x5] =	stream.linear.gather @!p2 [hbm4b:s0+s6], $0x50, $0x38;
	[tilespmem:$0x1E000] =	vst v63  }
0x14e: {  	_ =	swait.ge @!p2 [sflag:s3], $0x2800  }
0x14f: {  	s14 =	simm.s32 @!p2 $0x280;
	s0 =	simm.s32 @!p2 $0x2C00;
	[sflag:s3] =	ssyncset.done @!p2 $0x0  }
0x150: {  	s1 =	simm.s32 @!p2 $0x50;
	[sflag:s3] =	ssyncadd.s32 @!p2 $0xFFFFD800;
	s3 =	simm.s32 @!p2 $0x9  }
0x151: {  	[spmem:s29] =	stream.indirect.scatter.add.f32 @!p2 [tilespmem:s0], [sflag:$0x9], $0x80, s14, s1, $0xb8;
	[tilespmem:$0x1E000] =	vst v63  }
0x152: {  	_ =	swait.ge @!p2 [sflag:s3], $0x2800  }
0x153: {  	[sflag:s3] =	ssyncset.done @!p2 $0x0  }
0x154: {  	s0 =	simm.s32 @!p2 $0x5;
	[sflag:s3] =	ssyncadd.s32 @!p2 $0xFFFFD800  }
0x155: {  	_ =	swait.ge @!p2 [sflag:s0], $0x50  }
0x156: {  	[sflag:s0] =	ssyncset.done @!p2 $0x0  }
0x157: {  	[sflag:s0] =	ssyncadd.s32 @!p2 $0xFFFFFFB0  }
0x158: {  	_ =	swait.ge @!p2 [sflag:s0], $0x50  }
0x159: {  	p0 =	sle.u32 s8, $0x5;
	[sflag:s0] =	ssyncset.done @!p2 $0x0  }
0x15a: {  	s3 =	simm.s32 @!p2 $0x400;
	[sflag:s0] =	ssyncadd.s32 @!p2 $0xFFFFFFB0;
	s0 =	simm.s32 @p0 $0x3  }
0x15b: {  	[tilespmem:s3], [sflag:$0x1] =	stream.indirect.gather @!p2 [hbm4b:s4+s1], $0x80, s6, s1, $0xb8;
	[tilespmem:$0x1E000] =	vst v63  }
0x15c: {  	_ =	swait.ge @p0 [sflag:s0], $0x2800  }
0x15d: {  	s14 =	simm.s32 @p0 $0x300;
	s1 =	simm.s32 @p0 $0x5400;
	[sflag:s0] =	ssyncset.done @p0 $0x0  }
0x15e: {  	s3 =	simm.s32 @p0 $0x50;
	s6 =	simm.s32 @p0 $0x9;
	[sflag:s0] =	ssyncadd.s32 @p0 $0xFFFFD800  }
0x15f: {  	[spmem:s29] =	stream.indirect.scatter.add.f32 @p0 [tilespmem:s1], [sflag:$0x9], $0x80, s14, s3, $0xb8;
	[tilespmem:$0x1E000] =	vst v63  }
0x160: {  	s0 =	sadd.s32 @!p0 $0x0, s30;
	_ =	swait.ge @p0 [sflag:s6], $0x2800  }
0x161: {  	s1 =	sadd.s32 @!p0 $0x32, s0;
	[sflag:s6] =	ssyncset.done @p0 $0x0  }
0x162: {  	s14 =	simm.s32 @!p0 $0x0;
	s3 =	simm.s32 @!p0 $0x80;
	[sflag:s6] =	ssyncadd.s32 @p0 $0xFFFFD800  }
0x163: {  	[tilespmem:s3], [sflag:$0x6] =	stream.linear.gather @!p0 [hbm4b:s1+s14], $0x50, $0x38;
	[tilespmem:$0x1E000] =	vst v63  }
0x164: {  	s0 =	sadd.s32 @!p0 $0x9C72, s0;
	s6 =	simm.s32 @!p0 $0x280;
	s1 =	simm.s32 @!p0 $0x3  }
0x165: {  	[tilespmem:s6], [sflag:$0x6] =	stream.linear.gather @!p0 [hbm4b:s0+s14], $0x50, $0x38;
	[tilespmem:$0x1E000] =	vst v63  }
0x166: {  	_ =	swait.ge @!p0 [sflag:s1], $0x2800  }
0x167: {  	s15 =	simm.s32 @!p0 $0x300;
	s6 =	simm.s32 @!p0 $0x5400;
	[sflag:s1] =	ssyncset.done @!p0 $0x0  }
0x168: {  	s0 =	simm.s32 @!p0 $0x50;
	s14 =	simm.s32 @!p0 $0x9;
	[sflag:s1] =	ssyncadd.s32 @!p0 $0xFFFFD800  }
0x169: {  	[spmem:s29] =	stream.indirect.scatter.add.f32 @!p0 [tilespmem:s6], [sflag:$0x9], $0x80, s15, s0, $0xb8;
	[tilespmem:$0x1E000] =	vst v63  }
0x16a: {  	_ =	swait.ge @!p0 [sflag:s14], $0x2800  }
0x16b: {  	[sflag:s14] =	ssyncset.done @!p0 $0x0  }
0x16c: {  	s1 =	simm.s32 @!p0 $0x6;
	[sflag:s14] =	ssyncadd.s32 @!p0 $0xFFFFD800  }
0x16d: {  	_ =	swait.ge @!p0 [sflag:s1], $0x50  }
0x16e: {  	[sflag:s1] =	ssyncset.done @!p0 $0x0  }
0x16f: {  	[sflag:s1] =	ssyncadd.s32 @!p0 $0xFFFFFFB0  }
0x170: {  	_ =	swait.ge @!p0 [sflag:s1], $0x50  }
0x171: {  	p2 =	sle.u32 s8, $0x6;
	[sflag:s1] =	ssyncset.done @!p0 $0x0  }
0x172: {  	s6 =	simm.s32 @p2 $0x4;
	s14 =	simm.s32 @!p0 $0x2C00;
	[sflag:s1] =	ssyncadd.s32 @!p0 $0xFFFFFFB0  }
0x173: {  	[tilespmem:s14], [sflag:$0x2] =	stream.indirect.gather @!p0 [hbm4b:s4+s0], $0x80, s3, s0, $0xb8;
	[tilespmem:$0x1E000] =	vst v63  }
0x174: {  	_ =	swait.ge @p2 [sflag:s6], $0x2800  }
0x175: {  	s15 =	simm.s32 @p2 $0x380;
	s0 =	simm.s32 @p2 $0x7C00;
	[sflag:s6] =	ssyncset.done @p2 $0x0  }
0x176: {  	s14 =	simm.s32 @p2 $0x50;
	s3 =	simm.s32 @p2 $0x9;
	[sflag:s6] =	ssyncadd.s32 @p2 $0xFFFFD800  }
0x177: {  	[spmem:s29] =	stream.indirect.scatter.add.f32 @p2 [tilespmem:s0], [sflag:$0x9], $0x80, s15, s14, $0xb8;
	[tilespmem:$0x1E000] =	vst v63  }
0x178: {  	_ =	swait.ge @p2 [sflag:s3], $0x2800  }
0x179: {  	s6 =	simm.s32 @!p2 $0x100;
	s0 =	sadd.s32 @!p2 $0x0, s30;
	[sflag:s3] =	ssyncset.done @p2 $0x0  }
0x17a: {  	s14 =	simm.s32 @!p2 $0x0;
	[sflag:s3] =	ssyncadd.s32 @p2 $0xFFFFD800;
	s3 =	sadd.s32 @!p2 $0x3C, s0  }
0x17b: {  	[tilespmem:s6], [sflag:$0x7] =	stream.linear.gather @!p2 [hbm4b:s3+s14], $0x50, $0x38;
	[tilespmem:$0x1E000] =	vst v63  }
0x17c: {  	s0 =	sadd.s32 @!p2 $0x9C7C, s0;
	s3 =	simm.s32 @!p2 $0x300  }
0x17d: {  	[tilespmem:s3], [sflag:$0x7] =	stream.linear.gather @!p2 [hbm4b:s0+s14], $0x50, $0x38;
	[tilespmem:$0x1E000] =	vst v63  }
0x17e: {  	s0 =	simm.s32 @!p2 $0x4  }
0x17f: {  	_ =	swait.ge @!p2 [sflag:s0], $0x2800  }
0x180: {  	s3 =	simm.s32 @!p2 $0x7C00;
	[sflag:s0] =	ssyncset.done @!p2 $0x0  }
0x181: {  	s14 =	simm.s32 @!p2 $0x380;
	[sflag:s0] =	ssyncadd.s32 @!p2 $0xFFFFD800;
	s0 =	simm.s32 @!p2 $0x50  }
0x182: {  	[spmem:s29] =	stream.indirect.scatter.add.f32 @!p2 [tilespmem:s3], [sflag:$0x9], $0x80, s14, s0, $0xb8;
	[tilespmem:$0x1E000] =	vst v63  }
0x183: {  	s3 =	simm.s32 @!p2 $0x9  }
0x184: {  	_ =	swait.ge @!p2 [sflag:s3], $0x2800  }
0x185: {  	[sflag:s3] =	ssyncset.done @!p2 $0x0  }
0x186: {  	s20 =	simm.s32 @!p2 $0x7;
	[sflag:s3] =	ssyncadd.s32 @!p2 $0xFFFFD800  }
0x187: {  	_ =	swait.ge @!p2 [sflag:s20], $0x50  }
0x188: {  	p3 =	sle.u32 s8, $0x7;
	p4 =	sne.s32 s9, $0x28;
	[sflag:s20] =	ssyncset.done @!p2 $0x0  }
0x189: {  	p6 =	por p3, p3;
	s17 =	simm.s32 @!p3 $0x380;
	[sflag:s20] =	ssyncadd.s32 @!p2 $0xFFFFFFB0  }
0x18a: {  	s19 =	simm.s32 @!p3 $0x180;
	s25 =	simm.s32 @!p3 $0x180;
	_ =	swait.ge @!p2 [sflag:s20], $0x50  }
.Ltmp2:
0x18b: {  	s26 =	simm.s32 $0x28;
	[sflag:s20] =	ssyncset.done @!p2 $0x0;
	(pc) =	sbr.rel @!p4 .LBB2_5-.Ltmp2, $4  }
0x18c: {  	s24 =	simm.s32 $0x4;
	s3 =	simm.s32 @!p2 $0x5400;
	[sflag:s20] =	ssyncadd.s32 @!p2 $0xFFFFFFB0  }
0x18d: {  	[tilespmem:s3], [sflag:$0x3] =	stream.indirect.gather @!p2 [hbm4b:s4+s0], $0x80, s6, s0, $0xb8;
	[tilespmem:$0x1E000] =	vst v63  }
0x18e: {  	s14 =	simm.s32 @!p3 $0x0;
	s0 =	sadd.s32 @!p3 $0x0, s30;
	s6 =	simm.s32 @!p3 $0x380  }
0x18f: {  	s3 =	simm.s32 @!p3 $0x0;
	s16 =	sadd.s32 @!p3 $0x46, s0;
	s0 =	sadd.s32 @!p3 $0x9C86, s0  }
.LBB2_4:
0x190: {  	[tilespmem:s19], [sflag:$0x8] =	stream.linear.gather @!p6 [hbm4b:s16+s14], $0x50, $0x38;
	[tilespmem:$0x1E000] =	vst v63  }
0x191: {  	s16 =	smov.u32 s26;
	s26 =	sadd.s32 $0x28, s26;
	s19 =	smov.u32 s24  }
0x192: {  	[tilespmem:s17], [sflag:$0x8] =	stream.linear.gather @!p6 [hbm4b:s0+s14], $0x50, $0x38;
	[tilespmem:$0x1E000] =	vst v63  }
0x193: {  	p4 =	sne.s32 s9, s26;
	_ =	swait.ge [sflag:s10], $0x2800  }
0x194: {  	[sflag:s10] =	ssyncset.done $0x0  }
0x195: {  	[sflag:s10] =	ssyncadd.s32 $0xFFFFD800  }
0x196: {  	[spmem:s29] =	stream.indirect.scatter.add.f32 [tilespmem:s22], [sflag:$0x9], $0x80, s13, s21, $0xb8;
	[tilespmem:$0x1E000] =	vst v63  }
0x197: {  	p6 =	sge.u32 s24, s11;
	_ =	swait.ge [sflag:s12], $0x2800  }
0x198: {  	s0 =	simm.s32 @!p6 $0x8;
	[sflag:s12] =	ssyncset.done $0x0  }
0x199: {  	[sflag:s12] =	ssyncadd.s32 $0xFFFFD800  }
0x19a: {  	_ =	swait.ge @!p6 [sflag:s0], $0x50  }
0x19b: {  	[sflag:s0] =	ssyncset.done @!p6 $0x0  }
0x19c: {  	s14 =	simm.s32 @!p6 $0x180;
	[sflag:s0] =	ssyncadd.s32 @!p6 $0xFFFFFFB0  }
0x19d: {  	s24 =	sadd.s32 $0x4, s24;
	s17 =	simm.s32 @!p6 $0x7C00;
	_ =	swait.ge @!p6 [sflag:s0], $0x50  }
0x19e: {  	s18 =	simm.s32 @!p6 $0x50;
	p5 =	sge.u32 s24, s8;
	[sflag:s0] =	ssyncset.done @!p6 $0x0  }
0x19f: {  	s23 =	sadd.s32 @!p5 s16, s30;
	[sflag:s0] =	ssyncadd.s32 @!p6 $0xFFFFFFB0;
	s0 =	simm.s32 @p5 $0x2  }
0x1a0: {  	[tilespmem:s17], [sflag:$0x4] =	stream.indirect.gather @!p6 [hbm4b:s4+s18], $0x80, s14, s18, $0xb8;
	[tilespmem:$0x1E000] =	vst v63  }
0x1a1: {  	s14 =	simm.s32 @p5 $0x2C00;
	s17 =	sadd.s32 @!p5 $0x28, s23;
	_ =	swait.ge @p5 [sflag:s0], $0x2800  }
0x1a2: {  	s15 =	simm.s32 @p5 $0x280;
	s18 =	simm.s32 @p5 $0x50;
	[sflag:s0] =	ssyncset.done @p5 $0x0  }
0x1a3: {  	s23 =	sadd.s32 @!p5 $0x9C68, s23;
	[sflag:s0] =	ssyncadd.s32 @p5 $0xFFFFD800;
	s0 =	simm.s32 @p5 $0x9  }
0x1a4: {  	[spmem:s29] =	stream.indirect.scatter.add.f32 @p5 [tilespmem:s14], [sflag:$0x9], $0x80, s15, s18, $0xb8;
	[tilespmem:$0x1E000] =	vst v63  }
0x1a5: {  	_ =	swait.ge @p5 [sflag:s0], $0x2800  }
0x1a6: {  	s14 =	simm.s32 @!p5 $0x0;
	[sflag:s0] =	ssyncset.done @p5 $0x0  }
0x1a7: {  	[sflag:s0] =	ssyncadd.s32 @p5 $0xFFFFD800;
	s0 =	simm.s32 @!p5 $0x200  }
0x1a8: {  	[tilespmem:s14], [sflag:$0x5] =	stream.linear.gather @!p5 [hbm4b:s17+s14], $0x50, $0x38;
	[tilespmem:$0x1E000] =	vst v63  }
0x1a9: {  	s15 =	simm.s32 @!p5 $0x2  }
0x1aa: {  	[tilespmem:s0], [sflag:$0x5] =	stream.linear.gather @!p5 [hbm4b:s23+s14], $0x50, $0x38;
	[tilespmem:$0x1E000] =	vst v63  }
0x1ab: {  	s0 =	simm.s32 @!p5 $0x2C00;
	_ =	swait.ge @!p5 [sflag:s15], $0x2800  }
0x1ac: {  	s18 =	simm.s32 @!p5 $0x280;
	s17 =	simm.s32 @!p5 $0x50;
	[sflag:s15] =	ssyncset.done @!p5 $0x0  }
0x1ad: {  	[sflag:s15] =	ssyncadd.s32 @!p5 $0xFFFFD800;
	s15 =	simm.s32 @!p5 $0x9  }
0x1ae: {  	[spmem:s29] =	stream.indirect.scatter.add.f32 @!p5 [tilespmem:s0], [sflag:$0x9], $0x80, s18, s17, $0xb8;
	[tilespmem:$0x1E000] =	vst v63  }
0x1af: {  	_ =	swait.ge @!p5 [sflag:s15], $0x2800  }
0x1b0: {  	s0 =	simm.s32 @!p5 $0x5;
	[sflag:s15] =	ssyncset.done @!p5 $0x0  }
0x1b1: {  	[sflag:s15] =	ssyncadd.s32 @!p5 $0xFFFFD800  }
0x1b2: {  	_ =	swait.ge @!p5 [sflag:s0], $0x50  }
0x1b3: {  	[sflag:s0] =	ssyncset.done @!p5 $0x0  }
0x1b4: {  	[sflag:s0] =	ssyncadd.s32 @!p5 $0xFFFFFFB0  }
0x1b5: {  	s15 =	sadd.s32 $0x5, s19;
	_ =	swait.ge @!p5 [sflag:s0], $0x50  }
0x1b6: {  	s18 =	simm.s32 @!p5 $0x400;
	p6 =	sge.u32 s15, s8;
	[sflag:s0] =	ssyncset.done @!p5 $0x0  }
0x1b7: {  	s15 =	sadd.s32 @!p6 s16, s30;
	[sflag:s0] =	ssyncadd.s32 @!p5 $0xFFFFFFB0;
	s0 =	simm.s32 @p6 $0x3  }
0x1b8: {  	[tilespmem:s18], [sflag:$0x1] =	stream.indirect.gather @!p5 [hbm4b:s4+s17], $0x80, s14, s17, $0xb8;
	[tilespmem:$0x1E000] =	vst v63  }
0x1b9: {  	s14 =	simm.s32 @p6 $0x5400;
	s17 =	sadd.s32 @!p6 $0x32, s15;
	_ =	swait.ge @p6 [sflag:s0], $0x2800  }
0x1ba: {  	s23 =	simm.s32 @p6 $0x300;
	s18 =	simm.s32 @p6 $0x50;
	[sflag:s0] =	ssyncset.done @p6 $0x0  }
0x1bb: {  	s15 =	sadd.s32 @!p6 $0x9C72, s15;
	[sflag:s0] =	ssyncadd.s32 @p6 $0xFFFFD800;
	s0 =	simm.s32 @p6 $0x9  }
0x1bc: {  	[spmem:s29] =	stream.indirect.scatter.add.f32 @p6 [tilespmem:s14], [sflag:$0x9], $0x80, s23, s18, $0xb8;
	[tilespmem:$0x1E000] =	vst v63  }
0x1bd: {  	_ =	swait.ge @p6 [sflag:s0], $0x2800  }
0x1be: {  	s14 =	simm.s32 @!p6 $0x0;
	s18 =	simm.s32 @!p6 $0x80;
	[sflag:s0] =	ssyncset.done @p6 $0x0  }
0x1bf: {  	[sflag:s0] =	ssyncadd.s32 @p6 $0xFFFFD800;
	s0 =	simm.s32 @!p6 $0x280  }
0x1c0: {  	[tilespmem:s18], [sflag:$0x6] =	stream.linear.gather @!p6 [hbm4b:s17+s14], $0x50, $0x38;
	[tilespmem:$0x1E000] =	vst v63  }
0x1c1: {  	s17 =	simm.s32 @!p6 $0x3  }
0x1c2: {  	[tilespmem:s0], [sflag:$0x6] =	stream.linear.gather @!p6 [hbm4b:s15+s14], $0x50, $0x38;
	[tilespmem:$0x1E000] =	vst v63  }
0x1c3: {  	s0 =	simm.s32 @!p6 $0x5400;
	_ =	swait.ge @!p6 [sflag:s17], $0x2800  }
0x1c4: {  	s14 =	simm.s32 @!p6 $0x50;
	s15 =	simm.s32 @!p6 $0x300;
	[sflag:s17] =	ssyncset.done @!p6 $0x0  }
0x1c5: {  	[sflag:s17] =	ssyncadd.s32 @!p6 $0xFFFFD800;
	s17 =	simm.s32 @!p6 $0x9  }
0x1c6: {  	[spmem:s29] =	stream.indirect.scatter.add.f32 @!p6 [tilespmem:s0], [sflag:$0x9], $0x80, s15, s14, $0xb8;
	[tilespmem:$0x1E000] =	vst v63  }
0x1c7: {  	_ =	swait.ge @!p6 [sflag:s17], $0x2800  }
0x1c8: {  	s0 =	simm.s32 @!p6 $0x6;
	[sflag:s17] =	ssyncset.done @!p6 $0x0  }
0x1c9: {  	[sflag:s17] =	ssyncadd.s32 @!p6 $0xFFFFD800  }
0x1ca: {  	_ =	swait.ge @!p6 [sflag:s0], $0x50  }
0x1cb: {  	[sflag:s0] =	ssyncset.done @!p6 $0x0  }
0x1cc: {  	[sflag:s0] =	ssyncadd.s32 @!p6 $0xFFFFFFB0  }
0x1cd: {  	s15 =	sadd.s32 $0x6, s19;
	_ =	swait.ge @!p6 [sflag:s0], $0x50  }
0x1ce: {  	p5 =	sge.u32 s15, s8;
	s17 =	simm.s32 @!p6 $0x2C00;
	[sflag:s0] =	ssyncset.done @!p6 $0x0  }
0x1cf: {  	s15 =	sadd.s32 @!p5 s16, s30;
	[sflag:s0] =	ssyncadd.s32 @!p6 $0xFFFFFFB0;
	s0 =	simm.s32 @p5 $0x4  }
0x1d0: {  	[tilespmem:s17], [sflag:$0x2] =	stream.indirect.gather @!p6 [hbm4b:s4+s14], $0x80, s18, s14, $0xb8;
	[tilespmem:$0x1E000] =	vst v63  }
0x1d1: {  	s14 =	simm.s32 @p5 $0x7C00;
	s17 =	sadd.s32 @!p5 $0x3C, s15;
	_ =	swait.ge @p5 [sflag:s0], $0x2800  }
0x1d2: {  	s23 =	simm.s32 @p5 $0x380;
	s18 =	simm.s32 @p5 $0x50;
	[sflag:s0] =	ssyncset.done @p5 $0x0  }
0x1d3: {  	s15 =	sadd.s32 @!p5 $0x9C7C, s15;
	[sflag:s0] =	ssyncadd.s32 @p5 $0xFFFFD800;
	s0 =	simm.s32 @p5 $0x9  }
0x1d4: {  	[spmem:s29] =	stream.indirect.scatter.add.f32 @p5 [tilespmem:s14], [sflag:$0x9], $0x80, s23, s18, $0xb8;
	[tilespmem:$0x1E000] =	vst v63  }
0x1d5: {  	_ =	swait.ge @p5 [sflag:s0], $0x2800  }
0x1d6: {  	s14 =	simm.s32 @!p5 $0x0;
	s18 =	simm.s32 @!p5 $0x100;
	[sflag:s0] =	ssyncset.done @p5 $0x0  }
0x1d7: {  	[sflag:s0] =	ssyncadd.s32 @p5 $0xFFFFD800;
	s0 =	simm.s32 @!p5 $0x300  }
0x1d8: {  	[tilespmem:s18], [sflag:$0x7] =	stream.linear.gather @!p5 [hbm4b:s17+s14], $0x50, $0x38;
	[tilespmem:$0x1E000] =	vst v63  }
0x1d9: {  	s17 =	simm.s32 @!p5 $0x4  }
0x1da: {  	[tilespmem:s0], [sflag:$0x7] =	stream.linear.gather @!p5 [hbm4b:s15+s14], $0x50, $0x38;
	[tilespmem:$0x1E000] =	vst v63  }
0x1db: {  	s0 =	simm.s32 @!p5 $0x7C00;
	_ =	swait.ge @!p5 [sflag:s17], $0x2800  }
0x1dc: {  	s15 =	simm.s32 @!p5 $0x50;
	s14 =	simm.s32 @!p5 $0x380;
	[sflag:s17] =	ssyncset.done @!p5 $0x0  }
0x1dd: {  	[sflag:s17] =	ssyncadd.s32 @!p5 $0xFFFFD800;
	s17 =	simm.s32 @!p5 $0x9  }
0x1de: {  	[spmem:s29] =	stream.indirect.scatter.add.f32 @!p5 [tilespmem:s0], [sflag:$0x9], $0x80, s14, s15, $0xb8;
	[tilespmem:$0x1E000] =	vst v63  }
0x1df: {  	_ =	swait.ge @!p5 [sflag:s17], $0x2800  }
0x1e0: {  	s0 =	simm.s32 @!p5 $0x7;
	[sflag:s17] =	ssyncset.done @!p5 $0x0  }
0x1e1: {  	[sflag:s17] =	ssyncadd.s32 @!p5 $0xFFFFD800  }
0x1e2: {  	_ =	swait.ge @!p5 [sflag:s0], $0x50  }
0x1e3: {  	[sflag:s0] =	ssyncset.done @!p5 $0x0  }
0x1e4: {  	[sflag:s0] =	ssyncadd.s32 @!p5 $0xFFFFFFB0  }
0x1e5: {  	s23 =	simm.s32 @!p5 $0x5400;
	s14 =	sadd.s32 $0x7, s19;
	_ =	swait.ge @!p5 [sflag:s0], $0x50  }
.Ltmp3:
0x1e6: {  	p6 =	sge.u32 s14, s8;
	[sflag:s0] =	ssyncset.done @!p5 $0x0;
	(pc) =	sbr.rel @p4 .LBB2_4-.Ltmp3, $4  }
0x1e7: {  	s17 =	simm.s32 @!p6 $0x380;
	[sflag:s0] =	ssyncadd.s32 @!p5 $0xFFFFFFB0;
	s0 =	sadd.s32 @!p6 s16, s30  }
0x1e8: {  	s14 =	simm.s32 @!p6 $0x0;
	s19 =	simm.s32 @!p6 $0x180;
	s16 =	sadd.s32 @!p6 $0x46, s0  }
0x1e9: {  	[tilespmem:s23], [sflag:$0x3] =	stream.indirect.gather @!p5 [hbm4b:s4+s15], $0x80, s18, s15, $0xb8;
	[tilespmem:$0x1E000] =	vst v63  }
0x1ea: {  	s0 =	sadd.s32 @!p6 $0x9C86, s0  }
.LBB2_5:
0x1eb: {  	[tilespmem:s19], [sflag:$0x8] =	stream.linear.gather @!p6 [hbm4b:s16+s14], $0x50, $0x38;
	[tilespmem:$0x1E000] =	vst v63  }
0x1ec: {  	_ = 	snop  }
0x1ed: {  	[tilespmem:s17], [sflag:$0x8] =	stream.linear.gather @!p6 [hbm4b:s0+s14], $0x50, $0x38;
	[tilespmem:$0x1E000] =	vst v63  }
0x1ee: {  	s18 =	rddreg [dreg:$0xc]  }
0x1ef: {  	[tilespmem:s7], [sflag:$0x5] =	stream.linear.gather [hbm4b:s18+s7], $0x50, $0x38;
	[tilespmem:$0x1E000] =	vst v63  }
0x1f0: {  	s19 =	rddreg [dreg:$0xd]  }
0x1f1: {  	[tilespmem:s13], [sflag:$0x5] =	stream.linear.gather [hbm4b:s19+s7], $0x50, $0x38;
	[tilespmem:$0x1E000] =	vst v63  }
0x1f2: {  	s23 =	rddreg [dreg:$0xe];
	s19 =	simm.s32 $0x80  }
0x1f3: {  	[tilespmem:s19], [sflag:$0x6] =	stream.linear.gather [hbm4b:s23+s7], $0x50, $0x38;
	[tilespmem:$0x1E000] =	vst v63  }
0x1f4: {  	s24 =	rddreg [dreg:$0xf];
	s23 =	simm.s32 $0x280  }
0x1f5: {  	[tilespmem:s23], [sflag:$0x6] =	stream.linear.gather [hbm4b:s24+s7], $0x50, $0x38;
	[tilespmem:$0x1E000] =	vst v63  }
0x1f6: {  	s26 =	rddreg [dreg:$0x12];
	s24 =	simm.s32 $0x100  }
0x1f7: {  	[tilespmem:s24], [sflag:$0x7] =	stream.linear.gather [hbm4b:s26+s7], $0x50, $0x38;
	[tilespmem:$0x1E000] =	vst v63  }
0x1f8: {  	s14 =	rddreg [dreg:$0x15];
	s26 =	simm.s32 $0x300  }
0x1f9: {  	[tilespmem:s26], [sflag:$0x7] =	stream.linear.gather [hbm4b:s14+s7], $0x50, $0x38;
	[tilespmem:$0x1E000] =	vst v63  }
0x1fa: {  	s15 =	rddreg [dreg:$0x18];
	s16 =	simm.s32 $0x180  }
0x1fb: {  	[tilespmem:s16], [sflag:$0x8] =	stream.linear.gather [hbm4b:s15+s7], $0x50, $0x38;
	[tilespmem:$0x1E000] =	vst v63  }
0x1fc: {  	s17 =	rddreg [dreg:$0x1b];
	s18 =	simm.s32 $0x380;
	s14 =	simm.s32 $0x5  }
0x1fd: {  	[tilespmem:s18], [sflag:$0x8] =	stream.linear.gather [hbm4b:s17+s7], $0x50, $0x38;
	[tilespmem:$0x1E000] =	vst v63  }
0x1fe: {  	_ =	swait.ge [sflag:s14], $0x50  }
0x1ff: {  	[sflag:s14] =	ssyncset.done $0x0  }
0x200: {  	[sflag:s14] =	ssyncadd.s32 $0xFFFFFFB0  }
0x201: {  	_ =	swait.ge [sflag:s14], $0x50  }
0x202: {  	[sflag:s14] =	ssyncset.done $0x0  }
0x203: {  	s15 =	simm.s32 $0x6;
	[sflag:s14] =	ssyncadd.s32 $0xFFFFFFB0  }
0x204: {  	[tilespmem:s22], [sflag:$0x1] =	stream.indirect.gather [hbm4b:s5+s21], $0x80, s7, s21, $0xb8;
	[tilespmem:$0x1E000] =	vst v63  }
0x205: {  	_ =	swait.ge [sflag:s15], $0x50  }
0x206: {  	[sflag:s15] =	ssyncset.done $0x0  }
0x207: {  	[sflag:s15] =	ssyncadd.s32 $0xFFFFFFB0  }
0x208: {  	_ =	swait.ge [sflag:s15], $0x50  }
0x209: {  	[sflag:s15] =	ssyncset.done $0x0  }
0x20a: {  	s16 =	simm.s32 $0x2C00;
	s17 =	simm.s32 $0x7;
	[sflag:s15] =	ssyncadd.s32 $0xFFFFFFB0  }
0x20b: {  	[tilespmem:s16], [sflag:$0x2] =	stream.indirect.gather [hbm4b:s5+s21], $0x80, s19, s21, $0xb8;
	[tilespmem:$0x1E000] =	vst v63  }
0x20c: {  	_ =	swait.ge [sflag:s17], $0x50  }
0x20d: {  	[sflag:s17] =	ssyncset.done $0x0  }
0x20e: {  	[sflag:s17] =	ssyncadd.s32 $0xFFFFFFB0  }
0x20f: {  	_ =	swait.ge [sflag:s17], $0x50  }
0x210: {  	[sflag:s17] =	ssyncset.done $0x0  }
0x211: {  	s18 =	simm.s32 $0x5400;
	[sflag:s17] =	ssyncadd.s32 $0xFFFFFFB0  }
0x212: {  	[tilespmem:s18], [sflag:$0x3] =	stream.indirect.gather [hbm4b:s5+s21], $0x80, s24, s21, $0xb8;
	[tilespmem:$0x1E000] =	vst v63  }
0x213: {  	_ =	swait.ge [sflag:s10], $0x2800  }
0x214: {  	[sflag:s10] =	ssyncset.done $0x0  }
0x215: {  	[sflag:s10] =	ssyncadd.s32 $0xFFFFD800  }
0x216: {  	[spmem:s29] =	stream.indirect.scatter.add.f32 [tilespmem:s22], [sflag:$0x9], $0x80, s13, s21, $0xb8;
	[tilespmem:$0x1E000] =	vst v63  }
0x217: {  	_ =	swait.ge [sflag:s12], $0x2800  }
0x218: {  	[sflag:s12] =	ssyncset.done $0x0  }
0x219: {  	s0 =	simm.s32 @!p1 $0x8;
	[sflag:s12] =	ssyncadd.s32 $0xFFFFD800  }
0x21a: {  	_ =	swait.ge @!p1 [sflag:s0], $0x50  }
0x21b: {  	[sflag:s0] =	ssyncset.done @!p1 $0x0  }
0x21c: {  	[sflag:s0] =	ssyncadd.s32 @!p1 $0xFFFFFFB0  }
0x21d: {  	_ =	swait.ge @!p1 [sflag:s0], $0x50  }
0x21e: {  	s14 =	simm.s32 @!p1 $0x50;
	[sflag:s0] =	ssyncset.done @!p1 $0x0  }
0x21f: {  	s7 =	simm.s32 @!p1 $0x7C00;
	[sflag:s0] =	ssyncadd.s32 @!p1 $0xFFFFFFB0;
	s0 =	simm.s32 @!p1 $0x180  }
0x220: {  	[tilespmem:s7], [sflag:$0x4] =	stream.indirect.gather @!p1 [hbm4b:s5+s14], $0x80, s0, s14, $0xb8;
	[tilespmem:$0x1E000] =	vst v63  }
0x221: {  	p1 =	sle.u32 s8, $0x4  }
0x222: {  	s0 =	simm.s32 @p1 $0x2  }
0x223: {  	_ =	swait.ge @p1 [sflag:s0], $0x2800  }
0x224: {  	s7 =	simm.s32 @p1 $0x50;
	[sflag:s0] =	ssyncset.done @p1 $0x0  }
0x225: {  	s14 =	simm.s32 @p1 $0x280;
	[sflag:s0] =	ssyncadd.s32 @p1 $0xFFFFD800;
	s0 =	simm.s32 @p1 $0x2C00  }
0x226: {  	[spmem:s29] =	stream.indirect.scatter.add.f32 @p1 [tilespmem:s0], [sflag:$0x9], $0x80, s14, s7, $0xb8;
	[tilespmem:$0x1E000] =	vst v63  }
0x227: {  	s0 =	simm.s32 @p1 $0x9  }
0x228: {  	_ =	swait.ge @p1 [sflag:s0], $0x2800  }
0x229: {  	s7 =	sadd.s32 @!p1 $0x0, s31;
	[sflag:s0] =	ssyncset.done @p1 $0x0  }
0x22a: {  	s14 =	simm.s32 @!p1 $0x0;
	[sflag:s0] =	ssyncadd.s32 @p1 $0xFFFFD800;
	s0 =	sadd.s32 @!p1 $0x28, s7  }
0x22b: {  	[tilespmem:s14], [sflag:$0x5] =	stream.linear.gather @!p1 [hbm4b:s0+s14], $0x50, $0x38;
	[tilespmem:$0x1E000] =	vst v63  }
0x22c: {  	s0 =	sadd.s32 @!p1 $0x9C68, s7;
	s7 =	simm.s32 @!p1 $0x200  }
0x22d: {  	[tilespmem:s7], [sflag:$0x5] =	stream.linear.gather @!p1 [hbm4b:s0+s14], $0x50, $0x38;
	[tilespmem:$0x1E000] =	vst v63  }
0x22e: {  	s0 =	simm.s32 @!p1 $0x2  }
0x22f: {  	_ =	swait.ge @!p1 [sflag:s0], $0x2800  }
0x230: {  	s15 =	simm.s32 @!p1 $0x280;
	[sflag:s0] =	ssyncset.done @!p1 $0x0  }
0x231: {  	s7 =	simm.s32 @!p1 $0x50;
	[sflag:s0] =	ssyncadd.s32 @!p1 $0xFFFFD800;
	s0 =	simm.s32 @!p1 $0x2C00  }
0x232: {  	[spmem:s29] =	stream.indirect.scatter.add.f32 @!p1 [tilespmem:s0], [sflag:$0x9], $0x80, s15, s7, $0xb8;
	[tilespmem:$0x1E000] =	vst v63  }
0x233: {  	s0 =	simm.s32 @!p1 $0x9  }
0x234: {  	_ =	swait.ge @!p1 [sflag:s0], $0x2800  }
0x235: {  	[sflag:s0] =	ssyncset.done @!p1 $0x0  }
0x236: {  	[sflag:s0] =	ssyncadd.s32 @!p1 $0xFFFFD800;
	s0 =	simm.s32 @!p1 $0x5  }
0x237: {  	_ =	swait.ge @!p1 [sflag:s0], $0x50  }
0x238: {  	[sflag:s0] =	ssyncset.done @!p1 $0x0  }
0x239: {  	[sflag:s0] =	ssyncadd.s32 @!p1 $0xFFFFFFB0  }
0x23a: {  	_ =	swait.ge @!p1 [sflag:s0], $0x50  }
0x23b: {  	[sflag:s0] =	ssyncset.done @!p1 $0x0  }
0x23c: {  	[sflag:s0] =	ssyncadd.s32 @!p1 $0xFFFFFFB0;
	s0 =	simm.s32 @!p1 $0x400  }
0x23d: {  	[tilespmem:s0], [sflag:$0x1] =	stream.indirect.gather @!p1 [hbm4b:s5+s7], $0x80, s14, s7, $0xb8;
	[tilespmem:$0x1E000] =	vst v63  }
0x23e: {  	s0 =	simm.s32 @p0 $0x3  }
0x23f: {  	_ =	swait.ge @p0 [sflag:s0], $0x2800  }
0x240: {  	s7 =	simm.s32 @p0 $0x50;
	[sflag:s0] =	ssyncset.done @p0 $0x0  }
0x241: {  	s14 =	simm.s32 @p0 $0x300;
	[sflag:s0] =	ssyncadd.s32 @p0 $0xFFFFD800;
	s0 =	simm.s32 @p0 $0x5400  }
0x242: {  	[spmem:s29] =	stream.indirect.scatter.add.f32 @p0 [tilespmem:s0], [sflag:$0x9], $0x80, s14, s7, $0xb8;
	[tilespmem:$0x1E000] =	vst v63  }
0x243: {  	s7 =	simm.s32 @p0 $0x9  }
0x244: {  	_ =	swait.ge @p0 [sflag:s7], $0x2800  }
0x245: {  	s15 =	simm.s32 @!p0 $0x0;
	s0 =	sadd.s32 @!p0 $0x0, s31;
	[sflag:s7] =	ssyncset.done @p0 $0x0  }
0x246: {  	s14 =	simm.s32 @!p0 $0x80;
	[sflag:s7] =	ssyncadd.s32 @p0 $0xFFFFD800;
	s7 =	sadd.s32 @!p0 $0x32, s0  }
0x247: {  	[tilespmem:s14], [sflag:$0x6] =	stream.linear.gather @!p0 [hbm4b:s7+s15], $0x50, $0x38;
	[tilespmem:$0x1E000] =	vst v63  }
0x248: {  	s0 =	sadd.s32 @!p0 $0x9C72, s0;
	s7 =	simm.s32 @!p0 $0x280  }
0x249: {  	[tilespmem:s7], [sflag:$0x6] =	stream.linear.gather @!p0 [hbm4b:s0+s15], $0x50, $0x38;
	[tilespmem:$0x1E000] =	vst v63  }
0x24a: {  	s0 =	simm.s32 @!p0 $0x3  }
0x24b: {  	_ =	swait.ge @!p0 [sflag:s0], $0x2800  }
0x24c: {  	s7 =	simm.s32 @!p0 $0x5400;
	[sflag:s0] =	ssyncset.done @!p0 $0x0  }
0x24d: {  	s15 =	simm.s32 @!p0 $0x300;
	[sflag:s0] =	ssyncadd.s32 @!p0 $0xFFFFD800;
	s0 =	simm.s32 @!p0 $0x50  }
0x24e: {  	[spmem:s29] =	stream.indirect.scatter.add.f32 @!p0 [tilespmem:s7], [sflag:$0x9], $0x80, s15, s0, $0xb8;
	[tilespmem:$0x1E000] =	vst v63  }
0x24f: {  	s7 =	simm.s32 @!p0 $0x9  }
0x250: {  	_ =	swait.ge @!p0 [sflag:s7], $0x2800  }
0x251: {  	[sflag:s7] =	ssyncset.done @!p0 $0x0  }
0x252: {  	[sflag:s7] =	ssyncadd.s32 @!p0 $0xFFFFD800  }
0x253: {  	_ =	swait.ge @!p0 [sflag:s1], $0x50  }
0x254: {  	[sflag:s1] =	ssyncset.done @!p0 $0x0  }
0x255: {  	[sflag:s1] =	ssyncadd.s32 @!p0 $0xFFFFFFB0  }
0x256: {  	_ =	swait.ge @!p0 [sflag:s1], $0x50  }
0x257: {  	[sflag:s1] =	ssyncset.done @!p0 $0x0  }
0x258: {  	[sflag:s1] =	ssyncadd.s32 @!p0 $0xFFFFFFB0;
	s1 =	simm.s32 @!p0 $0x2C00  }
0x259: {  	[tilespmem:s1], [sflag:$0x2] =	stream.indirect.gather @!p0 [hbm4b:s5+s0], $0x80, s14, s0, $0xb8;
	[tilespmem:$0x1E000] =	vst v63  }
0x25a: {  	s0 =	simm.s32 @p2 $0x4  }
0x25b: {  	_ =	swait.ge @p2 [sflag:s0], $0x2800  }
0x25c: {  	s7 =	simm.s32 @p2 $0x380;
	[sflag:s0] =	ssyncset.done @p2 $0x0  }
0x25d: {  	s1 =	simm.s32 @p2 $0x50;
	[sflag:s0] =	ssyncadd.s32 @p2 $0xFFFFD800;
	s0 =	simm.s32 @p2 $0x7C00  }
0x25e: {  	[spmem:s29] =	stream.indirect.scatter.add.f32 @p2 [tilespmem:s0], [sflag:$0x9], $0x80, s7, s1, $0xb8;
	[tilespmem:$0x1E000] =	vst v63  }
0x25f: {  	s1 =	simm.s32 @p2 $0x9  }
0x260: {  	_ =	swait.ge @p2 [sflag:s1], $0x2800  }
0x261: {  	s14 =	simm.s32 @!p2 $0x0;
	s0 =	sadd.s32 @!p2 $0x0, s31;
	[sflag:s1] =	ssyncset.done @p2 $0x0  }
0x262: {  	s7 =	simm.s32 @!p2 $0x100;
	[sflag:s1] =	ssyncadd.s32 @p2 $0xFFFFD800;
	s1 =	sadd.s32 @!p2 $0x3C, s0  }
0x263: {  	[tilespmem:s7], [sflag:$0x7] =	stream.linear.gather @!p2 [hbm4b:s1+s14], $0x50, $0x38;
	[tilespmem:$0x1E000] =	vst v63  }
0x264: {  	s0 =	sadd.s32 @!p2 $0x9C7C, s0;
	s1 =	simm.s32 @!p2 $0x300  }
0x265: {  	[tilespmem:s1], [sflag:$0x7] =	stream.linear.gather @!p2 [hbm4b:s0+s14], $0x50, $0x38;
	[tilespmem:$0x1E000] =	vst v63  }
0x266: {  	s0 =	simm.s32 @!p2 $0x4  }
0x267: {  	_ =	swait.ge @!p2 [sflag:s0], $0x2800  }
0x268: {  	s1 =	simm.s32 @!p2 $0x7C00;
	[sflag:s0] =	ssyncset.done @!p2 $0x0  }
0x269: {  	s14 =	simm.s32 @!p2 $0x380;
	[sflag:s0] =	ssyncadd.s32 @!p2 $0xFFFFD800;
	s0 =	simm.s32 @!p2 $0x50  }
0x26a: {  	[spmem:s29] =	stream.indirect.scatter.add.f32 @!p2 [tilespmem:s1], [sflag:$0x9], $0x80, s14, s0, $0xb8;
	[tilespmem:$0x1E000] =	vst v63  }
0x26b: {  	s1 =	simm.s32 @!p2 $0x9  }
0x26c: {  	_ =	swait.ge @!p2 [sflag:s1], $0x2800  }
0x26d: {  	[sflag:s1] =	ssyncset.done @!p2 $0x0  }
0x26e: {  	[sflag:s1] =	ssyncadd.s32 @!p2 $0xFFFFD800  }
0x26f: {  	_ =	swait.ge @!p2 [sflag:s20], $0x50  }
0x270: {  	[sflag:s20] =	ssyncset.done @!p2 $0x0  }
0x271: {  	p0 =	sne.s32 s9, $0x28;
	[sflag:s20] =	ssyncadd.s32 @!p2 $0xFFFFFFB0  }
.Ltmp4:
0x272: {  	_ =	swait.ge @!p2 [sflag:s20], $0x50;
	(pc) =	sbr.rel @!p0 .LBB2_7-.Ltmp4, $4  }
0x273: {  	s14 =	sadd.s32 @!p3 $0x0, s31;
	[sflag:s20] =	ssyncset.done @!p2 $0x0  }
0x274: {  	s15 =	sadd.s32 @!p3 $0x9C86, s14;
	s1 =	simm.s32 @!p2 $0x5400;
	[sflag:s20] =	ssyncadd.s32 @!p2 $0xFFFFFFB0  }
0x275: {  	[tilespmem:s1], [sflag:$0x3] =	stream.indirect.gather @!p2 [hbm4b:s5+s0], $0x80, s7, s0, $0xb8;
	[tilespmem:$0x1E000] =	vst v63  }
0x276: {  	s0 =	simm.s32 $0x28;
	s1 =	simm.s32 $0x4;
	s7 =	sadd.s32 @!p3 $0x46, s14  }
.LBB2_6:
0x277: {  	[tilespmem:s25], [sflag:$0x8] =	stream.linear.gather @!p3 [hbm4b:s7+s3], $0x50, $0x38;
	[tilespmem:$0x1E000] =	vst v63  }
0x278: {  	s7 =	smov.u32 s0;
	s0 =	sadd.s32 $0x28, s0;
	s14 =	smov.u32 s1  }
0x279: {  	[tilespmem:s6], [sflag:$0x8] =	stream.linear.gather @!p3 [hbm4b:s15+s3], $0x50, $0x38;
	[tilespmem:$0x1E000] =	vst v63  }
0x27a: {  	p0 =	sne.s32 s9, s0;
	_ =	swait.ge [sflag:s10], $0x2800  }
0x27b: {  	[sflag:s10] =	ssyncset.done $0x0  }
0x27c: {  	[sflag:s10] =	ssyncadd.s32 $0xFFFFD800  }
0x27d: {  	[spmem:s29] =	stream.indirect.scatter.add.f32 [tilespmem:s22], [sflag:$0x9], $0x80, s13, s21, $0xb8;
	[tilespmem:$0x1E000] =	vst v63  }
0x27e: {  	p2 =	sge.u32 s1, s11;
	_ =	swait.ge [sflag:s12], $0x2800  }
0x27f: {  	s3 =	simm.s32 @!p2 $0x8;
	[sflag:s12] =	ssyncset.done $0x0  }
0x280: {  	[sflag:s12] =	ssyncadd.s32 $0xFFFFD800  }
0x281: {  	_ =	swait.ge @!p2 [sflag:s3], $0x50  }
0x282: {  	[sflag:s3] =	ssyncset.done @!p2 $0x0  }
0x283: {  	s6 =	simm.s32 @!p2 $0x180;
	[sflag:s3] =	ssyncadd.s32 @!p2 $0xFFFFFFB0  }
0x284: {  	s1 =	sadd.s32 $0x4, s1;
	s15 =	simm.s32 @!p2 $0x7C00;
	_ =	swait.ge @!p2 [sflag:s3], $0x50  }
0x285: {  	s16 =	simm.s32 @!p2 $0x50;
	p1 =	sge.u32 s1, s8;
	[sflag:s3] =	ssyncset.done @!p2 $0x0  }
0x286: {  	s17 =	sadd.s32 @!p1 s7, s31;
	[sflag:s3] =	ssyncadd.s32 @!p2 $0xFFFFFFB0;
	s3 =	simm.s32 @p1 $0x2  }
0x287: {  	[tilespmem:s15], [sflag:$0x4] =	stream.indirect.gather @!p2 [hbm4b:s5+s16], $0x80, s6, s16, $0xb8;
	[tilespmem:$0x1E000] =	vst v63  }
0x288: {  	s6 =	simm.s32 @p1 $0x2C00;
	s15 =	sadd.s32 @!p1 $0x28, s17;
	_ =	swait.ge @p1 [sflag:s3], $0x2800  }
0x289: {  	s18 =	simm.s32 @p1 $0x280;
	s16 =	simm.s32 @p1 $0x50;
	[sflag:s3] =	ssyncset.done @p1 $0x0  }
0x28a: {  	s17 =	sadd.s32 @!p1 $0x9C68, s17;
	[sflag:s3] =	ssyncadd.s32 @p1 $0xFFFFD800;
	s3 =	simm.s32 @p1 $0x9  }
0x28b: {  	[spmem:s29] =	stream.indirect.scatter.add.f32 @p1 [tilespmem:s6], [sflag:$0x9], $0x80, s18, s16, $0xb8;
	[tilespmem:$0x1E000] =	vst v63  }
0x28c: {  	_ =	swait.ge @p1 [sflag:s3], $0x2800  }
0x28d: {  	s6 =	simm.s32 @!p1 $0x0;
	[sflag:s3] =	ssyncset.done @p1 $0x0  }
0x28e: {  	[sflag:s3] =	ssyncadd.s32 @p1 $0xFFFFD800;
	s3 =	simm.s32 @!p1 $0x200  }
0x28f: {  	[tilespmem:s6], [sflag:$0x5] =	stream.linear.gather @!p1 [hbm4b:s15+s6], $0x50, $0x38;
	[tilespmem:$0x1E000] =	vst v63  }
0x290: {  	s15 =	simm.s32 @!p1 $0x2  }
0x291: {  	[tilespmem:s3], [sflag:$0x5] =	stream.linear.gather @!p1 [hbm4b:s17+s6], $0x50, $0x38;
	[tilespmem:$0x1E000] =	vst v63  }
0x292: {  	s3 =	simm.s32 @!p1 $0x2C00;
	_ =	swait.ge @!p1 [sflag:s15], $0x2800  }
0x293: {  	s16 =	simm.s32 @!p1 $0x50;
	s17 =	simm.s32 @!p1 $0x280;
	[sflag:s15] =	ssyncset.done @!p1 $0x0  }
0x294: {  	[sflag:s15] =	ssyncadd.s32 @!p1 $0xFFFFD800;
	s15 =	simm.s32 @!p1 $0x9  }
0x295: {  	[spmem:s29] =	stream.indirect.scatter.add.f32 @!p1 [tilespmem:s3], [sflag:$0x9], $0x80, s17, s16, $0xb8;
	[tilespmem:$0x1E000] =	vst v63  }
0x296: {  	_ =	swait.ge @!p1 [sflag:s15], $0x2800  }
0x297: {  	s3 =	simm.s32 @!p1 $0x5;
	[sflag:s15] =	ssyncset.done @!p1 $0x0  }
0x298: {  	[sflag:s15] =	ssyncadd.s32 @!p1 $0xFFFFD800  }
0x299: {  	_ =	swait.ge @!p1 [sflag:s3], $0x50  }
0x29a: {  	[sflag:s3] =	ssyncset.done @!p1 $0x0  }
0x29b: {  	[sflag:s3] =	ssyncadd.s32 @!p1 $0xFFFFFFB0  }
0x29c: {  	s15 =	sadd.s32 $0x5, s14;
	_ =	swait.ge @!p1 [sflag:s3], $0x50  }
0x29d: {  	s17 =	simm.s32 @!p1 $0x400;
	p2 =	sge.u32 s15, s8;
	[sflag:s3] =	ssyncset.done @!p1 $0x0  }
0x29e: {  	s15 =	sadd.s32 @!p2 s7, s31;
	[sflag:s3] =	ssyncadd.s32 @!p1 $0xFFFFFFB0;
	s3 =	simm.s32 @p2 $0x3  }
0x29f: {  	[tilespmem:s17], [sflag:$0x1] =	stream.indirect.gather @!p1 [hbm4b:s5+s16], $0x80, s6, s16, $0xb8;
	[tilespmem:$0x1E000] =	vst v63  }
0x2a0: {  	s6 =	simm.s32 @p2 $0x5400;
	s16 =	sadd.s32 @!p2 $0x32, s15;
	_ =	swait.ge @p2 [sflag:s3], $0x2800  }
0x2a1: {  	s18 =	simm.s32 @p2 $0x300;
	s17 =	simm.s32 @p2 $0x50;
	[sflag:s3] =	ssyncset.done @p2 $0x0  }
0x2a2: {  	s15 =	sadd.s32 @!p2 $0x9C72, s15;
	[sflag:s3] =	ssyncadd.s32 @p2 $0xFFFFD800;
	s3 =	simm.s32 @p2 $0x9  }
0x2a3: {  	[spmem:s29] =	stream.indirect.scatter.add.f32 @p2 [tilespmem:s6], [sflag:$0x9], $0x80, s18, s17, $0xb8;
	[tilespmem:$0x1E000] =	vst v63  }
0x2a4: {  	_ =	swait.ge @p2 [sflag:s3], $0x2800  }
0x2a5: {  	s6 =	simm.s32 @!p2 $0x0;
	s17 =	simm.s32 @!p2 $0x80;
	[sflag:s3] =	ssyncset.done @p2 $0x0  }
0x2a6: {  	[sflag:s3] =	ssyncadd.s32 @p2 $0xFFFFD800;
	s3 =	simm.s32 @!p2 $0x280  }
0x2a7: {  	[tilespmem:s17], [sflag:$0x6] =	stream.linear.gather @!p2 [hbm4b:s16+s6], $0x50, $0x38;
	[tilespmem:$0x1E000] =	vst v63  }
0x2a8: {  	s16 =	simm.s32 @!p2 $0x3  }
0x2a9: {  	[tilespmem:s3], [sflag:$0x6] =	stream.linear.gather @!p2 [hbm4b:s15+s6], $0x50, $0x38;
	[tilespmem:$0x1E000] =	vst v63  }
0x2aa: {  	s3 =	simm.s32 @!p2 $0x5400;
	_ =	swait.ge @!p2 [sflag:s16], $0x2800  }
0x2ab: {  	s6 =	simm.s32 @!p2 $0x50;
	s15 =	simm.s32 @!p2 $0x300;
	[sflag:s16] =	ssyncset.done @!p2 $0x0  }
0x2ac: {  	[sflag:s16] =	ssyncadd.s32 @!p2 $0xFFFFD800;
	s16 =	simm.s32 @!p2 $0x9  }
0x2ad: {  	[spmem:s29] =	stream.indirect.scatter.add.f32 @!p2 [tilespmem:s3], [sflag:$0x9], $0x80, s15, s6, $0xb8;
	[tilespmem:$0x1E000] =	vst v63  }
0x2ae: {  	_ =	swait.ge @!p2 [sflag:s16], $0x2800  }
0x2af: {  	s3 =	simm.s32 @!p2 $0x6;
	[sflag:s16] =	ssyncset.done @!p2 $0x0  }
0x2b0: {  	[sflag:s16] =	ssyncadd.s32 @!p2 $0xFFFFD800  }
0x2b1: {  	_ =	swait.ge @!p2 [sflag:s3], $0x50  }
0x2b2: {  	[sflag:s3] =	ssyncset.done @!p2 $0x0  }
0x2b3: {  	[sflag:s3] =	ssyncadd.s32 @!p2 $0xFFFFFFB0  }
0x2b4: {  	s15 =	sadd.s32 $0x6, s14;
	_ =	swait.ge @!p2 [sflag:s3], $0x50  }
0x2b5: {  	p1 =	sge.u32 s15, s8;
	s16 =	simm.s32 @!p2 $0x2C00;
	[sflag:s3] =	ssyncset.done @!p2 $0x0  }
0x2b6: {  	s15 =	sadd.s32 @!p1 s7, s31;
	[sflag:s3] =	ssyncadd.s32 @!p2 $0xFFFFFFB0;
	s3 =	simm.s32 @p1 $0x4  }
0x2b7: {  	[tilespmem:s16], [sflag:$0x2] =	stream.indirect.gather @!p2 [hbm4b:s5+s6], $0x80, s17, s6, $0xb8;
	[tilespmem:$0x1E000] =	vst v63  }
0x2b8: {  	s6 =	simm.s32 @p1 $0x7C00;
	s16 =	sadd.s32 @!p1 $0x3C, s15;
	_ =	swait.ge @p1 [sflag:s3], $0x2800  }
0x2b9: {  	s18 =	simm.s32 @p1 $0x380;
	s17 =	simm.s32 @p1 $0x50;
	[sflag:s3] =	ssyncset.done @p1 $0x0  }
0x2ba: {  	s15 =	sadd.s32 @!p1 $0x9C7C, s15;
	[sflag:s3] =	ssyncadd.s32 @p1 $0xFFFFD800;
	s3 =	simm.s32 @p1 $0x9  }
0x2bb: {  	[spmem:s29] =	stream.indirect.scatter.add.f32 @p1 [tilespmem:s6], [sflag:$0x9], $0x80, s18, s17, $0xb8;
	[tilespmem:$0x1E000] =	vst v63  }
0x2bc: {  	_ =	swait.ge @p1 [sflag:s3], $0x2800  }
0x2bd: {  	s6 =	simm.s32 @!p1 $0x0;
	s17 =	simm.s32 @!p1 $0x100;
	[sflag:s3] =	ssyncset.done @p1 $0x0  }
0x2be: {  	[sflag:s3] =	ssyncadd.s32 @p1 $0xFFFFD800;
	s3 =	simm.s32 @!p1 $0x300  }
0x2bf: {  	[tilespmem:s17], [sflag:$0x7] =	stream.linear.gather @!p1 [hbm4b:s16+s6], $0x50, $0x38;
	[tilespmem:$0x1E000] =	vst v63  }
0x2c0: {  	s16 =	simm.s32 @!p1 $0x4  }
0x2c1: {  	[tilespmem:s3], [sflag:$0x7] =	stream.linear.gather @!p1 [hbm4b:s15+s6], $0x50, $0x38;
	[tilespmem:$0x1E000] =	vst v63  }
0x2c2: {  	s3 =	simm.s32 @!p1 $0x7C00;
	_ =	swait.ge @!p1 [sflag:s16], $0x2800  }
0x2c3: {  	s15 =	simm.s32 @!p1 $0x50;
	s6 =	simm.s32 @!p1 $0x380;
	[sflag:s16] =	ssyncset.done @!p1 $0x0  }
0x2c4: {  	[sflag:s16] =	ssyncadd.s32 @!p1 $0xFFFFD800;
	s16 =	simm.s32 @!p1 $0x9  }
0x2c5: {  	[spmem:s29] =	stream.indirect.scatter.add.f32 @!p1 [tilespmem:s3], [sflag:$0x9], $0x80, s6, s15, $0xb8;
	[tilespmem:$0x1E000] =	vst v63  }
0x2c6: {  	_ =	swait.ge @!p1 [sflag:s16], $0x2800  }
0x2c7: {  	s3 =	simm.s32 @!p1 $0x7;
	[sflag:s16] =	ssyncset.done @!p1 $0x0  }
0x2c8: {  	[sflag:s16] =	ssyncadd.s32 @!p1 $0xFFFFD800  }
0x2c9: {  	_ =	swait.ge @!p1 [sflag:s3], $0x50  }
0x2ca: {  	[sflag:s3] =	ssyncset.done @!p1 $0x0  }
0x2cb: {  	[sflag:s3] =	ssyncadd.s32 @!p1 $0xFFFFFFB0  }
0x2cc: {  	s6 =	sadd.s32 $0x7, s14;
	s14 =	simm.s32 @!p1 $0x5400;
	_ =	swait.ge @!p1 [sflag:s3], $0x50  }
.Ltmp5:
0x2cd: {  	p3 =	sge.u32 s6, s8;
	[sflag:s3] =	ssyncset.done @!p1 $0x0;
	(pc) =	sbr.rel @p0 .LBB2_6-.Ltmp5, $4  }
0x2ce: {  	s6 =	simm.s32 @!p3 $0x380;
	s16 =	sadd.s32 @!p3 s7, s31;
	[sflag:s3] =	ssyncadd.s32 @!p1 $0xFFFFFFB0  }
0x2cf: {  	s25 =	simm.s32 @!p3 $0x180;
	s7 =	sadd.s32 @!p3 $0x46, s16;
	s3 =	simm.s32 @!p3 $0x0  }
0x2d0: {  	[tilespmem:s14], [sflag:$0x3] =	stream.indirect.gather @!p1 [hbm4b:s5+s15], $0x80, s17, s15, $0xb8;
	[tilespmem:$0x1E000] =	vst v63  }
0x2d1: {  	s15 =	sadd.s32 @!p3 $0x9C86, s16  }
.LBB2_7:
0x2d2: {  	[tilespmem:s25], [sflag:$0x8] =	stream.linear.gather @!p3 [hbm4b:s7+s3], $0x50, $0x38;
	[tilespmem:$0x1E000] =	vst v63  }
0x2d3: {  	_ = 	snop  }
0x2d4: {  	[tilespmem:s6], [sflag:$0x8] =	stream.linear.gather @!p3 [hbm4b:s15+s3], $0x50, $0x38;
	[tilespmem:$0x1E000] =	vst v63  }
0x2d5: {  	[bflag:$0x0] =	sbarrier.arrive $0xFFFF  }
0x2d6: {  	s1 =	sld [smem:$0x7FC]  }
0x2d7: {  	s7 =	rddreg [dreg:$0x1d]  }
0x2d8: {  	s0 =	rddreg [dreg:$0x1f]  }
0x2d9: {  	[hbm:s0], [sflag:s7] =	dma.local [spmem:s1], $0x2780  }
0x2da: {  	_ =	swait.ge [sflag:s12], $0x2780  }
0x2db: {  	s20 =	sld [smem:$0x7FB]  }
0x2dc: {  	s25 =	sld [smem:$0x7FD];
	_ =	sdelay $0x1  }
0x2dd: {  	s1 =	sadd.s32 $0x1, s20  }
0x2de: {  	p0 =	sne.s32 s1, s25  }
.Ltmp6:
0x2df: {  	_ = 	snop;
	(pc) =	sbr.rel @p0 .LBB2_1-.Ltmp6, $3  }
0x2e0: {  	_ =	sdelay $0x1  }
0x2e1: {  	[sflag:s12] =	ssyncset.done $0x0  }
0x2e2: {  	[sflag:s12] =	ssyncadd.s32 $0xFFFFD880  }
0x2e3: {  	_ =	sfence.sel $0x180000  }
0x2e4: {  	[bflag:$0x0] =	sbarrier.arrive $0xFFFF  }
0x2e5: {  	_ =	strace $0x90000047  }
0x2e6: {  	s0 =	stileid.u32;
	[bflag:$0x2] =	sbarrier.arrive $0xFFFF  }
0x2e7: {  	p0 =	sne.s32 s0, $0x0;
	s0 =	rddreg [dreg:$0x3]  }
0x2e8: {  	s0 =	sadd.s32 @!p0 $0x100000, s0  }
0x2e9: {  	[sflag:s0] =	ssyncadd.tile.s32 @!p0 $0x1;
	_ =	shalt  }
.Lfunc_end2:
_tile_overlayer_lowered:
.L_overlay_start_2:
0x2ea: {  	(tag) =	ssettag $0x2  }
0x2eb: {  	s0 =	rddreg [dreg:$0x0];
	s2 =	stileid.u32  }
0x2ec: {  	s1 =	rddreg [dreg:$0x1];
	p0 =	sne.s32 s2, $0x0  }
0x2ed: {  	s3 =	rddreg [dreg:$0x2];
	[bflag:$0x3] =	sbarrier.arrive $0xFFFF;
	s2 =	simm.s32 @!p0 $0x1C09  }
0x2ee: {  	[timem:s3], [sflag:s2] =	dma.local @!p0 [hbm:s0], s1  }
0x2ef: {  	s0 =	simm.s32 @!p0 $0x9  }
0x2f0: {  	_ =	swait.ge @!p0 [sflag:s0], s1  }
0x2f1: {  	s1 =	ssub.s32 @!p0 $0x0, s1;
	[sflag:s0] =	ssyncset.done @!p0 $0x0  }
0x2f2: {  	[sflag:s0] =	ssyncadd.s32 @!p0 s1  }
0x2f3: {  	[bflag:$0x3] =	sbarrier.arrive $0xFFFF  }
0x2f4: {  	_ =	shalt  }

</sc_bundles>
